<compile_context>
chip_gen: v7x
topology: tpu7x:2x2x1
jax: 0.10.2.dev20260603
libtpu: 0.0.44.dev20260713+nightly
codegen_flags: <defaults>
</compile_context>

<pallas_src>
import functools

import jax
import jax.numpy as jnp
from jax import lax
from jax.experimental import pallas as pl
from jax.experimental.pallas import tpu as pltpu
from jax.experimental.pallas import tpu_sc as plsc

VOCAB = 30522
H = 768
BATCH = 4
L = 2048
EPS = 1e-12

CHUNKS = ((0, 512), (512, 512), (1024, 512), (1536, 512))
SC_CHUNKS = CHUNKS

NC = 2
NS = 16
NW = NC * NS
WIN = 8


def _sc_gather_body(tpw, nwin, ids_hbm, word_hbm, out_hbm, idx_v, *rest):
    bufs = rest[:nwin]
    sem_i = rest[nwin]
    gsems = rest[nwin + 1:2 * nwin + 1]
    osems = rest[2 * nwin + 1:]
    c = lax.axis_index("c")
    s = lax.axis_index("s")
    wid = s * NC + c
    base = wid * tpw

    pltpu.async_copy(ids_hbm.at[pl.ds(base, tpw)], idx_v, sem_i).wait()
    gs = [
        pltpu.async_copy(
            word_hbm.at[idx_v.at[pl.ds(k * WIN, WIN)]], bufs[k], gsems[k])
        for k in range(nwin)
    ]
    os = []
    for k in range(nwin):
        gs[k].wait()
        os.append(pltpu.async_copy(
            bufs[k], out_hbm.at[pl.ds(base + k * WIN, WIN)], osems[k]))
    for o in os:
        o.wait()


def _sc_gather(ids_chunk, word_embeddings):
    tok = ids_chunk.shape[0]
    tpw = tok // NW
    nwin = tpw // WIN
    fn = functools.partial(
        pl.kernel,
        mesh=plsc.VectorSubcoreMesh(core_axis_name="c", subcore_axis_name="s"),
        out_type=jax.ShapeDtypeStruct((tok, H), jnp.float32),
        scratch_types=(
            [pltpu.VMEM((tpw,), jnp.int32)]
            + [pltpu.VMEM((WIN, H), jnp.float32)] * nwin
            + [pltpu.SemaphoreType.DMA] * (2 * nwin + 1)),
    )(functools.partial(_sc_gather_body, tpw, nwin))
    return fn(ids_chunk, word_embeddings)


def _tc_ln_body(w_ref, p_ref, s_ref, prm_ref, o_ref, acc_ref=None):
    del acc_ref
    w = w_ref[...]
    p = p_ref[...]
    sg = s_ref[0].astype(jnp.float32)
    prm = prm_ref[...]
    g = prm[0:1, :]
    bb = prm[1:2, :]
    t0 = prm[2:3, :]
    td = prm[3:4, :] - t0
    e = w + p + t0 + sg * td
    mean = jnp.mean(e, axis=1, keepdims=True)
    cen = e - mean
    var = jnp.mean(cen * cen, axis=1, keepdims=True)
    o_ref[0] = cen * lax.rsqrt(var + EPS) * g + bb


def _tc_ln_body_acc(a_ref, w_ref, p_ref, s_ref, prm_ref, o_ref):
    _tc_ln_body(w_ref, p_ref, s_ref, prm_ref, o_ref, acc_ref=a_ref)


def _tc_ln(off, sz, first, acc, wrows, segf, pos, params):
    cb = off // sz
    grid = (BATCH,)
    nb = wrows.shape[0] // (BATCH * sz)
    par = (off // sz) % nb
    data_specs = [
        pl.BlockSpec((sz, H), lambda i, n=nb, p=par: (i * n + p, 0)),
        pl.BlockSpec((sz, H), lambda i, c=cb: (c, 0)),
        pl.BlockSpec((1, sz, 1), lambda i, c=cb: (i, c, 0)),
        pl.BlockSpec((4, H), lambda i: (0, 0)),
    ]
    out_spec = pl.BlockSpec((1, sz, H), lambda i, c=cb: (i, c, 0))
    out_shape = jax.ShapeDtypeStruct((BATCH, L, H), jnp.float32)
    if first:
        return pl.pallas_call(
            _tc_ln_body, grid=grid, in_specs=data_specs,
            out_specs=out_spec, out_shape=out_shape,
        )(wrows, pos, segf, params)
    return pl.pallas_call(
        _tc_ln_body_acc, grid=grid,
        in_specs=[pl.BlockSpec(memory_space=pl.ANY)] + data_specs,
        out_specs=out_spec, out_shape=out_shape,
        input_output_aliases={0: 0},
    )(acc, wrows, pos, segf, params)


@jax.jit
def _embed(input_ids, segment_ids, word_embeddings, position_embeddings,
           token_type_embeddings, ln_gamma, ln_beta):
    pos = position_embeddings[:L]
    params = jnp.concatenate(
        [ln_gamma.reshape(1, H), ln_beta.reshape(1, H),
         token_type_embeddings], axis=0)
    seg3 = segment_ids.reshape(BATCH, L, 1)
    gathered = [
        _sc_gather(input_ids[:, off:off + sz].reshape(BATCH * sz),
                   word_embeddings)
        for off, sz in SC_CHUNKS
    ]
    out = None
    for k, (off, sz) in enumerate(CHUNKS):
        g = gathered[k * len(SC_CHUNKS) // len(CHUNKS)]
        out = _tc_ln(off, sz, k == 0, out, g, seg3, pos, params)
    return out


def kernel(input_ids, segment_ids, word_embeddings, position_embeddings,
           token_type_embeddings, ln_gamma, ln_beta):
    return _embed(input_ids.astype(jnp.int32), segment_ids.astype(jnp.int32),
                  word_embeddings, position_embeddings, token_type_embeddings,
                  ln_gamma, ln_beta)

# --- scband reference (transcript-rebuilt; emitter-appended) ---
"""Pipeline reference for scband-xgen-text-embedding-83562883711049 (READ-ONLY COPY).

The authoritative reference and input builder live on the scoring server;
editing this copy changes nothing except your own understanding.
"""

import jax, jax.numpy as jnp
import numpy as np

VOCAB = 30522
HIDDEN = 768
MAX_POS = 2048
N_TYPES = 2
B = 4
L = 2048
EPS = 1e-12


def setup_inputs(seed: int = 0) -> dict:
    key = jax.random.key(seed)
    ks = jax.random.split(key, 5)
    input_ids = jax.random.randint(ks[0], (B, L), 0, VOCAB, dtype=jnp.int64 if jax.config.read('jax_enable_x64') else jnp.int32)
    segment_ids = jax.random.randint(ks[1], (B, L), 0, N_TYPES, dtype=jnp.int64 if jax.config.read('jax_enable_x64') else jnp.int32)
    word_embeddings = jax.random.normal(ks[2], (VOCAB, HIDDEN), dtype=jnp.float32) * 0.02
    position_embeddings = jax.random.normal(ks[3], (MAX_POS, HIDDEN), dtype=jnp.float32) * 0.02
    token_type_embeddings = jax.random.normal(ks[4], (N_TYPES, HIDDEN), dtype=jnp.float32) * 0.02
    ln_gamma = jnp.ones((HIDDEN,), dtype=jnp.float32)
    ln_beta = jnp.zeros((HIDDEN,), dtype=jnp.float32)
    return {
        'input_ids': input_ids,
        'segment_ids': segment_ids,
        'word_embeddings': word_embeddings,
        'position_embeddings': position_embeddings,
        'token_type_embeddings': token_type_embeddings,
        'ln_gamma': ln_gamma,
        'ln_beta': ln_beta,
    }


def reference(input_ids, segment_ids, word_embeddings, position_embeddings, token_type_embeddings, ln_gamma, ln_beta):
    # BERT-style embeddings: word + position + token_type, then LayerNorm (dropout is eval no-op)
    seq_len = input_ids.shape[1]
    w = jnp.take(word_embeddings, input_ids, axis=0)            # [B, L, H] gather
    p = position_embeddings[:seq_len][None, :, :]               # [1, L, H]
    t = jnp.take(token_type_embeddings, segment_ids, axis=0)    # [B, L, H] gather
    e = w + p + t
    mean = jnp.mean(e, axis=-1, keepdims=True)
    var = jnp.mean(jnp.square(e - mean), axis=-1, keepdims=True)
    out = (e - mean) / jnp.sqrt(var + EPS) * ln_gamma + ln_beta
    return out

if __name__ == "__main__":
    import jax
    _d = setup_inputs()
    print(jax.jit(kernel)(*tuple(_d.values())))

</pallas_src>

<mosaic_0001>
#map = affine_map<(d0, d1) -> (0)>
#map1 = affine_map<(d0, d1) -> (0, 0)>
module attributes {stable_mosaic.version = 14 : i64} {
  func.func @_sc_gather_body(%arg0: i32, %arg1: i32, %arg2: memref<2048xi32, #tpu.memory_space<hbm>>, %arg3: memref<30522x768xf32, #tpu.memory_space<hbm>>, %arg4: memref<2048x768xf32, #tpu.memory_space<hbm>>, %arg5: memref<64xi32, #tpu.memory_space<vmem>>, %arg6: memref<8x768xf32, #tpu.memory_space<vmem>>, %arg7: memref<8x768xf32, #tpu.memory_space<vmem>>, %arg8: memref<8x768xf32, #tpu.memory_space<vmem>>, %arg9: memref<8x768xf32, #tpu.memory_space<vmem>>, %arg10: memref<8x768xf32, #tpu.memory_space<vmem>>, %arg11: memref<8x768xf32, #tpu.memory_space<vmem>>, %arg12: memref<8x768xf32, #tpu.memory_space<vmem>>, %arg13: memref<8x768xf32, #tpu.memory_space<vmem>>, %arg14: memref<!tpu.dma_semaphore, #tpu.memory_space<semaphore_mem>>, %arg15: memref<!tpu.dma_semaphore, #tpu.memory_space<semaphore_mem>>, %arg16: memref<!tpu.dma_semaphore, #tpu.memory_space<semaphore_mem>>, %arg17: memref<!tpu.dma_semaphore, #tpu.memory_space<semaphore_mem>>, %arg18: memref<!tpu.dma_semaphore, #tpu.memory_space<semaphore_mem>>, %arg19: memref<!tpu.dma_semaphore, #tpu.memory_space<semaphore_mem>>, %arg20: memref<!tpu.dma_semaphore, #tpu.memory_space<semaphore_mem>>, %arg21: memref<!tpu.dma_semaphore, #tpu.memory_space<semaphore_mem>>, %arg22: memref<!tpu.dma_semaphore, #tpu.memory_space<semaphore_mem>>, %arg23: memref<!tpu.dma_semaphore, #tpu.memory_space<semaphore_mem>>, %arg24: memref<!tpu.dma_semaphore, #tpu.memory_space<semaphore_mem>>, %arg25: memref<!tpu.dma_semaphore, #tpu.memory_space<semaphore_mem>>, %arg26: memref<!tpu.dma_semaphore, #tpu.memory_space<semaphore_mem>>, %arg27: memref<!tpu.dma_semaphore, #tpu.memory_space<semaphore_mem>>, %arg28: memref<!tpu.dma_semaphore, #tpu.memory_space<semaphore_mem>>, %arg29: memref<!tpu.dma_semaphore, #tpu.memory_space<semaphore_mem>>, %arg30: memref<!tpu.dma_semaphore, #tpu.memory_space<semaphore_mem>>) attributes {dimension_semantics = [#tpu.dimension_semantics<core_parallel>, #tpu.dimension_semantics<subcore_parallel>], iteration_bounds = array<i64: 2, 16>, scalar_prefetch = 0 : i64, scratch_operands = 26 : i64, tpu.core_type = #tpu.core_type<sc_vector_subcore>, window_params = [{transform_indices = #map}, {transform_indices = #map1}, {transform_indices = #map1}]} {
    %mul3A = arith.constant 2 : i32
    %mul3A_0 = arith.muli %arg1, %mul3A : i32
    %add3A = arith.addi %mul3A_0, %arg0 : i32
    %mul3A_1 = arith.constant 64 : i32
    %mul3A_2 = arith.muli %add3A, %mul3A_1 : i32
    %dma_start3A = tpu.memref_slice %arg2[%mul3A_2] : memref<2048xi32, #tpu.memory_space<hbm>> -> memref<64xi32, #tpu.memory_space<hbm>>
    %dma_start3A_3 = tpu.memref_slice %arg2[%mul3A_2] : memref<2048xi32, #tpu.memory_space<hbm>> -> memref<64xi32, #tpu.memory_space<hbm>>
    tpu.enqueue_dma source(%dma_start3A_3 : memref<64xi32, #tpu.memory_space<hbm>>) target(%arg5 : memref<64xi32, #tpu.memory_space<vmem>>) target_semaphore(%arg14 : memref<!tpu.dma_semaphore, #tpu.memory_space<semaphore_mem>>)
    %dma_wait3A = tpu.memref_slice %arg2[%mul3A_2] : memref<2048xi32, #tpu.memory_space<hbm>> -> memref<64xi32, #tpu.memory_space<hbm>>
    %dma_wait3A_4 = tpu.memref_slice %arg2[%mul3A_2] : memref<2048xi32, #tpu.memory_space<hbm>> -> memref<64xi32, #tpu.memory_space<hbm>>
    tpu.wait_dma2 semaphore(%arg14 : memref<!tpu.dma_semaphore, #tpu.memory_space<semaphore_mem>>) src(%dma_wait3A_4 : memref<64xi32, #tpu.memory_space<hbm>>) dst(%arg5 : memref<64xi32, #tpu.memory_space<vmem>>)
    %dma_start3A_5 = arith.constant 0 : i32
    %dma_start3A_6 = tpu.memref_slice %arg5[%dma_start3A_5] : memref<64xi32, #tpu.memory_space<vmem>> -> memref<8xi32, #tpu.memory_space<vmem>>
    %dma_start3A_7 = arith.constant 0 : i32
    %dma_start3A_8 = arith.constant 0 : i32
    %dma_start3A_9 = tpu.memref_slice %arg3[%dma_start3A_7, %dma_start3A_8] : memref<30522x768xf32, #tpu.memory_space<hbm>> -> memref<30522x768xf32, #tpu.memory_space<hbm>>
    tpu.enqueue_indirect_dma source(%dma_start3A_9 : memref<30522x768xf32, #tpu.memory_space<hbm>>) target(%arg6 : memref<8x768xf32, #tpu.memory_space<vmem>>) offsets(%dma_start3A_6 : memref<8xi32, #tpu.memory_space<vmem>>) semaphore(%arg15 : memref<!tpu.dma_semaphore, #tpu.memory_space<semaphore_mem>>)
    %dma_start3A_10 = arith.constant 8 : i32
    %dma_start3A_11 = tpu.memref_slice %arg5[%dma_start3A_10] : memref<64xi32, #tpu.memory_space<vmem>> -> memref<8xi32, #tpu.memory_space<vmem>>
    %dma_start3A_12 = arith.constant 0 : i32
    %dma_start3A_13 = arith.constant 0 : i32
    %dma_start3A_14 = tpu.memref_slice %arg3[%dma_start3A_12, %dma_start3A_13] : memref<30522x768xf32, #tpu.memory_space<hbm>> -> memref<30522x768xf32, #tpu.memory_space<hbm>>
    tpu.enqueue_indirect_dma source(%dma_start3A_14 : memref<30522x768xf32, #tpu.memory_space<hbm>>) target(%arg7 : memref<8x768xf32, #tpu.memory_space<vmem>>) offsets(%dma_start3A_11 : memref<8xi32, #tpu.memory_space<vmem>>) semaphore(%arg16 : memref<!tpu.dma_semaphore, #tpu.memory_space<semaphore_mem>>)
    %dma_start3A_15 = arith.constant 16 : i32
    %dma_start3A_16 = tpu.memref_slice %arg5[%dma_start3A_15] : memref<64xi32, #tpu.memory_space<vmem>> -> memref<8xi32, #tpu.memory_space<vmem>>
    %dma_start3A_17 = arith.constant 0 : i32
    %dma_start3A_18 = arith.constant 0 : i32
    %dma_start3A_19 = tpu.memref_slice %arg3[%dma_start3A_17, %dma_start3A_18] : memref<30522x768xf32, #tpu.memory_space<hbm>> -> memref<30522x768xf32, #tpu.memory_space<hbm>>
    tpu.enqueue_indirect_dma source(%dma_start3A_19 : memref<30522x768xf32, #tpu.memory_space<hbm>>) target(%arg8 : memref<8x768xf32, #tpu.memory_space<vmem>>) offsets(%dma_start3A_16 : memref<8xi32, #tpu.memory_space<vmem>>) semaphore(%arg17 : memref<!tpu.dma_semaphore, #tpu.memory_space<semaphore_mem>>)
    %dma_start3A_20 = arith.constant 24 : i32
    %dma_start3A_21 = tpu.memref_slice %arg5[%dma_start3A_20] : memref<64xi32, #tpu.memory_space<vmem>> -> memref<8xi32, #tpu.memory_space<vmem>>
    %dma_start3A_22 = arith.constant 0 : i32
    %dma_start3A_23 = arith.constant 0 : i32
    %dma_start3A_24 = tpu.memref_slice %arg3[%dma_start3A_22, %dma_start3A_23] : memref<30522x768xf32, #tpu.memory_space<hbm>> -> memref<30522x768xf32, #tpu.memory_space<hbm>>
    tpu.enqueue_indirect_dma source(%dma_start3A_24 : memref<30522x768xf32, #tpu.memory_space<hbm>>) target(%arg9 : memref<8x768xf32, #tpu.memory_space<vmem>>) offsets(%dma_start3A_21 : memref<8xi32, #tpu.memory_space<vmem>>) semaphore(%arg18 : memref<!tpu.dma_semaphore, #tpu.memory_space<semaphore_mem>>)
    %dma_start3A_25 = arith.constant 32 : i32
    %dma_start3A_26 = tpu.memref_slice %arg5[%dma_start3A_25] : memref<64xi32, #tpu.memory_space<vmem>> -> memref<8xi32, #tpu.memory_space<vmem>>
    %dma_start3A_27 = arith.constant 0 : i32
    %dma_start3A_28 = arith.constant 0 : i32
    %dma_start3A_29 = tpu.memref_slice %arg3[%dma_start3A_27, %dma_start3A_28] : memref<30522x768xf32, #tpu.memory_space<hbm>> -> memref<30522x768xf32, #tpu.memory_space<hbm>>
    tpu.enqueue_indirect_dma source(%dma_start3A_29 : memref<30522x768xf32, #tpu.memory_space<hbm>>) target(%arg10 : memref<8x768xf32, #tpu.memory_space<vmem>>) offsets(%dma_start3A_26 : memref<8xi32, #tpu.memory_space<vmem>>) semaphore(%arg19 : memref<!tpu.dma_semaphore, #tpu.memory_space<semaphore_mem>>)
    %dma_start3A_30 = arith.constant 40 : i32
    %dma_start3A_31 = tpu.memref_slice %arg5[%dma_start3A_30] : memref<64xi32, #tpu.memory_space<vmem>> -> memref<8xi32, #tpu.memory_space<vmem>>
    %dma_start3A_32 = arith.constant 0 : i32
    %dma_start3A_33 = arith.constant 0 : i32
    %dma_start3A_34 = tpu.memref_slice %arg3[%dma_start3A_32, %dma_start3A_33] : memref<30522x768xf32, #tpu.memory_space<hbm>> -> memref<30522x768xf32, #tpu.memory_space<hbm>>
    tpu.enqueue_indirect_dma source(%dma_start3A_34 : memref<30522x768xf32, #tpu.memory_space<hbm>>) target(%arg11 : memref<8x768xf32, #tpu.memory_space<vmem>>) offsets(%dma_start3A_31 : memref<8xi32, #tpu.memory_space<vmem>>) semaphore(%arg20 : memref<!tpu.dma_semaphore, #tpu.memory_space<semaphore_mem>>)
    %dma_start3A_35 = arith.constant 48 : i32
    %dma_start3A_36 = tpu.memref_slice %arg5[%dma_start3A_35] : memref<64xi32, #tpu.memory_space<vmem>> -> memref<8xi32, #tpu.memory_space<vmem>>
    %dma_start3A_37 = arith.constant 0 : i32
    %dma_start3A_38 = arith.constant 0 : i32
    %dma_start3A_39 = tpu.memref_slice %arg3[%dma_start3A_37, %dma_start3A_38] : memref<30522x768xf32, #tpu.memory_space<hbm>> -> memref<30522x768xf32, #tpu.memory_space<hbm>>
    tpu.enqueue_indirect_dma source(%dma_start3A_39 : memref<30522x768xf32, #tpu.memory_space<hbm>>) target(%arg12 : memref<8x768xf32, #tpu.memory_space<vmem>>) offsets(%dma_start3A_36 : memref<8xi32, #tpu.memory_space<vmem>>) semaphore(%arg21 : memref<!tpu.dma_semaphore, #tpu.memory_space<semaphore_mem>>)
    %dma_start3A_40 = arith.constant 56 : i32
    %dma_start3A_41 = tpu.memref_slice %arg5[%dma_start3A_40] : memref<64xi32, #tpu.memory_space<vmem>> -> memref<8xi32, #tpu.memory_space<vmem>>
    %dma_start3A_42 = arith.constant 0 : i32
    %dma_start3A_43 = arith.constant 0 : i32
    %dma_start3A_44 = tpu.memref_slice %arg3[%dma_start3A_42, %dma_start3A_43] : memref<30522x768xf32, #tpu.memory_space<hbm>> -> memref<30522x768xf32, #tpu.memory_space<hbm>>
    tpu.enqueue_indirect_dma source(%dma_start3A_44 : memref<30522x768xf32, #tpu.memory_space<hbm>>) target(%arg13 : memref<8x768xf32, #tpu.memory_space<vmem>>) offsets(%dma_start3A_41 : memref<8xi32, #tpu.memory_space<vmem>>) semaphore(%arg22 : memref<!tpu.dma_semaphore, #tpu.memory_space<semaphore_mem>>)
    %dma_wait3A_45 = arith.constant 0 : i32
    %dma_wait3A_46 = tpu.memref_slice %arg5[%dma_wait3A_45] : memref<64xi32, #tpu.memory_space<vmem>> -> memref<8xi32, #tpu.memory_space<vmem>>
    %dma_wait3A_47 = arith.constant 0 : i32
    %dma_wait3A_48 = arith.constant 0 : i32
    %dma_wait3A_49 = tpu.memref_slice %arg3[%dma_wait3A_47, %dma_wait3A_48] : memref<30522x768xf32, #tpu.memory_space<hbm>> -> memref<30522x768xf32, #tpu.memory_space<hbm>>
    tpu.wait_indirect_dma semaphore(%arg15 : memref<!tpu.dma_semaphore, #tpu.memory_space<semaphore_mem>>) src(%dma_wait3A_49 : memref<30522x768xf32, #tpu.memory_space<hbm>>) dst(%arg6 : memref<8x768xf32, #tpu.memory_space<vmem>>)
    %add3A_50 = arith.constant 0 : i32
    %add3A_51 = arith.addi %mul3A_2, %add3A_50 : i32
    %dma_start3A_52 = arith.constant 0 : i32
    %dma_start3A_53 = tpu.memref_slice %arg4[%add3A_51, %dma_start3A_52] : memref<2048x768xf32, #tpu.memory_space<hbm>> -> memref<8x768xf32, #tpu.memory_space<hbm>>
    %dma_start3A_54 = arith.constant 0 : i32
    %dma_start3A_55 = tpu.memref_slice %arg4[%add3A_51, %dma_start3A_54] : memref<2048x768xf32, #tpu.memory_space<hbm>> -> memref<8x768xf32, #tpu.memory_space<hbm>>
    tpu.enqueue_dma source(%arg6 : memref<8x768xf32, #tpu.memory_space<vmem>>) target(%dma_start3A_55 : memref<8x768xf32, #tpu.memory_space<hbm>>) target_semaphore(%arg23 : memref<!tpu.dma_semaphore, #tpu.memory_space<semaphore_mem>>)
    %dma_wait3A_56 = arith.constant 8 : i32
    %dma_wait3A_57 = tpu.memref_slice %arg5[%dma_wait3A_56] : memref<64xi32, #tpu.memory_space<vmem>> -> memref<8xi32, #tpu.memory_space<vmem>>
    %dma_wait3A_58 = arith.constant 0 : i32
    %dma_wait3A_59 = arith.constant 0 : i32
    %dma_wait3A_60 = tpu.memref_slice %arg3[%dma_wait3A_58, %dma_wait3A_59] : memref<30522x768xf32, #tpu.memory_space<hbm>> -> memref<30522x768xf32, #tpu.memory_space<hbm>>
    tpu.wait_indirect_dma semaphore(%arg16 : memref<!tpu.dma_semaphore, #tpu.memory_space<semaphore_mem>>) src(%dma_wait3A_60 : memref<30522x768xf32, #tpu.memory_space<hbm>>) dst(%arg7 : memref<8x768xf32, #tpu.memory_space<vmem>>)
    %add3A_61 = arith.constant 8 : i32
    %add3A_62 = arith.addi %mul3A_2, %add3A_61 : i32
    %dma_start3A_63 = arith.constant 0 : i32
    %dma_start3A_64 = tpu.memref_slice %arg4[%add3A_62, %dma_start3A_63] : memref<2048x768xf32, #tpu.memory_space<hbm>> -> memref<8x768xf32, #tpu.memory_space<hbm>>
    %dma_start3A_65 = arith.constant 0 : i32
    %dma_start3A_66 = tpu.memref_slice %arg4[%add3A_62, %dma_start3A_65] : memref<2048x768xf32, #tpu.memory_space<hbm>> -> memref<8x768xf32, #tpu.memory_space<hbm>>
    tpu.enqueue_dma source(%arg7 : memref<8x768xf32, #tpu.memory_space<vmem>>) target(%dma_start3A_66 : memref<8x768xf32, #tpu.memory_space<hbm>>) target_semaphore(%arg24 : memref<!tpu.dma_semaphore, #tpu.memory_space<semaphore_mem>>)
    %dma_wait3A_67 = arith.constant 16 : i32
    %dma_wait3A_68 = tpu.memref_slice %arg5[%dma_wait3A_67] : memref<64xi32, #tpu.memory_space<vmem>> -> memref<8xi32, #tpu.memory_space<vmem>>
    %dma_wait3A_69 = arith.constant 0 : i32
    %dma_wait3A_70 = arith.constant 0 : i32
    %dma_wait3A_71 = tpu.memref_slice %arg3[%dma_wait3A_69, %dma_wait3A_70] : memref<30522x768xf32, #tpu.memory_space<hbm>> -> memref<30522x768xf32, #tpu.memory_space<hbm>>
    tpu.wait_indirect_dma semaphore(%arg17 : memref<!tpu.dma_semaphore, #tpu.memory_space<semaphore_mem>>) src(%dma_wait3A_71 : memref<30522x768xf32, #tpu.memory_space<hbm>>) dst(%arg8 : memref<8x768xf32, #tpu.memory_space<vmem>>)
    %add3A_72 = arith.constant 16 : i32
    %add3A_73 = arith.addi %mul3A_2, %add3A_72 : i32
    %dma_start3A_74 = arith.constant 0 : i32
    %dma_start3A_75 = tpu.memref_slice %arg4[%add3A_73, %dma_start3A_74] : memref<2048x768xf32, #tpu.memory_space<hbm>> -> memref<8x768xf32, #tpu.memory_space<hbm>>
    %dma_start3A_76 = arith.constant 0 : i32
    %dma_start3A_77 = tpu.memref_slice %arg4[%add3A_73, %dma_start3A_76] : memref<2048x768xf32, #tpu.memory_space<hbm>> -> memref<8x768xf32, #tpu.memory_space<hbm>>
    tpu.enqueue_dma source(%arg8 : memref<8x768xf32, #tpu.memory_space<vmem>>) target(%dma_start3A_77 : memref<8x768xf32, #tpu.memory_space<hbm>>) target_semaphore(%arg25 : memref<!tpu.dma_semaphore, #tpu.memory_space<semaphore_mem>>)
    %dma_wait3A_78 = arith.constant 24 : i32
    %dma_wait3A_79 = tpu.memref_slice %arg5[%dma_wait3A_78] : memref<64xi32, #tpu.memory_space<vmem>> -> memref<8xi32, #tpu.memory_space<vmem>>
    %dma_wait3A_80 = arith.constant 0 : i32
    %dma_wait3A_81 = arith.constant 0 : i32
    %dma_wait3A_82 = tpu.memref_slice %arg3[%dma_wait3A_80, %dma_wait3A_81] : memref<30522x768xf32, #tpu.memory_space<hbm>> -> memref<30522x768xf32, #tpu.memory_space<hbm>>
    tpu.wait_indirect_dma semaphore(%arg18 : memref<!tpu.dma_semaphore, #tpu.memory_space<semaphore_mem>>) src(%dma_wait3A_82 : memref<30522x768xf32, #tpu.memory_space<hbm>>) dst(%arg9 : memref<8x768xf32, #tpu.memory_space<vmem>>)
    %add3A_83 = arith.constant 24 : i32
    %add3A_84 = arith.addi %mul3A_2, %add3A_83 : i32
    %dma_start3A_85 = arith.constant 0 : i32
    %dma_start3A_86 = tpu.memref_slice %arg4[%add3A_84, %dma_start3A_85] : memref<2048x768xf32, #tpu.memory_space<hbm>> -> memref<8x768xf32, #tpu.memory_space<hbm>>
    %dma_start3A_87 = arith.constant 0 : i32
    %dma_start3A_88 = tpu.memref_slice %arg4[%add3A_84, %dma_start3A_87] : memref<2048x768xf32, #tpu.memory_space<hbm>> -> memref<8x768xf32, #tpu.memory_space<hbm>>
    tpu.enqueue_dma source(%arg9 : memref<8x768xf32, #tpu.memory_space<vmem>>) target(%dma_start3A_88 : memref<8x768xf32, #tpu.memory_space<hbm>>) target_semaphore(%arg26 : memref<!tpu.dma_semaphore, #tpu.memory_space<semaphore_mem>>)
    %dma_wait3A_89 = arith.constant 32 : i32
    %dma_wait3A_90 = tpu.memref_slice %arg5[%dma_wait3A_89] : memref<64xi32, #tpu.memory_space<vmem>> -> memref<8xi32, #tpu.memory_space<vmem>>
    %dma_wait3A_91 = arith.constant 0 : i32
    %dma_wait3A_92 = arith.constant 0 : i32
    %dma_wait3A_93 = tpu.memref_slice %arg3[%dma_wait3A_91, %dma_wait3A_92] : memref<30522x768xf32, #tpu.memory_space<hbm>> -> memref<30522x768xf32, #tpu.memory_space<hbm>>
    tpu.wait_indirect_dma semaphore(%arg19 : memref<!tpu.dma_semaphore, #tpu.memory_space<semaphore_mem>>) src(%dma_wait3A_93 : memref<30522x768xf32, #tpu.memory_space<hbm>>) dst(%arg10 : memref<8x768xf32, #tpu.memory_space<vmem>>)
    %add3A_94 = arith.constant 32 : i32
    %add3A_95 = arith.addi %mul3A_2, %add3A_94 : i32
    %dma_start3A_96 = arith.constant 0 : i32
    %dma_start3A_97 = tpu.memref_slice %arg4[%add3A_95, %dma_start3A_96] : memref<2048x768xf32, #tpu.memory_space<hbm>> -> memref<8x768xf32, #tpu.memory_space<hbm>>
    %dma_start3A_98 = arith.constant 0 : i32
    %dma_start3A_99 = tpu.memref_slice %arg4[%add3A_95, %dma_start3A_98] : memref<2048x768xf32, #tpu.memory_space<hbm>> -> memref<8x768xf32, #tpu.memory_space<hbm>>
    tpu.enqueue_dma source(%arg10 : memref<8x768xf32, #tpu.memory_space<vmem>>) target(%dma_start3A_99 : memref<8x768xf32, #tpu.memory_space<hbm>>) target_semaphore(%arg27 : memref<!tpu.dma_semaphore, #tpu.memory_space<semaphore_mem>>)
    %dma_wait3A_100 = arith.constant 40 : i32
    %dma_wait3A_101 = tpu.memref_slice %arg5[%dma_wait3A_100] : memref<64xi32, #tpu.memory_space<vmem>> -> memref<8xi32, #tpu.memory_space<vmem>>
    %dma_wait3A_102 = arith.constant 0 : i32
    %dma_wait3A_103 = arith.constant 0 : i32
    %dma_wait3A_104 = tpu.memref_slice %arg3[%dma_wait3A_102, %dma_wait3A_103] : memref<30522x768xf32, #tpu.memory_space<hbm>> -> memref<30522x768xf32, #tpu.memory_space<hbm>>
    tpu.wait_indirect_dma semaphore(%arg20 : memref<!tpu.dma_semaphore, #tpu.memory_space<semaphore_mem>>) src(%dma_wait3A_104 : memref<30522x768xf32, #tpu.memory_space<hbm>>) dst(%arg11 : memref<8x768xf32, #tpu.memory_space<vmem>>)
    %add3A_105 = arith.constant 40 : i32
    %add3A_106 = arith.addi %mul3A_2, %add3A_105 : i32
    %dma_start3A_107 = arith.constant 0 : i32
    %dma_start3A_108 = tpu.memref_slice %arg4[%add3A_106, %dma_start3A_107] : memref<2048x768xf32, #tpu.memory_space<hbm>> -> memref<8x768xf32, #tpu.memory_space<hbm>>
    %dma_start3A_109 = arith.constant 0 : i32
    %dma_start3A_110 = tpu.memref_slice %arg4[%add3A_106, %dma_start3A_109] : memref<2048x768xf32, #tpu.memory_space<hbm>> -> memref<8x768xf32, #tpu.memory_space<hbm>>
    tpu.enqueue_dma source(%arg11 : memref<8x768xf32, #tpu.memory_space<vmem>>) target(%dma_start3A_110 : memref<8x768xf32, #tpu.memory_space<hbm>>) target_semaphore(%arg28 : memref<!tpu.dma_semaphore, #tpu.memory_space<semaphore_mem>>)
    %dma_wait3A_111 = arith.constant 48 : i32
    %dma_wait3A_112 = tpu.memref_slice %arg5[%dma_wait3A_111] : memref<64xi32, #tpu.memory_space<vmem>> -> memref<8xi32, #tpu.memory_space<vmem>>
    %dma_wait3A_113 = arith.constant 0 : i32
    %dma_wait3A_114 = arith.constant 0 : i32
    %dma_wait3A_115 = tpu.memref_slice %arg3[%dma_wait3A_113, %dma_wait3A_114] : memref<30522x768xf32, #tpu.memory_space<hbm>> -> memref<30522x768xf32, #tpu.memory_space<hbm>>
    tpu.wait_indirect_dma semaphore(%arg21 : memref<!tpu.dma_semaphore, #tpu.memory_space<semaphore_mem>>) src(%dma_wait3A_115 : memref<30522x768xf32, #tpu.memory_space<hbm>>) dst(%arg12 : memref<8x768xf32, #tpu.memory_space<vmem>>)
    %add3A_116 = arith.constant 48 : i32
    %add3A_117 = arith.addi %mul3A_2, %add3A_116 : i32
    %dma_start3A_118 = arith.constant 0 : i32
    %dma_start3A_119 = tpu.memref_slice %arg4[%add3A_117, %dma_start3A_118] : memref<2048x768xf32, #tpu.memory_space<hbm>> -> memref<8x768xf32, #tpu.memory_space<hbm>>
    %dma_start3A_120 = arith.constant 0 : i32
    %dma_start3A_121 = tpu.memref_slice %arg4[%add3A_117, %dma_start3A_120] : memref<2048x768xf32, #tpu.memory_space<hbm>> -> memref<8x768xf32, #tpu.memory_space<hbm>>
    tpu.enqueue_dma source(%arg12 : memref<8x768xf32, #tpu.memory_space<vmem>>) target(%dma_start3A_121 : memref<8x768xf32, #tpu.memory_space<hbm>>) target_semaphore(%arg29 : memref<!tpu.dma_semaphore, #tpu.memory_space<semaphore_mem>>)
    %dma_wait3A_122 = arith.constant 56 : i32
    %dma_wait3A_123 = tpu.memref_slice %arg5[%dma_wait3A_122] : memref<64xi32, #tpu.memory_space<vmem>> -> memref<8xi32, #tpu.memory_space<vmem>>
    %dma_wait3A_124 = arith.constant 0 : i32
    %dma_wait3A_125 = arith.constant 0 : i32
    %dma_wait3A_126 = tpu.memref_slice %arg3[%dma_wait3A_124, %dma_wait3A_125] : memref<30522x768xf32, #tpu.memory_space<hbm>> -> memref<30522x768xf32, #tpu.memory_space<hbm>>
    tpu.wait_indirect_dma semaphore(%arg22 : memref<!tpu.dma_semaphore, #tpu.memory_space<semaphore_mem>>) src(%dma_wait3A_126 : memref<30522x768xf32, #tpu.memory_space<hbm>>) dst(%arg13 : memref<8x768xf32, #tpu.memory_space<vmem>>)
    %add3A_127 = arith.constant 56 : i32
    %add3A_128 = arith.addi %mul3A_2, %add3A_127 : i32
    %dma_start3A_129 = arith.constant 0 : i32
    %dma_start3A_130 = tpu.memref_slice %arg4[%add3A_128, %dma_start3A_129] : memref<2048x768xf32, #tpu.memory_space<hbm>> -> memref<8x768xf32, #tpu.memory_space<hbm>>
    %dma_start3A_131 = arith.constant 0 : i32
    %dma_start3A_132 = tpu.memref_slice %arg4[%add3A_128, %dma_start3A_131] : memref<2048x768xf32, #tpu.memory_space<hbm>> -> memref<8x768xf32, #tpu.memory_space<hbm>>
    tpu.enqueue_dma source(%arg13 : memref<8x768xf32, #tpu.memory_space<vmem>>) target(%dma_start3A_132 : memref<8x768xf32, #tpu.memory_space<hbm>>) target_semaphore(%arg30 : memref<!tpu.dma_semaphore, #tpu.memory_space<semaphore_mem>>)
    %dma_wait3A_133 = arith.constant 0 : i32
    %dma_wait3A_134 = tpu.memref_slice %arg4[%add3A_51, %dma_wait3A_133] : memref<2048x768xf32, #tpu.memory_space<hbm>> -> memref<8x768xf32, #tpu.memory_space<hbm>>
    %dma_wait3A_135 = arith.constant 0 : i32
    %dma_wait3A_136 = tpu.memref_slice %arg4[%add3A_51, %dma_wait3A_135] : memref<2048x768xf32, #tpu.memory_space<hbm>> -> memref<8x768xf32, #tpu.memory_space<hbm>>
    tpu.wait_dma2 semaphore(%arg23 : memref<!tpu.dma_semaphore, #tpu.memory_space<semaphore_mem>>) src(%arg6 : memref<8x768xf32, #tpu.memory_space<vmem>>) dst(%dma_wait3A_136 : memref<8x768xf32, #tpu.memory_space<hbm>>)
    %dma_wait3A_137 = arith.constant 0 : i32
    %dma_wait3A_138 = tpu.memref_slice %arg4[%add3A_62, %dma_wait3A_137] : memref<2048x768xf32, #tpu.memory_space<hbm>> -> memref<8x768xf32, #tpu.memory_space<hbm>>
    %dma_wait3A_139 = arith.constant 0 : i32
    %dma_wait3A_140 = tpu.memref_slice %arg4[%add3A_62, %dma_wait3A_139] : memref<2048x768xf32, #tpu.memory_space<hbm>> -> memref<8x768xf32, #tpu.memory_space<hbm>>
    tpu.wait_dma2 semaphore(%arg24 : memref<!tpu.dma_semaphore, #tpu.memory_space<semaphore_mem>>) src(%arg7 : memref<8x768xf32, #tpu.memory_space<vmem>>) dst(%dma_wait3A_140 : memref<8x768xf32, #tpu.memory_space<hbm>>)
    %dma_wait3A_141 = arith.constant 0 : i32
    %dma_wait3A_142 = tpu.memref_slice %arg4[%add3A_73, %dma_wait3A_141] : memref<2048x768xf32, #tpu.memory_space<hbm>> -> memref<8x768xf32, #tpu.memory_space<hbm>>
    %dma_wait3A_143 = arith.constant 0 : i32
    %dma_wait3A_144 = tpu.memref_slice %arg4[%add3A_73, %dma_wait3A_143] : memref<2048x768xf32, #tpu.memory_space<hbm>> -> memref<8x768xf32, #tpu.memory_space<hbm>>
    tpu.wait_dma2 semaphore(%arg25 : memref<!tpu.dma_semaphore, #tpu.memory_space<semaphore_mem>>) src(%arg8 : memref<8x768xf32, #tpu.memory_space<vmem>>) dst(%dma_wait3A_144 : memref<8x768xf32, #tpu.memory_space<hbm>>)
    %dma_wait3A_145 = arith.constant 0 : i32
    %dma_wait3A_146 = tpu.memref_slice %arg4[%add3A_84, %dma_wait3A_145] : memref<2048x768xf32, #tpu.memory_space<hbm>> -> memref<8x768xf32, #tpu.memory_space<hbm>>
    %dma_wait3A_147 = arith.constant 0 : i32
    %dma_wait3A_148 = tpu.memref_slice %arg4[%add3A_84, %dma_wait3A_147] : memref<2048x768xf32, #tpu.memory_space<hbm>> -> memref<8x768xf32, #tpu.memory_space<hbm>>
    tpu.wait_dma2 semaphore(%arg26 : memref<!tpu.dma_semaphore, #tpu.memory_space<semaphore_mem>>) src(%arg9 : memref<8x768xf32, #tpu.memory_space<vmem>>) dst(%dma_wait3A_148 : memref<8x768xf32, #tpu.memory_space<hbm>>)
    %dma_wait3A_149 = arith.constant 0 : i32
    %dma_wait3A_150 = tpu.memref_slice %arg4[%add3A_95, %dma_wait3A_149] : memref<2048x768xf32, #tpu.memory_space<hbm>> -> memref<8x768xf32, #tpu.memory_space<hbm>>
    %dma_wait3A_151 = arith.constant 0 : i32
    %dma_wait3A_152 = tpu.memref_slice %arg4[%add3A_95, %dma_wait3A_151] : memref<2048x768xf32, #tpu.memory_space<hbm>> -> memref<8x768xf32, #tpu.memory_space<hbm>>
    tpu.wait_dma2 semaphore(%arg27 : memref<!tpu.dma_semaphore, #tpu.memory_space<semaphore_mem>>) src(%arg10 : memref<8x768xf32, #tpu.memory_space<vmem>>) dst(%dma_wait3A_152 : memref<8x768xf32, #tpu.memory_space<hbm>>)
    %dma_wait3A_153 = arith.constant 0 : i32
    %dma_wait3A_154 = tpu.memref_slice %arg4[%add3A_106, %dma_wait3A_153] : memref<2048x768xf32, #tpu.memory_space<hbm>> -> memref<8x768xf32, #tpu.memory_space<hbm>>
    %dma_wait3A_155 = arith.constant 0 : i32
    %dma_wait3A_156 = tpu.memref_slice %arg4[%add3A_106, %dma_wait3A_155] : memref<2048x768xf32, #tpu.memory_space<hbm>> -> memref<8x768xf32, #tpu.memory_space<hbm>>
    tpu.wait_dma2 semaphore(%arg28 : memref<!tpu.dma_semaphore, #tpu.memory_space<semaphore_mem>>) src(%arg11 : memref<8x768xf32, #tpu.memory_space<vmem>>) dst(%dma_wait3A_156 : memref<8x768xf32, #tpu.memory_space<hbm>>)
    %dma_wait3A_157 = arith.constant 0 : i32
    %dma_wait3A_158 = tpu.memref_slice %arg4[%add3A_117, %dma_wait3A_157] : memref<2048x768xf32, #tpu.memory_space<hbm>> -> memref<8x768xf32, #tpu.memory_space<hbm>>
    %dma_wait3A_159 = arith.constant 0 : i32
    %dma_wait3A_160 = tpu.memref_slice %arg4[%add3A_117, %dma_wait3A_159] : memref<2048x768xf32, #tpu.memory_space<hbm>> -> memref<8x768xf32, #tpu.memory_space<hbm>>
    tpu.wait_dma2 semaphore(%arg29 : memref<!tpu.dma_semaphore, #tpu.memory_space<semaphore_mem>>) src(%arg12 : memref<8x768xf32, #tpu.memory_space<vmem>>) dst(%dma_wait3A_160 : memref<8x768xf32, #tpu.memory_space<hbm>>)
    %dma_wait3A_161 = arith.constant 0 : i32
    %dma_wait3A_162 = tpu.memref_slice %arg4[%add3A_128, %dma_wait3A_161] : memref<2048x768xf32, #tpu.memory_space<hbm>> -> memref<8x768xf32, #tpu.memory_space<hbm>>
    %dma_wait3A_163 = arith.constant 0 : i32
    %dma_wait3A_164 = tpu.memref_slice %arg4[%add3A_128, %dma_wait3A_163] : memref<2048x768xf32, #tpu.memory_space<hbm>> -> memref<8x768xf32, #tpu.memory_space<hbm>>
    tpu.wait_dma2 semaphore(%arg30 : memref<!tpu.dma_semaphore, #tpu.memory_space<semaphore_mem>>) src(%arg13 : memref<8x768xf32, #tpu.memory_space<vmem>>) dst(%dma_wait3A_164 : memref<8x768xf32, #tpu.memory_space<hbm>>)
    return
  }
}

#map = affine_map<(d0, d1) -> (0)>
#map1 = affine_map<(d0, d1) -> (0, 0)>
module attributes {stable_mosaic.version = 14 : i64} {
  func.func @_sc_gather_body(%arg0: i32, %arg1: i32, %arg2: memref<2048xi32, #tpu.memory_space<hbm>>, %arg3: memref<30522x768xf32, #tpu.memory_space<hbm>>, %arg4: memref<2048x768xf32, #tpu.memory_space<hbm>>, %arg5: memref<64xi32, #tpu.memory_space<vmem>>, %arg6: memref<8x768xf32, #tpu.memory_space<vmem>>, %arg7: memref<8x768xf32, #tpu.memory_space<vmem>>, %arg8: memref<8x768xf32, #tpu.memory_space<vmem>>, %arg9: memref<8x768xf32, #tpu.memory_space<vmem>>, %arg10: memref<8x768xf32, #tpu.memory_space<vmem>>, %arg11: memref<8x768xf32, #tpu.memory_space<vmem>>, %arg12: memref<8x768xf32, #tpu.memory_space<vmem>>, %arg13: memref<8x768xf32, #tpu.memory_space<vmem>>, %arg14: memref<!tpu.dma_semaphore, #tpu.memory_space<semaphore_mem>>, %arg15: memref<!tpu.dma_semaphore, #tpu.memory_space<semaphore_mem>>, %arg16: memref<!tpu.dma_semaphore, #tpu.memory_space<semaphore_mem>>, %arg17: memref<!tpu.dma_semaphore, #tpu.memory_space<semaphore_mem>>, %arg18: memref<!tpu.dma_semaphore, #tpu.memory_space<semaphore_mem>>, %arg19: memref<!tpu.dma_semaphore, #tpu.memory_space<semaphore_mem>>, %arg20: memref<!tpu.dma_semaphore, #tpu.memory_space<semaphore_mem>>, %arg21: memref<!tpu.dma_semaphore, #tpu.memory_space<semaphore_mem>>, %arg22: memref<!tpu.dma_semaphore, #tpu.memory_space<semaphore_mem>>, %arg23: memref<!tpu.dma_semaphore, #tpu.memory_space<semaphore_mem>>, %arg24: memref<!tpu.dma_semaphore, #tpu.memory_space<semaphore_mem>>, %arg25: memref<!tpu.dma_semaphore, #tpu.memory_space<semaphore_mem>>, %arg26: memref<!tpu.dma_semaphore, #tpu.memory_space<semaphore_mem>>, %arg27: memref<!tpu.dma_semaphore, #tpu.memory_space<semaphore_mem>>, %arg28: memref<!tpu.dma_semaphore, #tpu.memory_space<semaphore_mem>>, %arg29: memref<!tpu.dma_semaphore, #tpu.memory_space<semaphore_mem>>, %arg30: memref<!tpu.dma_semaphore, #tpu.memory_space<semaphore_mem>>) attributes {dimension_semantics = [#tpu.dimension_semantics<core_parallel>, #tpu.dimension_semantics<subcore_parallel>], iteration_bounds = array<i64: 2, 16>, scalar_prefetch = 0 : i64, scratch_operands = 26 : i64, tpu.core_type = #tpu.core_type<sc_vector_subcore>, window_params = [{transform_indices = #map}, {transform_indices = #map1}, {transform_indices = #map1}]} {
    %mul3A = arith.constant 2 : i32
    %mul3A_0 = arith.muli %arg1, %mul3A : i32
    %add3A = arith.addi %mul3A_0, %arg0 : i32
    %mul3A_1 = arith.constant 64 : i32
    %mul3A_2 = arith.muli %add3A, %mul3A_1 : i32
    %dma_start3A = tpu.memref_slice %arg2[%mul3A_2] : memref<2048xi32, #tpu.memory_space<hbm>> -> memref<64xi32, #tpu.memory_space<hbm>>
    %dma_start3A_3 = tpu.memref_slice %arg2[%mul3A_2] : memref<2048xi32, #tpu.memory_space<hbm>> -> memref<64xi32, #tpu.memory_space<hbm>>
    tpu.enqueue_dma source(%dma_start3A_3 : memref<64xi32, #tpu.memory_space<hbm>>) target(%arg5 : memref<64xi32, #tpu.memory_space<vmem>>) target_semaphore(%arg14 : memref<!tpu.dma_semaphore, #tpu.memory_space<semaphore_mem>>)
    %dma_wait3A = tpu.memref_slice %arg2[%mul3A_2] : memref<2048xi32, #tpu.memory_space<hbm>> -> memref<64xi32, #tpu.memory_space<hbm>>
    %dma_wait3A_4 = tpu.memref_slice %arg2[%mul3A_2] : memref<2048xi32, #tpu.memory_space<hbm>> -> memref<64xi32, #tpu.memory_space<hbm>>
    tpu.wait_dma2 semaphore(%arg14 : memref<!tpu.dma_semaphore, #tpu.memory_space<semaphore_mem>>) src(%dma_wait3A_4 : memref<64xi32, #tpu.memory_space<hbm>>) dst(%arg5 : memref<64xi32, #tpu.memory_space<vmem>>)
    %dma_start3A_5 = arith.constant 0 : i32
    %dma_start3A_6 = tpu.memref_slice %arg5[%dma_start3A_5] : memref<64xi32, #tpu.memory_space<vmem>> -> memref<8xi32, #tpu.memory_space<vmem>>
    %dma_start3A_7 = arith.constant 0 : i32
    %dma_start3A_8 = arith.constant 0 : i32
    %dma_start3A_9 = tpu.memref_slice %arg3[%dma_start3A_7, %dma_start3A_8] : memref<30522x768xf32, #tpu.memory_space<hbm>> -> memref<30522x768xf32, #tpu.memory_space<hbm>>
    tpu.enqueue_indirect_dma source(%dma_start3A_9 : memref<30522x768xf32, #tpu.memory_space<hbm>>) target(%arg6 : memref<8x768xf32, #tpu.memory_space<vmem>>) offsets(%dma_start3A_6 : memref<8xi32, #tpu.memory_space<vmem>>) semaphore(%arg15 : memref<!tpu.dma_semaphore, #tpu.memory_space<semaphore_mem>>)
    %dma_start3A_10 = arith.constant 8 : i32
    %dma_start3A_11 = tpu.memref_slice %arg5[%dma_start3A_10] : memref<64xi32, #tpu.memory_space<vmem>> -> memref<8xi32, #tpu.memory_space<vmem>>
    %dma_start3A_12 = arith.constant 0 : i32
    %dma_start3A_13 = arith.constant 0 : i32
    %dma_start3A_14 = tpu.memref_slice %arg3[%dma_start3A_12, %dma_start3A_13] : memref<30522x768xf32, #tpu.memory_space<hbm>> -> memref<30522x768xf32, #tpu.memory_space<hbm>>
    tpu.enqueue_indirect_dma source(%dma_start3A_14 : memref<30522x768xf32, #tpu.memory_space<hbm>>) target(%arg7 : memref<8x768xf32, #tpu.memory_space<vmem>>) offsets(%dma_start3A_11 : memref<8xi32, #tpu.memory_space<vmem>>) semaphore(%arg16 : memref<!tpu.dma_semaphore, #tpu.memory_space<semaphore_mem>>)
    %dma_start3A_15 = arith.constant 16 : i32
    %dma_start3A_16 = tpu.memref_slice %arg5[%dma_start3A_15] : memref<64xi32, #tpu.memory_space<vmem>> -> memref<8xi32, #tpu.memory_space<vmem>>
    %dma_start3A_17 = arith.constant 0 : i32
    %dma_start3A_18 = arith.constant 0 : i32
    %dma_start3A_19 = tpu.memref_slice %arg3[%dma_start3A_17, %dma_start3A_18] : memref<30522x768xf32, #tpu.memory_space<hbm>> -> memref<30522x768xf32, #tpu.memory_space<hbm>>
    tpu.enqueue_indirect_dma source(%dma_start3A_19 : memref<30522x768xf32, #tpu.memory_space<hbm>>) target(%arg8 : memref<8x768xf32, #tpu.memory_space<vmem>>) offsets(%dma_start3A_16 : memref<8xi32, #tpu.memory_space<vmem>>) semaphore(%arg17 : memref<!tpu.dma_semaphore, #tpu.memory_space<semaphore_mem>>)
    %dma_start3A_20 = arith.constant 24 : i32
    %dma_start3A_21 = tpu.memref_slice %arg5[%dma_start3A_20] : memref<64xi32, #tpu.memory_space<vmem>> -> memref<8xi32, #tpu.memory_space<vmem>>
    %dma_start3A_22 = arith.constant 0 : i32
    %dma_start3A_23 = arith.constant 0 : i32
    %dma_start3A_24 = tpu.memref_slice %arg3[%dma_start3A_22, %dma_start3A_23] : memref<30522x768xf32, #tpu.memory_space<hbm>> -> memref<30522x768xf32, #tpu.memory_space<hbm>>
    tpu.enqueue_indirect_dma source(%dma_start3A_24 : memref<30522x768xf32, #tpu.memory_space<hbm>>) target(%arg9 : memref<8x768xf32, #tpu.memory_space<vmem>>) offsets(%dma_start3A_21 : memref<8xi32, #tpu.memory_space<vmem>>) semaphore(%arg18 : memref<!tpu.dma_semaphore, #tpu.memory_space<semaphore_mem>>)
    %dma_start3A_25 = arith.constant 32 : i32
    %dma_start3A_26 = tpu.memref_slice %arg5[%dma_start3A_25] : memref<64xi32, #tpu.memory_space<vmem>> -> memref<8xi32, #tpu.memory_space<vmem>>
    %dma_start3A_27 = arith.constant 0 : i32
    %dma_start3A_28 = arith.constant 0 : i32
    %dma_start3A_29 = tpu.memref_slice %arg3[%dma_start3A_27, %dma_start3A_28] : memref<30522x768xf32, #tpu.memory_space<hbm>> -> memref<30522x768xf32, #tpu.memory_space<hbm>>
    tpu.enqueue_indirect_dma source(%dma_start3A_29 : memref<30522x768xf32, #tpu.memory_space<hbm>>) target(%arg10 : memref<8x768xf32, #tpu.memory_space<vmem>>) offsets(%dma_start3A_26 : memref<8xi32, #tpu.memory_space<vmem>>) semaphore(%arg19 : memref<!tpu.dma_semaphore, #tpu.memory_space<semaphore_mem>>)
    %dma_start3A_30 = arith.constant 40 : i32
    %dma_start3A_31 = tpu.memref_slice %arg5[%dma_start3A_30] : memref<64xi32, #tpu.memory_space<vmem>> -> memref<8xi32, #tpu.memory_space<vmem>>
    %dma_start3A_32 = arith.constant 0 : i32
    %dma_start3A_33 = arith.constant 0 : i32
    %dma_start3A_34 = tpu.memref_slice %arg3[%dma_start3A_32, %dma_start3A_33] : memref<30522x768xf32, #tpu.memory_space<hbm>> -> memref<30522x768xf32, #tpu.memory_space<hbm>>
    tpu.enqueue_indirect_dma source(%dma_start3A_34 : memref<30522x768xf32, #tpu.memory_space<hbm>>) target(%arg11 : memref<8x768xf32, #tpu.memory_space<vmem>>) offsets(%dma_start3A_31 : memref<8xi32, #tpu.memory_space<vmem>>) semaphore(%arg20 : memref<!tpu.dma_semaphore, #tpu.memory_space<semaphore_mem>>)
    %dma_start3A_35 = arith.constant 48 : i32
    %dma_start3A_36 = tpu.memref_slice %arg5[%dma_start3A_35] : memref<64xi32, #tpu.memory_space<vmem>> -> memref<8xi32, #tpu.memory_space<vmem>>
    %dma_start3A_37 = arith.constant 0 : i32
    %dma_start3A_38 = arith.constant 0 : i32
    %dma_start3A_39 = tpu.memref_slice %arg3[%dma_start3A_37, %dma_start3A_38] : memref<30522x768xf32, #tpu.memory_space<hbm>> -> memref<30522x768xf32, #tpu.memory_space<hbm>>
    tpu.enqueue_indirect_dma source(%dma_start3A_39 : memref<30522x768xf32, #tpu.memory_space<hbm>>) target(%arg12 : memref<8x768xf32, #tpu.memory_space<vmem>>) offsets(%dma_start3A_36 : memref<8xi32, #tpu.memory_space<vmem>>) semaphore(%arg21 : memref<!tpu.dma_semaphore, #tpu.memory_space<semaphore_mem>>)
    %dma_start3A_40 = arith.constant 56 : i32
    %dma_start3A_41 = tpu.memref_slice %arg5[%dma_start3A_40] : memref<64xi32, #tpu.memory_space<vmem>> -> memref<8xi32, #tpu.memory_space<vmem>>
    %dma_start3A_42 = arith.constant 0 : i32
    %dma_start3A_43 = arith.constant 0 : i32
    %dma_start3A_44 = tpu.memref_slice %arg3[%dma_start3A_42, %dma_start3A_43] : memref<30522x768xf32, #tpu.memory_space<hbm>> -> memref<30522x768xf32, #tpu.memory_space<hbm>>
    tpu.enqueue_indirect_dma source(%dma_start3A_44 : memref<30522x768xf32, #tpu.memory_space<hbm>>) target(%arg13 : memref<8x768xf32, #tpu.memory_space<vmem>>) offsets(%dma_start3A_41 : memref<8xi32, #tpu.memory_space<vmem>>) semaphore(%arg22 : memref<!tpu.dma_semaphore, #tpu.memory_space<semaphore_mem>>)
    %dma_wait3A_45 = arith.constant 0 : i32
    %dma_wait3A_46 = tpu.memref_slice %arg5[%dma_wait3A_45] : memref<64xi32, #tpu.memory_space<vmem>> -> memref<8xi32, #tpu.memory_space<vmem>>
    %dma_wait3A_47 = arith.constant 0 : i32
    %dma_wait3A_48 = arith.constant 0 : i32
    %dma_wait3A_49 = tpu.memref_slice %arg3[%dma_wait3A_47, %dma_wait3A_48] : memref<30522x768xf32, #tpu.memory_space<hbm>> -> memref<30522x768xf32, #tpu.memory_space<hbm>>
    tpu.wait_indirect_dma semaphore(%arg15 : memref<!tpu.dma_semaphore, #tpu.memory_space<semaphore_mem>>) src(%dma_wait3A_49 : memref<30522x768xf32, #tpu.memory_space<hbm>>) dst(%arg6 : memref<8x768xf32, #tpu.memory_space<vmem>>)
    %add3A_50 = arith.constant 0 : i32
    %add3A_51 = arith.addi %mul3A_2, %add3A_50 : i32
    %dma_start3A_52 = arith.constant 0 : i32
    %dma_start3A_53 = tpu.memref_slice %arg4[%add3A_51, %dma_start3A_52] : memref<2048x768xf32, #tpu.memory_space<hbm>> -> memref<8x768xf32, #tpu.memory_space<hbm>>
    %dma_start3A_54 = arith.constant 0 : i32
    %dma_start3A_55 = tpu.memref_slice %arg4[%add3A_51, %dma_start3A_54] : memref<2048x768xf32, #tpu.memory_space<hbm>> -> memref<8x768xf32, #tpu.memory_space<hbm>>
    tpu.enqueue_dma source(%arg6 : memref<8x768xf32, #tpu.memory_space<vmem>>) target(%dma_start3A_55 : memref<8x768xf32, #tpu.memory_space<hbm>>) target_semaphore(%arg23 : memref<!tpu.dma_semaphore, #tpu.memory_space<semaphore_mem>>)
    %dma_wait3A_56 = arith.constant 8 : i32
    %dma_wait3A_57 = tpu.memref_slice %arg5[%dma_wait3A_56] : memref<64xi32, #tpu.memory_space<vmem>> -> memref<8xi32, #tpu.memory_space<vmem>>
    %dma_wait3A_58 = arith.constant 0 : i32
    %dma_wait3A_59 = arith.constant 0 : i32
    %dma_wait3A_60 = tpu.memref_slice %arg3[%dma_wait3A_58, %dma_wait3A_59] : memref<30522x768xf32, #tpu.memory_space<hbm>> -> memref<30522x768xf32, #tpu.memory_space<hbm>>
    tpu.wait_indirect_dma semaphore(%arg16 : memref<!tpu.dma_semaphore, #tpu.memory_space<semaphore_mem>>) src(%dma_wait3A_60 : memref<30522x768xf32, #tpu.memory_space<hbm>>) dst(%arg7 : memref<8x768xf32, #tpu.memory_space<vmem>>)
    %add3A_61 = arith.constant 8 : i32
    %add3A_62 = arith.addi %mul3A_2, %add3A_61 : i32
    %dma_start3A_63 = arith.constant 0 : i32
    %dma_start3A_64 = tpu.memref_slice %arg4[%add3A_62, %dma_start3A_63] : memref<2048x768xf32, #tpu.memory_space<hbm>> -> memref<8x768xf32, #tpu.memory_space<hbm>>
    %dma_start3A_65 = arith.constant 0 : i32
    %dma_start3A_66 = tpu.memref_slice %arg4[%add3A_62, %dma_start3A_65] : memref<2048x768xf32, #tpu.memory_space<hbm>> -> memref<8x768xf32, #tpu.memory_space<hbm>>
    tpu.enqueue_dma source(%arg7 : memref<8x768xf32, #tpu.memory_space<vmem>>) target(%dma_start3A_66 : memref<8x768xf32, #tpu.memory_space<hbm>>) target_semaphore(%arg24 : memref<!tpu.dma_semaphore, #tpu.memory_space<semaphore_mem>>)
    %dma_wait3A_67 = arith.constant 16 : i32
    %dma_wait3A_68 = tpu.memref_slice %arg5[%dma_wait3A_67] : memref<64xi32, #tpu.memory_space<vmem>> -> memref<8xi32, #tpu.memory_space<vmem>>
    %dma_wait3A_69 = arith.constant 0 : i32
    %dma_wait3A_70 = arith.constant 0 : i32
    %dma_wait3A_71 = tpu.memref_slice %arg3[%dma_wait3A_69, %dma_wait3A_70] : memref<30522x768xf32, #tpu.memory_space<hbm>> -> memref<30522x768xf32, #tpu.memory_space<hbm>>
    tpu.wait_indirect_dma semaphore(%arg17 : memref<!tpu.dma_semaphore, #tpu.memory_space<semaphore_mem>>) src(%dma_wait3A_71 : memref<30522x768xf32, #tpu.memory_space<hbm>>) dst(%arg8 : memref<8x768xf32, #tpu.memory_space<vmem>>)
    %add3A_72 = arith.constant 16 : i32
    %add3A_73 = arith.addi %mul3A_2, %add3A_72 : i32
    %dma_start3A_74 = arith.constant 0 : i32
    %dma_start3A_75 = tpu.memref_slice %arg4[%add3A_73, %dma_start3A_74] : memref<2048x768xf32, #tpu.memory_space<hbm>> -> memref<8x768xf32, #tpu.memory_space<hbm>>
    %dma_start3A_76 = arith.constant 0 : i32
    %dma_start3A_77 = tpu.memref_slice %arg4[%add3A_73, %dma_start3A_76] : memref<2048x768xf32, #tpu.memory_space<hbm>> -> memref<8x768xf32, #tpu.memory_space<hbm>>
    tpu.enqueue_dma source(%arg8 : memref<8x768xf32, #tpu.memory_space<vmem>>) target(%dma_start3A_77 : memref<8x768xf32, #tpu.memory_space<hbm>>) target_semaphore(%arg25 : memref<!tpu.dma_semaphore, #tpu.memory_space<semaphore_mem>>)
    %dma_wait3A_78 = arith.constant 24 : i32
    %dma_wait3A_79 = tpu.memref_slice %arg5[%dma_wait3A_78] : memref<64xi32, #tpu.memory_space<vmem>> -> memref<8xi32, #tpu.memory_space<vmem>>
    %dma_wait3A_80 = arith.constant 0 : i32
    %dma_wait3A_81 = arith.constant 0 : i32
    %dma_wait3A_82 = tpu.memref_slice %arg3[%dma_wait3A_80, %dma_wait3A_81] : memref<30522x768xf32, #tpu.memory_space<hbm>> -> memref<30522x768xf32, #tpu.memory_space<hbm>>
    tpu.wait_indirect_dma semaphore(%arg18 : memref<!tpu.dma_semaphore, #tpu.memory_space<semaphore_mem>>) src(%dma_wait3A_82 : memref<30522x768xf32, #tpu.memory_space<hbm>>) dst(%arg9 : memref<8x768xf32, #tpu.memory_space<vmem>>)
    %add3A_83 = arith.constant 24 : i32
    %add3A_84 = arith.addi %mul3A_2, %add3A_83 : i32
    %dma_start3A_85 = arith.constant 0 : i32
    %dma_start3A_86 = tpu.memref_slice %arg4[%add3A_84, %dma_start3A_85] : memref<2048x768xf32, #tpu.memory_space<hbm>> -> memref<8x768xf32, #tpu.memory_space<hbm>>
    %dma_start3A_87 = arith.constant 0 : i32
    %dma_start3A_88 = tpu.memref_slice %arg4[%add3A_84, %dma_start3A_87] : memref<2048x768xf32, #tpu.memory_space<hbm>> -> memref<8x768xf32, #tpu.memory_space<hbm>>
    tpu.enqueue_dma source(%arg9 : memref<8x768xf32, #tpu.memory_space<vmem>>) target(%dma_start3A_88 : memref<8x768xf32, #tpu.memory_space<hbm>>) target_semaphore(%arg26 : memref<!tpu.dma_semaphore, #tpu.memory_space<semaphore_mem>>)
    %dma_wait3A_89 = arith.constant 32 : i32
    %dma_wait3A_90 = tpu.memref_slice %arg5[%dma_wait3A_89] : memref<64xi32, #tpu.memory_space<vmem>> -> memref<8xi32, #tpu.memory_space<vmem>>
    %dma_wait3A_91 = arith.constant 0 : i32
    %dma_wait3A_92 = arith.constant 0 : i32
    %dma_wait3A_93 = tpu.memref_slice %arg3[%dma_wait3A_91, %dma_wait3A_92] : memref<30522x768xf32, #tpu.memory_space<hbm>> -> memref<30522x768xf32, #tpu.memory_space<hbm>>
    tpu.wait_indirect_dma semaphore(%arg19 : memref<!tpu.dma_semaphore, #tpu.memory_space<semaphore_mem>>) src(%dma_wait3A_93 : memref<30522x768xf32, #tpu.memory_space<hbm>>) dst(%arg10 : memref<8x768xf32, #tpu.memory_space<vmem>>)
    %add3A_94 = arith.constant 32 : i32
    %add3A_95 = arith.addi %mul3A_2, %add3A_94 : i32
    %dma_start3A_96 = arith.constant 0 : i32
    %dma_start3A_97 = tpu.memref_slice %arg4[%add3A_95, %dma_start3A_96] : memref<2048x768xf32, #tpu.memory_space<hbm>> -> memref<8x768xf32, #tpu.memory_space<hbm>>
    %dma_start3A_98 = arith.constant 0 : i32
    %dma_start3A_99 = tpu.memref_slice %arg4[%add3A_95, %dma_start3A_98] : memref<2048x768xf32, #tpu.memory_space<hbm>> -> memref<8x768xf32, #tpu.memory_space<hbm>>
    tpu.enqueue_dma source(%arg10 : memref<8x768xf32, #tpu.memory_space<vmem>>) target(%dma_start3A_99 : memref<8x768xf32, #tpu.memory_space<hbm>>) target_semaphore(%arg27 : memref<!tpu.dma_semaphore, #tpu.memory_space<semaphore_mem>>)
    %dma_wait3A_100 = arith.constant 40 : i32
    %dma_wait3A_101 = tpu.memref_slice %arg5[%dma_wait3A_100] : memref<64xi32, #tpu.memory_space<vmem>> -> memref<8xi32, #tpu.memory_space<vmem>>
    %dma_wait3A_102 = arith.constant 0 : i32
    %dma_wait3A_103 = arith.constant 0 : i32
    %dma_wait3A_104 = tpu.memref_slice %arg3[%dma_wait3A_102, %dma_wait3A_103] : memref<30522x768xf32, #tpu.memory_space<hbm>> -> memref<30522x768xf32, #tpu.memory_space<hbm>>
    tpu.wait_indirect_dma semaphore(%arg20 : memref<!tpu.dma_semaphore, #tpu.memory_space<semaphore_mem>>) src(%dma_wait3A_104 : memref<30522x768xf32, #tpu.memory_space<hbm>>) dst(%arg11 : memref<8x768xf32, #tpu.memory_space<vmem>>)
    %add3A_105 = arith.constant 40 : i32
    %add3A_106 = arith.addi %mul3A_2, %add3A_105 : i32
    %dma_start3A_107 = arith.constant 0 : i32
    %dma_start3A_108 = tpu.memref_slice %arg4[%add3A_106, %dma_start3A_107] : memref<2048x768xf32, #tpu.memory_space<hbm>> -> memref<8x768xf32, #tpu.memory_space<hbm>>
    %dma_start3A_109 = arith.constant 0 : i32
    %dma_start3A_110 = tpu.memref_slice %arg4[%add3A_106, %dma_start3A_109] : memref<2048x768xf32, #tpu.memory_space<hbm>> -> memref<8x768xf32, #tpu.memory_space<hbm>>
    tpu.enqueue_dma source(%arg11 : memref<8x768xf32, #tpu.memory_space<vmem>>) target(%dma_start3A_110 : memref<8x768xf32, #tpu.memory_space<hbm>>) target_semaphore(%arg28 : memref<!tpu.dma_semaphore, #tpu.memory_space<semaphore_mem>>)
    %dma_wait3A_111 = arith.constant 48 : i32
    %dma_wait3A_112 = tpu.memref_slice %arg5[%dma_wait3A_111] : memref<64xi32, #tpu.memory_space<vmem>> -> memref<8xi32, #tpu.memory_space<vmem>>
    %dma_wait3A_113 = arith.constant 0 : i32
    %dma_wait3A_114 = arith.constant 0 : i32
    %dma_wait3A_115 = tpu.memref_slice %arg3[%dma_wait3A_113, %dma_wait3A_114] : memref<30522x768xf32, #tpu.memory_space<hbm>> -> memref<30522x768xf32, #tpu.memory_space<hbm>>
    tpu.wait_indirect_dma semaphore(%arg21 : memref<!tpu.dma_semaphore, #tpu.memory_space<semaphore_mem>>) src(%dma_wait3A_115 : memref<30522x768xf32, #tpu.memory_space<hbm>>) dst(%arg12 : memref<8x768xf32, #tpu.memory_space<vmem>>)
    %add3A_116 = arith.constant 48 : i32
    %add3A_117 = arith.addi %mul3A_2, %add3A_116 : i32
    %dma_start3A_118 = arith.constant 0 : i32
    %dma_start3A_119 = tpu.memref_slice %arg4[%add3A_117, %dma_start3A_118] : memref<2048x768xf32, #tpu.memory_space<hbm>> -> memref<8x768xf32, #tpu.memory_space<hbm>>
    %dma_start3A_120 = arith.constant 0 : i32
    %dma_start3A_121 = tpu.memref_slice %arg4[%add3A_117, %dma_start3A_120] : memref<2048x768xf32, #tpu.memory_space<hbm>> -> memref<8x768xf32, #tpu.memory_space<hbm>>
    tpu.enqueue_dma source(%arg12 : memref<8x768xf32, #tpu.memory_space<vmem>>) target(%dma_start3A_121 : memref<8x768xf32, #tpu.memory_space<hbm>>) target_semaphore(%arg29 : memref<!tpu.dma_semaphore, #tpu.memory_space<semaphore_mem>>)
    %dma_wait3A_122 = arith.constant 56 : i32
    %dma_wait3A_123 = tpu.memref_slice %arg5[%dma_wait3A_122] : memref<64xi32, #tpu.memory_space<vmem>> -> memref<8xi32, #tpu.memory_space<vmem>>
    %dma_wait3A_124 = arith.constant 0 : i32
    %dma_wait3A_125 = arith.constant 0 : i32
    %dma_wait3A_126 = tpu.memref_slice %arg3[%dma_wait3A_124, %dma_wait3A_125] : memref<30522x768xf32, #tpu.memory_space<hbm>> -> memref<30522x768xf32, #tpu.memory_space<hbm>>
    tpu.wait_indirect_dma semaphore(%arg22 : memref<!tpu.dma_semaphore, #tpu.memory_space<semaphore_mem>>) src(%dma_wait3A_126 : memref<30522x768xf32, #tpu.memory_space<hbm>>) dst(%arg13 : memref<8x768xf32, #tpu.memory_space<vmem>>)
    %add3A_127 = arith.constant 56 : i32
    %add3A_128 = arith.addi %mul3A_2, %add3A_127 : i32
    %dma_start3A_129 = arith.constant 0 : i32
    %dma_start3A_130 = tpu.memref_slice %arg4[%add3A_128, %dma_start3A_129] : memref<2048x768xf32, #tpu.memory_space<hbm>> -> memref<8x768xf32, #tpu.memory_space<hbm>>
    %dma_start3A_131 = arith.constant 0 : i32
    %dma_start3A_132 = tpu.memref_slice %arg4[%add3A_128, %dma_start3A_131] : memref<2048x768xf32, #tpu.memory_space<hbm>> -> memref<8x768xf32, #tpu.memory_space<hbm>>
    tpu.enqueue_dma source(%arg13 : memref<8x768xf32, #tpu.memory_space<vmem>>) target(%dma_start3A_132 : memref<8x768xf32, #tpu.memory_space<hbm>>) target_semaphore(%arg30 : memref<!tpu.dma_semaphore, #tpu.memory_space<semaphore_mem>>)
    %dma_wait3A_133 = arith.constant 0 : i32
    %dma_wait3A_134 = tpu.memref_slice %arg4[%add3A_51, %dma_wait3A_133] : memref<2048x768xf32, #tpu.memory_space<hbm>> -> memref<8x768xf32, #tpu.memory_space<hbm>>
    %dma_wait3A_135 = arith.constant 0 : i32
    %dma_wait3A_136 = tpu.memref_slice %arg4[%add3A_51, %dma_wait3A_135] : memref<2048x768xf32, #tpu.memory_space<hbm>> -> memref<8x768xf32, #tpu.memory_space<hbm>>
    tpu.wait_dma2 semaphore(%arg23 : memref<!tpu.dma_semaphore, #tpu.memory_space<semaphore_mem>>) src(%arg6 : memref<8x768xf32, #tpu.memory_space<vmem>>) dst(%dma_wait3A_136 : memref<8x768xf32, #tpu.memory_space<hbm>>)
    %dma_wait3A_137 = arith.constant 0 : i32
    %dma_wait3A_138 = tpu.memref_slice %arg4[%add3A_62, %dma_wait3A_137] : memref<2048x768xf32, #tpu.memory_space<hbm>> -> memref<8x768xf32, #tpu.memory_space<hbm>>
    %dma_wait3A_139 = arith.constant 0 : i32
    %dma_wait3A_140 = tpu.memref_slice %arg4[%add3A_62, %dma_wait3A_139] : memref<2048x768xf32, #tpu.memory_space<hbm>> -> memref<8x768xf32, #tpu.memory_space<hbm>>
    tpu.wait_dma2 semaphore(%arg24 : memref<!tpu.dma_semaphore, #tpu.memory_space<semaphore_mem>>) src(%arg7 : memref<8x768xf32, #tpu.memory_space<vmem>>) dst(%dma_wait3A_140 : memref<8x768xf32, #tpu.memory_space<hbm>>)
    %dma_wait3A_141 = arith.constant 0 : i32
    %dma_wait3A_142 = tpu.memref_slice %arg4[%add3A_73, %dma_wait3A_141] : memref<2048x768xf32, #tpu.memory_space<hbm>> -> memref<8x768xf32, #tpu.memory_space<hbm>>
    %dma_wait3A_143 = arith.constant 0 : i32
    %dma_wait3A_144 = tpu.memref_slice %arg4[%add3A_73, %dma_wait3A_143] : memref<2048x768xf32, #tpu.memory_space<hbm>> -> memref<8x768xf32, #tpu.memory_space<hbm>>
    tpu.wait_dma2 semaphore(%arg25 : memref<!tpu.dma_semaphore, #tpu.memory_space<semaphore_mem>>) src(%arg8 : memref<8x768xf32, #tpu.memory_space<vmem>>) dst(%dma_wait3A_144 : memref<8x768xf32, #tpu.memory_space<hbm>>)
    %dma_wait3A_145 = arith.constant 0 : i32
    %dma_wait3A_146 = tpu.memref_slice %arg4[%add3A_84, %dma_wait3A_145] : memref<2048x768xf32, #tpu.memory_space<hbm>> -> memref<8x768xf32, #tpu.memory_space<hbm>>
    %dma_wait3A_147 = arith.constant 0 : i32
    %dma_wait3A_148 = tpu.memref_slice %arg4[%add3A_84, %dma_wait3A_147] : memref<2048x768xf32, #tpu.memory_space<hbm>> -> memref<8x768xf32, #tpu.memory_space<hbm>>
    tpu.wait_dma2 semaphore(%arg26 : memref<!tpu.dma_semaphore, #tpu.memory_space<semaphore_mem>>) src(%arg9 : memref<8x768xf32, #tpu.memory_space<vmem>>) dst(%dma_wait3A_148 : memref<8x768xf32, #tpu.memory_space<hbm>>)
    %dma_wait3A_149 = arith.constant 0 : i32
    %dma_wait3A_150 = tpu.memref_slice %arg4[%add3A_95, %dma_wait3A_149] : memref<2048x768xf32, #tpu.memory_space<hbm>> -> memref<8x768xf32, #tpu.memory_space<hbm>>
    %dma_wait3A_151 = arith.constant 0 : i32
    %dma_wait3A_152 = tpu.memref_slice %arg4[%add3A_95, %dma_wait3A_151] : memref<2048x768xf32, #tpu.memory_space<hbm>> -> memref<8x768xf32, #tpu.memory_space<hbm>>
    tpu.wait_dma2 semaphore(%arg27 : memref<!tpu.dma_semaphore, #tpu.memory_space<semaphore_mem>>) src(%arg10 : memref<8x768xf32, #tpu.memory_space<vmem>>) dst(%dma_wait3A_152 : memref<8x768xf32, #tpu.memory_space<hbm>>)
    %dma_wait3A_153 = arith.constant 0 : i32
    %dma_wait3A_154 = tpu.memref_slice %arg4[%add3A_106, %dma_wait3A_153] : memref<2048x768xf32, #tpu.memory_space<hbm>> -> memref<8x768xf32, #tpu.memory_space<hbm>>
    %dma_wait3A_155 = arith.constant 0 : i32
    %dma_wait3A_156 = tpu.memref_slice %arg4[%add3A_106, %dma_wait3A_155] : memref<2048x768xf32, #tpu.memory_space<hbm>> -> memref<8x768xf32, #tpu.memory_space<hbm>>
    tpu.wait_dma2 semaphore(%arg28 : memref<!tpu.dma_semaphore, #tpu.memory_space<semaphore_mem>>) src(%arg11 : memref<8x768xf32, #tpu.memory_space<vmem>>) dst(%dma_wait3A_156 : memref<8x768xf32, #tpu.memory_space<hbm>>)
    %dma_wait3A_157 = arith.constant 0 : i32
    %dma_wait3A_158 = tpu.memref_slice %arg4[%add3A_117, %dma_wait3A_157] : memref<2048x768xf32, #tpu.memory_space<hbm>> -> memref<8x768xf32, #tpu.memory_space<hbm>>
    %dma_wait3A_159 = arith.constant 0 : i32
    %dma_wait3A_160 = tpu.memref_slice %arg4[%add3A_117, %dma_wait3A_159] : memref<2048x768xf32, #tpu.memory_space<hbm>> -> memref<8x768xf32, #tpu.memory_space<hbm>>
    tpu.wait_dma2 semaphore(%arg29 : memref<!tpu.dma_semaphore, #tpu.memory_space<semaphore_mem>>) src(%arg12 : memref<8x768xf32, #tpu.memory_space<vmem>>) dst(%dma_wait3A_160 : memref<8x768xf32, #tpu.memory_space<hbm>>)
    %dma_wait3A_161 = arith.constant 0 : i32
    %dma_wait3A_162 = tpu.memref_slice %arg4[%add3A_128, %dma_wait3A_161] : memref<2048x768xf32, #tpu.memory_space<hbm>> -> memref<8x768xf32, #tpu.memory_space<hbm>>
    %dma_wait3A_163 = arith.constant 0 : i32
    %dma_wait3A_164 = tpu.memref_slice %arg4[%add3A_128, %dma_wait3A_163] : memref<2048x768xf32, #tpu.memory_space<hbm>> -> memref<8x768xf32, #tpu.memory_space<hbm>>
    tpu.wait_dma2 semaphore(%arg30 : memref<!tpu.dma_semaphore, #tpu.memory_space<semaphore_mem>>) src(%arg13 : memref<8x768xf32, #tpu.memory_space<vmem>>) dst(%dma_wait3A_164 : memref<8x768xf32, #tpu.memory_space<hbm>>)
    return
  }
}

#map = affine_map<(d0, d1) -> (0)>
#map1 = affine_map<(d0, d1) -> (0, 0)>
module attributes {stable_mosaic.version = 14 : i64} {
  func.func @_sc_gather_body(%arg0: i32, %arg1: i32, %arg2: memref<2048xi32, #tpu.memory_space<hbm>>, %arg3: memref<30522x768xf32, #tpu.memory_space<hbm>>, %arg4: memref<2048x768xf32, #tpu.memory_space<hbm>>, %arg5: memref<64xi32, #tpu.memory_space<vmem>>, %arg6: memref<8x768xf32, #tpu.memory_space<vmem>>, %arg7: memref<8x768xf32, #tpu.memory_space<vmem>>, %arg8: memref<8x768xf32, #tpu.memory_space<vmem>>, %arg9: memref<8x768xf32, #tpu.memory_space<vmem>>, %arg10: memref<8x768xf32, #tpu.memory_space<vmem>>, %arg11: memref<8x768xf32, #tpu.memory_space<vmem>>, %arg12: memref<8x768xf32, #tpu.memory_space<vmem>>, %arg13: memref<8x768xf32, #tpu.memory_space<vmem>>, %arg14: memref<!tpu.dma_semaphore, #tpu.memory_space<semaphore_mem>>, %arg15: memref<!tpu.dma_semaphore, #tpu.memory_space<semaphore_mem>>, %arg16: memref<!tpu.dma_semaphore, #tpu.memory_space<semaphore_mem>>, %arg17: memref<!tpu.dma_semaphore, #tpu.memory_space<semaphore_mem>>, %arg18: memref<!tpu.dma_semaphore, #tpu.memory_space<semaphore_mem>>, %arg19: memref<!tpu.dma_semaphore, #tpu.memory_space<semaphore_mem>>, %arg20: memref<!tpu.dma_semaphore, #tpu.memory_space<semaphore_mem>>, %arg21: memref<!tpu.dma_semaphore, #tpu.memory_space<semaphore_mem>>, %arg22: memref<!tpu.dma_semaphore, #tpu.memory_space<semaphore_mem>>, %arg23: memref<!tpu.dma_semaphore, #tpu.memory_space<semaphore_mem>>, %arg24: memref<!tpu.dma_semaphore, #tpu.memory_space<semaphore_mem>>, %arg25: memref<!tpu.dma_semaphore, #tpu.memory_space<semaphore_mem>>, %arg26: memref<!tpu.dma_semaphore, #tpu.memory_space<semaphore_mem>>, %arg27: memref<!tpu.dma_semaphore, #tpu.memory_space<semaphore_mem>>, %arg28: memref<!tpu.dma_semaphore, #tpu.memory_space<semaphore_mem>>, %arg29: memref<!tpu.dma_semaphore, #tpu.memory_space<semaphore_mem>>, %arg30: memref<!tpu.dma_semaphore, #tpu.memory_space<semaphore_mem>>) attributes {dimension_semantics = [#tpu.dimension_semantics<core_parallel>, #tpu.dimension_semantics<subcore_parallel>], iteration_bounds = array<i64: 2, 16>, scalar_prefetch = 0 : i64, scratch_operands = 26 : i64, tpu.core_type = #tpu.core_type<sc_vector_subcore>, window_params = [{transform_indices = #map}, {transform_indices = #map1}, {transform_indices = #map1}]} {
    %mul3A = arith.constant 2 : i32
    %mul3A_0 = arith.muli %arg1, %mul3A : i32
    %add3A = arith.addi %mul3A_0, %arg0 : i32
    %mul3A_1 = arith.constant 64 : i32
    %mul3A_2 = arith.muli %add3A, %mul3A_1 : i32
    %dma_start3A = tpu.memref_slice %arg2[%mul3A_2] : memref<2048xi32, #tpu.memory_space<hbm>> -> memref<64xi32, #tpu.memory_space<hbm>>
    %dma_start3A_3 = tpu.memref_slice %arg2[%mul3A_2] : memref<2048xi32, #tpu.memory_space<hbm>> -> memref<64xi32, #tpu.memory_space<hbm>>
    tpu.enqueue_dma source(%dma_start3A_3 : memref<64xi32, #tpu.memory_space<hbm>>) target(%arg5 : memref<64xi32, #tpu.memory_space<vmem>>) target_semaphore(%arg14 : memref<!tpu.dma_semaphore, #tpu.memory_space<semaphore_mem>>)
    %dma_wait3A = tpu.memref_slice %arg2[%mul3A_2] : memref<2048xi32, #tpu.memory_space<hbm>> -> memref<64xi32, #tpu.memory_space<hbm>>
    %dma_wait3A_4 = tpu.memref_slice %arg2[%mul3A_2] : memref<2048xi32, #tpu.memory_space<hbm>> -> memref<64xi32, #tpu.memory_space<hbm>>
    tpu.wait_dma2 semaphore(%arg14 : memref<!tpu.dma_semaphore, #tpu.memory_space<semaphore_mem>>) src(%dma_wait3A_4 : memref<64xi32, #tpu.memory_space<hbm>>) dst(%arg5 : memref<64xi32, #tpu.memory_space<vmem>>)
    %dma_start3A_5 = arith.constant 0 : i32
    %dma_start3A_6 = tpu.memref_slice %arg5[%dma_start3A_5] : memref<64xi32, #tpu.memory_space<vmem>> -> memref<8xi32, #tpu.memory_space<vmem>>
    %dma_start3A_7 = arith.constant 0 : i32
    %dma_start3A_8 = arith.constant 0 : i32
    %dma_start3A_9 = tpu.memref_slice %arg3[%dma_start3A_7, %dma_start3A_8] : memref<30522x768xf32, #tpu.memory_space<hbm>> -> memref<30522x768xf32, #tpu.memory_space<hbm>>
    tpu.enqueue_indirect_dma source(%dma_start3A_9 : memref<30522x768xf32, #tpu.memory_space<hbm>>) target(%arg6 : memref<8x768xf32, #tpu.memory_space<vmem>>) offsets(%dma_start3A_6 : memref<8xi32, #tpu.memory_space<vmem>>) semaphore(%arg15 : memref<!tpu.dma_semaphore, #tpu.memory_space<semaphore_mem>>)
    %dma_start3A_10 = arith.constant 8 : i32
    %dma_start3A_11 = tpu.memref_slice %arg5[%dma_start3A_10] : memref<64xi32, #tpu.memory_space<vmem>> -> memref<8xi32, #tpu.memory_space<vmem>>
    %dma_start3A_12 = arith.constant 0 : i32
    %dma_start3A_13 = arith.constant 0 : i32
    %dma_start3A_14 = tpu.memref_slice %arg3[%dma_start3A_12, %dma_start3A_13] : memref<30522x768xf32, #tpu.memory_space<hbm>> -> memref<30522x768xf32, #tpu.memory_space<hbm>>
    tpu.enqueue_indirect_dma source(%dma_start3A_14 : memref<30522x768xf32, #tpu.memory_space<hbm>>) target(%arg7 : memref<8x768xf32, #tpu.memory_space<vmem>>) offsets(%dma_start3A_11 : memref<8xi32, #tpu.memory_space<vmem>>) semaphore(%arg16 : memref<!tpu.dma_semaphore, #tpu.memory_space<semaphore_mem>>)
    %dma_start3A_15 = arith.constant 16 : i32
    %dma_start3A_16 = tpu.memref_slice %arg5[%dma_start3A_15] : memref<64xi32, #tpu.memory_space<vmem>> -> memref<8xi32, #tpu.memory_space<vmem>>
    %dma_start3A_17 = arith.constant 0 : i32
    %dma_start3A_18 = arith.constant 0 : i32
    %dma_start3A_19 = tpu.memref_slice %arg3[%dma_start3A_17, %dma_start3A_18] : memref<30522x768xf32, #tpu.memory_space<hbm>> -> memref<30522x768xf32, #tpu.memory_space<hbm>>
    tpu.enqueue_indirect_dma source(%dma_start3A_19 : memref<30522x768xf32, #tpu.memory_space<hbm>>) target(%arg8 : memref<8x768xf32, #tpu.memory_space<vmem>>) offsets(%dma_start3A_16 : memref<8xi32, #tpu.memory_space<vmem>>) semaphore(%arg17 : memref<!tpu.dma_semaphore, #tpu.memory_space<semaphore_mem>>)
    %dma_start3A_20 = arith.constant 24 : i32
    %dma_start3A_21 = tpu.memref_slice %arg5[%dma_start3A_20] : memref<64xi32, #tpu.memory_space<vmem>> -> memref<8xi32, #tpu.memory_space<vmem>>
    %dma_start3A_22 = arith.constant 0 : i32
    %dma_start3A_23 = arith.constant 0 : i32
    %dma_start3A_24 = tpu.memref_slice %arg3[%dma_start3A_22, %dma_start3A_23] : memref<30522x768xf32, #tpu.memory_space<hbm>> -> memref<30522x768xf32, #tpu.memory_space<hbm>>
    tpu.enqueue_indirect_dma source(%dma_start3A_24 : memref<30522x768xf32, #tpu.memory_space<hbm>>) target(%arg9 : memref<8x768xf32, #tpu.memory_space<vmem>>) offsets(%dma_start3A_21 : memref<8xi32, #tpu.memory_space<vmem>>) semaphore(%arg18 : memref<!tpu.dma_semaphore, #tpu.memory_space<semaphore_mem>>)
    %dma_start3A_25 = arith.constant 32 : i32
    %dma_start3A_26 = tpu.memref_slice %arg5[%dma_start3A_25] : memref<64xi32, #tpu.memory_space<vmem>> -> memref<8xi32, #tpu.memory_space<vmem>>
    %dma_start3A_27 = arith.constant 0 : i32
    %dma_start3A_28 = arith.constant 0 : i32
    %dma_start3A_29 = tpu.memref_slice %arg3[%dma_start3A_27, %dma_start3A_28] : memref<30522x768xf32, #tpu.memory_space<hbm>> -> memref<30522x768xf32, #tpu.memory_space<hbm>>
    tpu.enqueue_indirect_dma source(%dma_start3A_29 : memref<30522x768xf32, #tpu.memory_space<hbm>>) target(%arg10 : memref<8x768xf32, #tpu.memory_space<vmem>>) offsets(%dma_start3A_26 : memref<8xi32, #tpu.memory_space<vmem>>) semaphore(%arg19 : memref<!tpu.dma_semaphore, #tpu.memory_space<semaphore_mem>>)
    %dma_start3A_30 = arith.constant 40 : i32
    %dma_start3A_31 = tpu.memref_slice %arg5[%dma_start3A_30] : memref<64xi32, #tpu.memory_space<vmem>> -> memref<8xi32, #tpu.memory_space<vmem>>
    %dma_start3A_32 = arith.constant 0 : i32
    %dma_start3A_33 = arith.constant 0 : i32
    %dma_start3A_34 = tpu.memref_slice %arg3[%dma_start3A_32, %dma_start3A_33] : memref<30522x768xf32, #tpu.memory_space<hbm>> -> memref<30522x768xf32, #tpu.memory_space<hbm>>
    tpu.enqueue_indirect_dma source(%dma_start3A_34 : memref<30522x768xf32, #tpu.memory_space<hbm>>) target(%arg11 : memref<8x768xf32, #tpu.memory_space<vmem>>) offsets(%dma_start3A_31 : memref<8xi32, #tpu.memory_space<vmem>>) semaphore(%arg20 : memref<!tpu.dma_semaphore, #tpu.memory_space<semaphore_mem>>)
    %dma_start3A_35 = arith.constant 48 : i32
    %dma_start3A_36 = tpu.memref_slice %arg5[%dma_start3A_35] : memref<64xi32, #tpu.memory_space<vmem>> -> memref<8xi32, #tpu.memory_space<vmem>>
    %dma_start3A_37 = arith.constant 0 : i32
    %dma_start3A_38 = arith.constant 0 : i32
    %dma_start3A_39 = tpu.memref_slice %arg3[%dma_start3A_37, %dma_start3A_38] : memref<30522x768xf32, #tpu.memory_space<hbm>> -> memref<30522x768xf32, #tpu.memory_space<hbm>>
    tpu.enqueue_indirect_dma source(%dma_start3A_39 : memref<30522x768xf32, #tpu.memory_space<hbm>>) target(%arg12 : memref<8x768xf32, #tpu.memory_space<vmem>>) offsets(%dma_start3A_36 : memref<8xi32, #tpu.memory_space<vmem>>) semaphore(%arg21 : memref<!tpu.dma_semaphore, #tpu.memory_space<semaphore_mem>>)
    %dma_start3A_40 = arith.constant 56 : i32
    %dma_start3A_41 = tpu.memref_slice %arg5[%dma_start3A_40] : memref<64xi32, #tpu.memory_space<vmem>> -> memref<8xi32, #tpu.memory_space<vmem>>
    %dma_start3A_42 = arith.constant 0 : i32
    %dma_start3A_43 = arith.constant 0 : i32
    %dma_start3A_44 = tpu.memref_slice %arg3[%dma_start3A_42, %dma_start3A_43] : memref<30522x768xf32, #tpu.memory_space<hbm>> -> memref<30522x768xf32, #tpu.memory_space<hbm>>
    tpu.enqueue_indirect_dma source(%dma_start3A_44 : memref<30522x768xf32, #tpu.memory_space<hbm>>) target(%arg13 : memref<8x768xf32, #tpu.memory_space<vmem>>) offsets(%dma_start3A_41 : memref<8xi32, #tpu.memory_space<vmem>>) semaphore(%arg22 : memref<!tpu.dma_semaphore, #tpu.memory_space<semaphore_mem>>)
    %dma_wait3A_45 = arith.constant 0 : i32
    %dma_wait3A_46 = tpu.memref_slice %arg5[%dma_wait3A_45] : memref<64xi32, #tpu.memory_space<vmem>> -> memref<8xi32, #tpu.memory_space<vmem>>
    %dma_wait3A_47 = arith.constant 0 : i32
    %dma_wait3A_48 = arith.constant 0 : i32
    %dma_wait3A_49 = tpu.memref_slice %arg3[%dma_wait3A_47, %dma_wait3A_48] : memref<30522x768xf32, #tpu.memory_space<hbm>> -> memref<30522x768xf32, #tpu.memory_space<hbm>>
    tpu.wait_indirect_dma semaphore(%arg15 : memref<!tpu.dma_semaphore, #tpu.memory_space<semaphore_mem>>) src(%dma_wait3A_49 : memref<30522x768xf32, #tpu.memory_space<hbm>>) dst(%arg6 : memref<8x768xf32, #tpu.memory_space<vmem>>)
    %add3A_50 = arith.constant 0 : i32
    %add3A_51 = arith.addi %mul3A_2, %add3A_50 : i32
    %dma_start3A_52 = arith.constant 0 : i32
    %dma_start3A_53 = tpu.memref_slice %arg4[%add3A_51, %dma_start3A_52] : memref<2048x768xf32, #tpu.memory_space<hbm>> -> memref<8x768xf32, #tpu.memory_space<hbm>>
    %dma_start3A_54 = arith.constant 0 : i32
    %dma_start3A_55 = tpu.memref_slice %arg4[%add3A_51, %dma_start3A_54] : memref<2048x768xf32, #tpu.memory_space<hbm>> -> memref<8x768xf32, #tpu.memory_space<hbm>>
    tpu.enqueue_dma source(%arg6 : memref<8x768xf32, #tpu.memory_space<vmem>>) target(%dma_start3A_55 : memref<8x768xf32, #tpu.memory_space<hbm>>) target_semaphore(%arg23 : memref<!tpu.dma_semaphore, #tpu.memory_space<semaphore_mem>>)
    %dma_wait3A_56 = arith.constant 8 : i32
    %dma_wait3A_57 = tpu.memref_slice %arg5[%dma_wait3A_56] : memref<64xi32, #tpu.memory_space<vmem>> -> memref<8xi32, #tpu.memory_space<vmem>>
    %dma_wait3A_58 = arith.constant 0 : i32
    %dma_wait3A_59 = arith.constant 0 : i32
    %dma_wait3A_60 = tpu.memref_slice %arg3[%dma_wait3A_58, %dma_wait3A_59] : memref<30522x768xf32, #tpu.memory_space<hbm>> -> memref<30522x768xf32, #tpu.memory_space<hbm>>
    tpu.wait_indirect_dma semaphore(%arg16 : memref<!tpu.dma_semaphore, #tpu.memory_space<semaphore_mem>>) src(%dma_wait3A_60 : memref<30522x768xf32, #tpu.memory_space<hbm>>) dst(%arg7 : memref<8x768xf32, #tpu.memory_space<vmem>>)
    %add3A_61 = arith.constant 8 : i32
    %add3A_62 = arith.addi %mul3A_2, %add3A_61 : i32
    %dma_start3A_63 = arith.constant 0 : i32
    %dma_start3A_64 = tpu.memref_slice %arg4[%add3A_62, %dma_start3A_63] : memref<2048x768xf32, #tpu.memory_space<hbm>> -> memref<8x768xf32, #tpu.memory_space<hbm>>
    %dma_start3A_65 = arith.constant 0 : i32
    %dma_start3A_66 = tpu.memref_slice %arg4[%add3A_62, %dma_start3A_65] : memref<2048x768xf32, #tpu.memory_space<hbm>> -> memref<8x768xf32, #tpu.memory_space<hbm>>
    tpu.enqueue_dma source(%arg7 : memref<8x768xf32, #tpu.memory_space<vmem>>) target(%dma_start3A_66 : memref<8x768xf32, #tpu.memory_space<hbm>>) target_semaphore(%arg24 : memref<!tpu.dma_semaphore, #tpu.memory_space<semaphore_mem>>)
    %dma_wait3A_67 = arith.constant 16 : i32
    %dma_wait3A_68 = tpu.memref_slice %arg5[%dma_wait3A_67] : memref<64xi32, #tpu.memory_space<vmem>> -> memref<8xi32, #tpu.memory_space<vmem>>
    %dma_wait3A_69 = arith.constant 0 : i32
    %dma_wait3A_70 = arith.constant 0 : i32
    %dma_wait3A_71 = tpu.memref_slice %arg3[%dma_wait3A_69, %dma_wait3A_70] : memref<30522x768xf32, #tpu.memory_space<hbm>> -> memref<30522x768xf32, #tpu.memory_space<hbm>>
    tpu.wait_indirect_dma semaphore(%arg17 : memref<!tpu.dma_semaphore, #tpu.memory_space<semaphore_mem>>) src(%dma_wait3A_71 : memref<30522x768xf32, #tpu.memory_space<hbm>>) dst(%arg8 : memref<8x768xf32, #tpu.memory_space<vmem>>)
    %add3A_72 = arith.constant 16 : i32
    %add3A_73 = arith.addi %mul3A_2, %add3A_72 : i32
    %dma_start3A_74 = arith.constant 0 : i32
    %dma_start3A_75 = tpu.memref_slice %arg4[%add3A_73, %dma_start3A_74] : memref<2048x768xf32, #tpu.memory_space<hbm>> -> memref<8x768xf32, #tpu.memory_space<hbm>>
    %dma_start3A_76 = arith.constant 0 : i32
    %dma_start3A_77 = tpu.memref_slice %arg4[%add3A_73, %dma_start3A_76] : memref<2048x768xf32, #tpu.memory_space<hbm>> -> memref<8x768xf32, #tpu.memory_space<hbm>>
    tpu.enqueue_dma source(%arg8 : memref<8x768xf32, #tpu.memory_space<vmem>>) target(%dma_start3A_77 : memref<8x768xf32, #tpu.memory_space<hbm>>) target_semaphore(%arg25 : memref<!tpu.dma_semaphore, #tpu.memory_space<semaphore_mem>>)
    %dma_wait3A_78 = arith.constant 24 : i32
    %dma_wait3A_79 = tpu.memref_slice %arg5[%dma_wait3A_78] : memref<64xi32, #tpu.memory_space<vmem>> -> memref<8xi32, #tpu.memory_space<vmem>>
    %dma_wait3A_80 = arith.constant 0 : i32
    %dma_wait3A_81 = arith.constant 0 : i32
    %dma_wait3A_82 = tpu.memref_slice %arg3[%dma_wait3A_80, %dma_wait3A_81] : memref<30522x768xf32, #tpu.memory_space<hbm>> -> memref<30522x768xf32, #tpu.memory_space<hbm>>
    tpu.wait_indirect_dma semaphore(%arg18 : memref<!tpu.dma_semaphore, #tpu.memory_space<semaphore_mem>>) src(%dma_wait3A_82 : memref<30522x768xf32, #tpu.memory_space<hbm>>) dst(%arg9 : memref<8x768xf32, #tpu.memory_space<vmem>>)
    %add3A_83 = arith.constant 24 : i32
    %add3A_84 = arith.addi %mul3A_2, %add3A_83 : i32
    %dma_start3A_85 = arith.constant 0 : i32
    %dma_start3A_86 = tpu.memref_slice %arg4[%add3A_84, %dma_start3A_85] : memref<2048x768xf32, #tpu.memory_space<hbm>> -> memref<8x768xf32, #tpu.memory_space<hbm>>
    %dma_start3A_87 = arith.constant 0 : i32
    %dma_start3A_88 = tpu.memref_slice %arg4[%add3A_84, %dma_start3A_87] : memref<2048x768xf32, #tpu.memory_space<hbm>> -> memref<8x768xf32, #tpu.memory_space<hbm>>
    tpu.enqueue_dma source(%arg9 : memref<8x768xf32, #tpu.memory_space<vmem>>) target(%dma_start3A_88 : memref<8x768xf32, #tpu.memory_space<hbm>>) target_semaphore(%arg26 : memref<!tpu.dma_semaphore, #tpu.memory_space<semaphore_mem>>)
    %dma_wait3A_89 = arith.constant 32 : i32
    %dma_wait3A_90 = tpu.memref_slice %arg5[%dma_wait3A_89] : memref<64xi32, #tpu.memory_space<vmem>> -> memref<8xi32, #tpu.memory_space<vmem>>
    %dma_wait3A_91 = arith.constant 0 : i32
    %dma_wait3A_92 = arith.constant 0 : i32
    %dma_wait3A_93 = tpu.memref_slice %arg3[%dma_wait3A_91, %dma_wait3A_92] : memref<30522x768xf32, #tpu.memory_space<hbm>> -> memref<30522x768xf32, #tpu.memory_space<hbm>>
    tpu.wait_indirect_dma semaphore(%arg19 : memref<!tpu.dma_semaphore, #tpu.memory_space<semaphore_mem>>) src(%dma_wait3A_93 : memref<30522x768xf32, #tpu.memory_space<hbm>>) dst(%arg10 : memref<8x768xf32, #tpu.memory_space<vmem>>)
    %add3A_94 = arith.constant 32 : i32
    %add3A_95 = arith.addi %mul3A_2, %add3A_94 : i32
    %dma_start3A_96 = arith.constant 0 : i32
    %dma_start3A_97 = tpu.memref_slice %arg4[%add3A_95, %dma_start3A_96] : memref<2048x768xf32, #tpu.memory_space<hbm>> -> memref<8x768xf32, #tpu.memory_space<hbm>>
    %dma_start3A_98 = arith.constant 0 : i32
    %dma_start3A_99 = tpu.memref_slice %arg4[%add3A_95, %dma_start3A_98] : memref<2048x768xf32, #tpu.memory_space<hbm>> -> memref<8x768xf32, #tpu.memory_space<hbm>>
    tpu.enqueue_dma source(%arg10 : memref<8x768xf32, #tpu.memory_space<vmem>>) target(%dma_start3A_99 : memref<8x768xf32, #tpu.memory_space<hbm>>) target_semaphore(%arg27 : memref<!tpu.dma_semaphore, #tpu.memory_space<semaphore_mem>>)
    %dma_wait3A_100 = arith.constant 40 : i32
    %dma_wait3A_101 = tpu.memref_slice %arg5[%dma_wait3A_100] : memref<64xi32, #tpu.memory_space<vmem>> -> memref<8xi32, #tpu.memory_space<vmem>>
    %dma_wait3A_102 = arith.constant 0 : i32
    %dma_wait3A_103 = arith.constant 0 : i32
    %dma_wait3A_104 = tpu.memref_slice %arg3[%dma_wait3A_102, %dma_wait3A_103] : memref<30522x768xf32, #tpu.memory_space<hbm>> -> memref<30522x768xf32, #tpu.memory_space<hbm>>
    tpu.wait_indirect_dma semaphore(%arg20 : memref<!tpu.dma_semaphore, #tpu.memory_space<semaphore_mem>>) src(%dma_wait3A_104 : memref<30522x768xf32, #tpu.memory_space<hbm>>) dst(%arg11 : memref<8x768xf32, #tpu.memory_space<vmem>>)
    %add3A_105 = arith.constant 40 : i32
    %add3A_106 = arith.addi %mul3A_2, %add3A_105 : i32
    %dma_start3A_107 = arith.constant 0 : i32
    %dma_start3A_108 = tpu.memref_slice %arg4[%add3A_106, %dma_start3A_107] : memref<2048x768xf32, #tpu.memory_space<hbm>> -> memref<8x768xf32, #tpu.memory_space<hbm>>
    %dma_start3A_109 = arith.constant 0 : i32
    %dma_start3A_110 = tpu.memref_slice %arg4[%add3A_106, %dma_start3A_109] : memref<2048x768xf32, #tpu.memory_space<hbm>> -> memref<8x768xf32, #tpu.memory_space<hbm>>
    tpu.enqueue_dma source(%arg11 : memref<8x768xf32, #tpu.memory_space<vmem>>) target(%dma_start3A_110 : memref<8x768xf32, #tpu.memory_space<hbm>>) target_semaphore(%arg28 : memref<!tpu.dma_semaphore, #tpu.memory_space<semaphore_mem>>)
    %dma_wait3A_111 = arith.constant 48 : i32
    %dma_wait3A_112 = tpu.memref_slice %arg5[%dma_wait3A_111] : memref<64xi32, #tpu.memory_space<vmem>> -> memref<8xi32, #tpu.memory_space<vmem>>
    %dma_wait3A_113 = arith.constant 0 : i32
    %dma_wait3A_114 = arith.constant 0 : i32
    %dma_wait3A_115 = tpu.memref_slice %arg3[%dma_wait3A_113, %dma_wait3A_114] : memref<30522x768xf32, #tpu.memory_space<hbm>> -> memref<30522x768xf32, #tpu.memory_space<hbm>>
    tpu.wait_indirect_dma semaphore(%arg21 : memref<!tpu.dma_semaphore, #tpu.memory_space<semaphore_mem>>) src(%dma_wait3A_115 : memref<30522x768xf32, #tpu.memory_space<hbm>>) dst(%arg12 : memref<8x768xf32, #tpu.memory_space<vmem>>)
    %add3A_116 = arith.constant 48 : i32
    %add3A_117 = arith.addi %mul3A_2, %add3A_116 : i32
    %dma_start3A_118 = arith.constant 0 : i32
    %dma_start3A_119 = tpu.memref_slice %arg4[%add3A_117, %dma_start3A_118] : memref<2048x768xf32, #tpu.memory_space<hbm>> -> memref<8x768xf32, #tpu.memory_space<hbm>>
    %dma_start3A_120 = arith.constant 0 : i32
    %dma_start3A_121 = tpu.memref_slice %arg4[%add3A_117, %dma_start3A_120] : memref<2048x768xf32, #tpu.memory_space<hbm>> -> memref<8x768xf32, #tpu.memory_space<hbm>>
    tpu.enqueue_dma source(%arg12 : memref<8x768xf32, #tpu.memory_space<vmem>>) target(%dma_start3A_121 : memref<8x768xf32, #tpu.memory_space<hbm>>) target_semaphore(%arg29 : memref<!tpu.dma_semaphore, #tpu.memory_space<semaphore_mem>>)
    %dma_wait3A_122 = arith.constant 56 : i32
    %dma_wait3A_123 = tpu.memref_slice %arg5[%dma_wait3A_122] : memref<64xi32, #tpu.memory_space<vmem>> -> memref<8xi32, #tpu.memory_space<vmem>>
    %dma_wait3A_124 = arith.constant 0 : i32
    %dma_wait3A_125 = arith.constant 0 : i32
    %dma_wait3A_126 = tpu.memref_slice %arg3[%dma_wait3A_124, %dma_wait3A_125] : memref<30522x768xf32, #tpu.memory_space<hbm>> -> memref<30522x768xf32, #tpu.memory_space<hbm>>
    tpu.wait_indirect_dma semaphore(%arg22 : memref<!tpu.dma_semaphore, #tpu.memory_space<semaphore_mem>>) src(%dma_wait3A_126 : memref<30522x768xf32, #tpu.memory_space<hbm>>) dst(%arg13 : memref<8x768xf32, #tpu.memory_space<vmem>>)
    %add3A_127 = arith.constant 56 : i32
    %add3A_128 = arith.addi %mul3A_2, %add3A_127 : i32
    %dma_start3A_129 = arith.constant 0 : i32
    %dma_start3A_130 = tpu.memref_slice %arg4[%add3A_128, %dma_start3A_129] : memref<2048x768xf32, #tpu.memory_space<hbm>> -> memref<8x768xf32, #tpu.memory_space<hbm>>
    %dma_start3A_131 = arith.constant 0 : i32
    %dma_start3A_132 = tpu.memref_slice %arg4[%add3A_128, %dma_start3A_131] : memref<2048x768xf32, #tpu.memory_space<hbm>> -> memref<8x768xf32, #tpu.memory_space<hbm>>
    tpu.enqueue_dma source(%arg13 : memref<8x768xf32, #tpu.memory_space<vmem>>) target(%dma_start3A_132 : memref<8x768xf32, #tpu.memory_space<hbm>>) target_semaphore(%arg30 : memref<!tpu.dma_semaphore, #tpu.memory_space<semaphore_mem>>)
    %dma_wait3A_133 = arith.constant 0 : i32
    %dma_wait3A_134 = tpu.memref_slice %arg4[%add3A_51, %dma_wait3A_133] : memref<2048x768xf32, #tpu.memory_space<hbm>> -> memref<8x768xf32, #tpu.memory_space<hbm>>
    %dma_wait3A_135 = arith.constant 0 : i32
    %dma_wait3A_136 = tpu.memref_slice %arg4[%add3A_51, %dma_wait3A_135] : memref<2048x768xf32, #tpu.memory_space<hbm>> -> memref<8x768xf32, #tpu.memory_space<hbm>>
    tpu.wait_dma2 semaphore(%arg23 : memref<!tpu.dma_semaphore, #tpu.memory_space<semaphore_mem>>) src(%arg6 : memref<8x768xf32, #tpu.memory_space<vmem>>) dst(%dma_wait3A_136 : memref<8x768xf32, #tpu.memory_space<hbm>>)
    %dma_wait3A_137 = arith.constant 0 : i32
    %dma_wait3A_138 = tpu.memref_slice %arg4[%add3A_62, %dma_wait3A_137] : memref<2048x768xf32, #tpu.memory_space<hbm>> -> memref<8x768xf32, #tpu.memory_space<hbm>>
    %dma_wait3A_139 = arith.constant 0 : i32
    %dma_wait3A_140 = tpu.memref_slice %arg4[%add3A_62, %dma_wait3A_139] : memref<2048x768xf32, #tpu.memory_space<hbm>> -> memref<8x768xf32, #tpu.memory_space<hbm>>
    tpu.wait_dma2 semaphore(%arg24 : memref<!tpu.dma_semaphore, #tpu.memory_space<semaphore_mem>>) src(%arg7 : memref<8x768xf32, #tpu.memory_space<vmem>>) dst(%dma_wait3A_140 : memref<8x768xf32, #tpu.memory_space<hbm>>)
    %dma_wait3A_141 = arith.constant 0 : i32
    %dma_wait3A_142 = tpu.memref_slice %arg4[%add3A_73, %dma_wait3A_141] : memref<2048x768xf32, #tpu.memory_space<hbm>> -> memref<8x768xf32, #tpu.memory_space<hbm>>
    %dma_wait3A_143 = arith.constant 0 : i32
    %dma_wait3A_144 = tpu.memref_slice %arg4[%add3A_73, %dma_wait3A_143] : memref<2048x768xf32, #tpu.memory_space<hbm>> -> memref<8x768xf32, #tpu.memory_space<hbm>>
    tpu.wait_dma2 semaphore(%arg25 : memref<!tpu.dma_semaphore, #tpu.memory_space<semaphore_mem>>) src(%arg8 : memref<8x768xf32, #tpu.memory_space<vmem>>) dst(%dma_wait3A_144 : memref<8x768xf32, #tpu.memory_space<hbm>>)
    %dma_wait3A_145 = arith.constant 0 : i32
    %dma_wait3A_146 = tpu.memref_slice %arg4[%add3A_84, %dma_wait3A_145] : memref<2048x768xf32, #tpu.memory_space<hbm>> -> memref<8x768xf32, #tpu.memory_space<hbm>>
    %dma_wait3A_147 = arith.constant 0 : i32
    %dma_wait3A_148 = tpu.memref_slice %arg4[%add3A_84, %dma_wait3A_147] : memref<2048x768xf32, #tpu.memory_space<hbm>> -> memref<8x768xf32, #tpu.memory_space<hbm>>
    tpu.wait_dma2 semaphore(%arg26 : memref<!tpu.dma_semaphore, #tpu.memory_space<semaphore_mem>>) src(%arg9 : memref<8x768xf32, #tpu.memory_space<vmem>>) dst(%dma_wait3A_148 : memref<8x768xf32, #tpu.memory_space<hbm>>)
    %dma_wait3A_149 = arith.constant 0 : i32
    %dma_wait3A_150 = tpu.memref_slice %arg4[%add3A_95, %dma_wait3A_149] : memref<2048x768xf32, #tpu.memory_space<hbm>> -> memref<8x768xf32, #tpu.memory_space<hbm>>
    %dma_wait3A_151 = arith.constant 0 : i32
    %dma_wait3A_152 = tpu.memref_slice %arg4[%add3A_95, %dma_wait3A_151] : memref<2048x768xf32, #tpu.memory_space<hbm>> -> memref<8x768xf32, #tpu.memory_space<hbm>>
    tpu.wait_dma2 semaphore(%arg27 : memref<!tpu.dma_semaphore, #tpu.memory_space<semaphore_mem>>) src(%arg10 : memref<8x768xf32, #tpu.memory_space<vmem>>) dst(%dma_wait3A_152 : memref<8x768xf32, #tpu.memory_space<hbm>>)
    %dma_wait3A_153 = arith.constant 0 : i32
    %dma_wait3A_154 = tpu.memref_slice %arg4[%add3A_106, %dma_wait3A_153] : memref<2048x768xf32, #tpu.memory_space<hbm>> -> memref<8x768xf32, #tpu.memory_space<hbm>>
    %dma_wait3A_155 = arith.constant 0 : i32
    %dma_wait3A_156 = tpu.memref_slice %arg4[%add3A_106, %dma_wait3A_155] : memref<2048x768xf32, #tpu.memory_space<hbm>> -> memref<8x768xf32, #tpu.memory_space<hbm>>
    tpu.wait_dma2 semaphore(%arg28 : memref<!tpu.dma_semaphore, #tpu.memory_space<semaphore_mem>>) src(%arg11 : memref<8x768xf32, #tpu.memory_space<vmem>>) dst(%dma_wait3A_156 : memref<8x768xf32, #tpu.memory_space<hbm>>)
    %dma_wait3A_157 = arith.constant 0 : i32
    %dma_wait3A_158 = tpu.memref_slice %arg4[%add3A_117, %dma_wait3A_157] : memref<2048x768xf32, #tpu.memory_space<hbm>> -> memref<8x768xf32, #tpu.memory_space<hbm>>
    %dma_wait3A_159 = arith.constant 0 : i32
    %dma_wait3A_160 = tpu.memref_slice %arg4[%add3A_117, %dma_wait3A_159] : memref<2048x768xf32, #tpu.memory_space<hbm>> -> memref<8x768xf32, #tpu.memory_space<hbm>>
    tpu.wait_dma2 semaphore(%arg29 : memref<!tpu.dma_semaphore, #tpu.memory_space<semaphore_mem>>) src(%arg12 : memref<8x768xf32, #tpu.memory_space<vmem>>) dst(%dma_wait3A_160 : memref<8x768xf32, #tpu.memory_space<hbm>>)
    %dma_wait3A_161 = arith.constant 0 : i32
    %dma_wait3A_162 = tpu.memref_slice %arg4[%add3A_128, %dma_wait3A_161] : memref<2048x768xf32, #tpu.memory_space<hbm>> -> memref<8x768xf32, #tpu.memory_space<hbm>>
    %dma_wait3A_163 = arith.constant 0 : i32
    %dma_wait3A_164 = tpu.memref_slice %arg4[%add3A_128, %dma_wait3A_163] : memref<2048x768xf32, #tpu.memory_space<hbm>> -> memref<8x768xf32, #tpu.memory_space<hbm>>
    tpu.wait_dma2 semaphore(%arg30 : memref<!tpu.dma_semaphore, #tpu.memory_space<semaphore_mem>>) src(%arg13 : memref<8x768xf32, #tpu.memory_space<vmem>>) dst(%dma_wait3A_164 : memref<8x768xf32, #tpu.memory_space<hbm>>)
    return
  }
}

#map = affine_map<(d0, d1) -> (0)>
#map1 = affine_map<(d0, d1) -> (0, 0)>
module attributes {stable_mosaic.version = 14 : i64} {
  func.func @_sc_gather_body(%arg0: i32, %arg1: i32, %arg2: memref<2048xi32, #tpu.memory_space<hbm>>, %arg3: memref<30522x768xf32, #tpu.memory_space<hbm>>, %arg4: memref<2048x768xf32, #tpu.memory_space<hbm>>, %arg5: memref<64xi32, #tpu.memory_space<vmem>>, %arg6: memref<8x768xf32, #tpu.memory_space<vmem>>, %arg7: memref<8x768xf32, #tpu.memory_space<vmem>>, %arg8: memref<8x768xf32, #tpu.memory_space<vmem>>, %arg9: memref<8x768xf32, #tpu.memory_space<vmem>>, %arg10: memref<8x768xf32, #tpu.memory_space<vmem>>, %arg11: memref<8x768xf32, #tpu.memory_space<vmem>>, %arg12: memref<8x768xf32, #tpu.memory_space<vmem>>, %arg13: memref<8x768xf32, #tpu.memory_space<vmem>>, %arg14: memref<!tpu.dma_semaphore, #tpu.memory_space<semaphore_mem>>, %arg15: memref<!tpu.dma_semaphore, #tpu.memory_space<semaphore_mem>>, %arg16: memref<!tpu.dma_semaphore, #tpu.memory_space<semaphore_mem>>, %arg17: memref<!tpu.dma_semaphore, #tpu.memory_space<semaphore_mem>>, %arg18: memref<!tpu.dma_semaphore, #tpu.memory_space<semaphore_mem>>, %arg19: memref<!tpu.dma_semaphore, #tpu.memory_space<semaphore_mem>>, %arg20: memref<!tpu.dma_semaphore, #tpu.memory_space<semaphore_mem>>, %arg21: memref<!tpu.dma_semaphore, #tpu.memory_space<semaphore_mem>>, %arg22: memref<!tpu.dma_semaphore, #tpu.memory_space<semaphore_mem>>, %arg23: memref<!tpu.dma_semaphore, #tpu.memory_space<semaphore_mem>>, %arg24: memref<!tpu.dma_semaphore, #tpu.memory_space<semaphore_mem>>, %arg25: memref<!tpu.dma_semaphore, #tpu.memory_space<semaphore_mem>>, %arg26: memref<!tpu.dma_semaphore, #tpu.memory_space<semaphore_mem>>, %arg27: memref<!tpu.dma_semaphore, #tpu.memory_space<semaphore_mem>>, %arg28: memref<!tpu.dma_semaphore, #tpu.memory_space<semaphore_mem>>, %arg29: memref<!tpu.dma_semaphore, #tpu.memory_space<semaphore_mem>>, %arg30: memref<!tpu.dma_semaphore, #tpu.memory_space<semaphore_mem>>) attributes {dimension_semantics = [#tpu.dimension_semantics<core_parallel>, #tpu.dimension_semantics<subcore_parallel>], iteration_bounds = array<i64: 2, 16>, scalar_prefetch = 0 : i64, scratch_operands = 26 : i64, tpu.core_type = #tpu.core_type<sc_vector_subcore>, window_params = [{transform_indices = #map}, {transform_indices = #map1}, {transform_indices = #map1}]} {
    %mul3A = arith.constant 2 : i32
    %mul3A_0 = arith.muli %arg1, %mul3A : i32
    %add3A = arith.addi %mul3A_0, %arg0 : i32
    %mul3A_1 = arith.constant 64 : i32
    %mul3A_2 = arith.muli %add3A, %mul3A_1 : i32
    %dma_start3A = tpu.memref_slice %arg2[%mul3A_2] : memref<2048xi32, #tpu.memory_space<hbm>> -> memref<64xi32, #tpu.memory_space<hbm>>
    %dma_start3A_3 = tpu.memref_slice %arg2[%mul3A_2] : memref<2048xi32, #tpu.memory_space<hbm>> -> memref<64xi32, #tpu.memory_space<hbm>>
    tpu.enqueue_dma source(%dma_start3A_3 : memref<64xi32, #tpu.memory_space<hbm>>) target(%arg5 : memref<64xi32, #tpu.memory_space<vmem>>) target_semaphore(%arg14 : memref<!tpu.dma_semaphore, #tpu.memory_space<semaphore_mem>>)
    %dma_wait3A = tpu.memref_slice %arg2[%mul3A_2] : memref<2048xi32, #tpu.memory_space<hbm>> -> memref<64xi32, #tpu.memory_space<hbm>>
    %dma_wait3A_4 = tpu.memref_slice %arg2[%mul3A_2] : memref<2048xi32, #tpu.memory_space<hbm>> -> memref<64xi32, #tpu.memory_space<hbm>>
    tpu.wait_dma2 semaphore(%arg14 : memref<!tpu.dma_semaphore, #tpu.memory_space<semaphore_mem>>) src(%dma_wait3A_4 : memref<64xi32, #tpu.memory_space<hbm>>) dst(%arg5 : memref<64xi32, #tpu.memory_space<vmem>>)
    %dma_start3A_5 = arith.constant 0 : i32
    %dma_start3A_6 = tpu.memref_slice %arg5[%dma_start3A_5] : memref<64xi32, #tpu.memory_space<vmem>> -> memref<8xi32, #tpu.memory_space<vmem>>
    %dma_start3A_7 = arith.constant 0 : i32
    %dma_start3A_8 = arith.constant 0 : i32
    %dma_start3A_9 = tpu.memref_slice %arg3[%dma_start3A_7, %dma_start3A_8] : memref<30522x768xf32, #tpu.memory_space<hbm>> -> memref<30522x768xf32, #tpu.memory_space<hbm>>
    tpu.enqueue_indirect_dma source(%dma_start3A_9 : memref<30522x768xf32, #tpu.memory_space<hbm>>) target(%arg6 : memref<8x768xf32, #tpu.memory_space<vmem>>) offsets(%dma_start3A_6 : memref<8xi32, #tpu.memory_space<vmem>>) semaphore(%arg15 : memref<!tpu.dma_semaphore, #tpu.memory_space<semaphore_mem>>)
    %dma_start3A_10 = arith.constant 8 : i32
    %dma_start3A_11 = tpu.memref_slice %arg5[%dma_start3A_10] : memref<64xi32, #tpu.memory_space<vmem>> -> memref<8xi32, #tpu.memory_space<vmem>>
    %dma_start3A_12 = arith.constant 0 : i32
    %dma_start3A_13 = arith.constant 0 : i32
    %dma_start3A_14 = tpu.memref_slice %arg3[%dma_start3A_12, %dma_start3A_13] : memref<30522x768xf32, #tpu.memory_space<hbm>> -> memref<30522x768xf32, #tpu.memory_space<hbm>>
    tpu.enqueue_indirect_dma source(%dma_start3A_14 : memref<30522x768xf32, #tpu.memory_space<hbm>>) target(%arg7 : memref<8x768xf32, #tpu.memory_space<vmem>>) offsets(%dma_start3A_11 : memref<8xi32, #tpu.memory_space<vmem>>) semaphore(%arg16 : memref<!tpu.dma_semaphore, #tpu.memory_space<semaphore_mem>>)
    %dma_start3A_15 = arith.constant 16 : i32
    %dma_start3A_16 = tpu.memref_slice %arg5[%dma_start3A_15] : memref<64xi32, #tpu.memory_space<vmem>> -> memref<8xi32, #tpu.memory_space<vmem>>
    %dma_start3A_17 = arith.constant 0 : i32
    %dma_start3A_18 = arith.constant 0 : i32
    %dma_start3A_19 = tpu.memref_slice %arg3[%dma_start3A_17, %dma_start3A_18] : memref<30522x768xf32, #tpu.memory_space<hbm>> -> memref<30522x768xf32, #tpu.memory_space<hbm>>
    tpu.enqueue_indirect_dma source(%dma_start3A_19 : memref<30522x768xf32, #tpu.memory_space<hbm>>) target(%arg8 : memref<8x768xf32, #tpu.memory_space<vmem>>) offsets(%dma_start3A_16 : memref<8xi32, #tpu.memory_space<vmem>>) semaphore(%arg17 : memref<!tpu.dma_semaphore, #tpu.memory_space<semaphore_mem>>)
    %dma_start3A_20 = arith.constant 24 : i32
    %dma_start3A_21 = tpu.memref_slice %arg5[%dma_start3A_20] : memref<64xi32, #tpu.memory_space<vmem>> -> memref<8xi32, #tpu.memory_space<vmem>>
    %dma_start3A_22 = arith.constant 0 : i32
    %dma_start3A_23 = arith.constant 0 : i32
    %dma_start3A_24 = tpu.memref_slice %arg3[%dma_start3A_22, %dma_start3A_23] : memref<30522x768xf32, #tpu.memory_space<hbm>> -> memref<30522x768xf32, #tpu.memory_space<hbm>>
    tpu.enqueue_indirect_dma source(%dma_start3A_24 : memref<30522x768xf32, #tpu.memory_space<hbm>>) target(%arg9 : memref<8x768xf32, #tpu.memory_space<vmem>>) offsets(%dma_start3A_21 : memref<8xi32, #tpu.memory_space<vmem>>) semaphore(%arg18 : memref<!tpu.dma_semaphore, #tpu.memory_space<semaphore_mem>>)
    %dma_start3A_25 = arith.constant 32 : i32
    %dma_start3A_26 = tpu.memref_slice %arg5[%dma_start3A_25] : memref<64xi32, #tpu.memory_space<vmem>> -> memref<8xi32, #tpu.memory_space<vmem>>
    %dma_start3A_27 = arith.constant 0 : i32
    %dma_start3A_28 = arith.constant 0 : i32
    %dma_start3A_29 = tpu.memref_slice %arg3[%dma_start3A_27, %dma_start3A_28] : memref<30522x768xf32, #tpu.memory_space<hbm>> -> memref<30522x768xf32, #tpu.memory_space<hbm>>
    tpu.enqueue_indirect_dma source(%dma_start3A_29 : memref<30522x768xf32, #tpu.memory_space<hbm>>) target(%arg10 : memref<8x768xf32, #tpu.memory_space<vmem>>) offsets(%dma_start3A_26 : memref<8xi32, #tpu.memory_space<vmem>>) semaphore(%arg19 : memref<!tpu.dma_semaphore, #tpu.memory_space<semaphore_mem>>)
    %dma_start3A_30 = arith.constant 40 : i32
    %dma_start3A_31 = tpu.memref_slice %arg5[%dma_start3A_30] : memref<64xi32, #tpu.memory_space<vmem>> -> memref<8xi32, #tpu.memory_space<vmem>>
    %dma_start3A_32 = arith.constant 0 : i32
    %dma_start3A_33 = arith.constant 0 : i32
    %dma_start3A_34 = tpu.memref_slice %arg3[%dma_start3A_32, %dma_start3A_33] : memref<30522x768xf32, #tpu.memory_space<hbm>> -> memref<30522x768xf32, #tpu.memory_space<hbm>>
    tpu.enqueue_indirect_dma source(%dma_start3A_34 : memref<30522x768xf32, #tpu.memory_space<hbm>>) target(%arg11 : memref<8x768xf32, #tpu.memory_space<vmem>>) offsets(%dma_start3A_31 : memref<8xi32, #tpu.memory_space<vmem>>) semaphore(%arg20 : memref<!tpu.dma_semaphore, #tpu.memory_space<semaphore_mem>>)
    %dma_start3A_35 = arith.constant 48 : i32
    %dma_start3A_36 = tpu.memref_slice %arg5[%dma_start3A_35] : memref<64xi32, #tpu.memory_space<vmem>> -> memref<8xi32, #tpu.memory_space<vmem>>
    %dma_start3A_37 = arith.constant 0 : i32
    %dma_start3A_38 = arith.constant 0 : i32
    %dma_start3A_39 = tpu.memref_slice %arg3[%dma_start3A_37, %dma_start3A_38] : memref<30522x768xf32, #tpu.memory_space<hbm>> -> memref<30522x768xf32, #tpu.memory_space<hbm>>
    tpu.enqueue_indirect_dma source(%dma_start3A_39 : memref<30522x768xf32, #tpu.memory_space<hbm>>) target(%arg12 : memref<8x768xf32, #tpu.memory_space<vmem>>) offsets(%dma_start3A_36 : memref<8xi32, #tpu.memory_space<vmem>>) semaphore(%arg21 : memref<!tpu.dma_semaphore, #tpu.memory_space<semaphore_mem>>)
    %dma_start3A_40 = arith.constant 56 : i32
    %dma_start3A_41 = tpu.memref_slice %arg5[%dma_start3A_40] : memref<64xi32, #tpu.memory_space<vmem>> -> memref<8xi32, #tpu.memory_space<vmem>>
    %dma_start3A_42 = arith.constant 0 : i32
    %dma_start3A_43 = arith.constant 0 : i32
    %dma_start3A_44 = tpu.memref_slice %arg3[%dma_start3A_42, %dma_start3A_43] : memref<30522x768xf32, #tpu.memory_space<hbm>> -> memref<30522x768xf32, #tpu.memory_space<hbm>>
    tpu.enqueue_indirect_dma source(%dma_start3A_44 : memref<30522x768xf32, #tpu.memory_space<hbm>>) target(%arg13 : memref<8x768xf32, #tpu.memory_space<vmem>>) offsets(%dma_start3A_41 : memref<8xi32, #tpu.memory_space<vmem>>) semaphore(%arg22 : memref<!tpu.dma_semaphore, #tpu.memory_space<semaphore_mem>>)
    %dma_wait3A_45 = arith.constant 0 : i32
    %dma_wait3A_46 = tpu.memref_slice %arg5[%dma_wait3A_45] : memref<64xi32, #tpu.memory_space<vmem>> -> memref<8xi32, #tpu.memory_space<vmem>>
    %dma_wait3A_47 = arith.constant 0 : i32
    %dma_wait3A_48 = arith.constant 0 : i32
    %dma_wait3A_49 = tpu.memref_slice %arg3[%dma_wait3A_47, %dma_wait3A_48] : memref<30522x768xf32, #tpu.memory_space<hbm>> -> memref<30522x768xf32, #tpu.memory_space<hbm>>
    tpu.wait_indirect_dma semaphore(%arg15 : memref<!tpu.dma_semaphore, #tpu.memory_space<semaphore_mem>>) src(%dma_wait3A_49 : memref<30522x768xf32, #tpu.memory_space<hbm>>) dst(%arg6 : memref<8x768xf32, #tpu.memory_space<vmem>>)
    %add3A_50 = arith.constant 0 : i32
    %add3A_51 = arith.addi %mul3A_2, %add3A_50 : i32
    %dma_start3A_52 = arith.constant 0 : i32
    %dma_start3A_53 = tpu.memref_slice %arg4[%add3A_51, %dma_start3A_52] : memref<2048x768xf32, #tpu.memory_space<hbm>> -> memref<8x768xf32, #tpu.memory_space<hbm>>
    %dma_start3A_54 = arith.constant 0 : i32
    %dma_start3A_55 = tpu.memref_slice %arg4[%add3A_51, %dma_start3A_54] : memref<2048x768xf32, #tpu.memory_space<hbm>> -> memref<8x768xf32, #tpu.memory_space<hbm>>
    tpu.enqueue_dma source(%arg6 : memref<8x768xf32, #tpu.memory_space<vmem>>) target(%dma_start3A_55 : memref<8x768xf32, #tpu.memory_space<hbm>>) target_semaphore(%arg23 : memref<!tpu.dma_semaphore, #tpu.memory_space<semaphore_mem>>)
    %dma_wait3A_56 = arith.constant 8 : i32
    %dma_wait3A_57 = tpu.memref_slice %arg5[%dma_wait3A_56] : memref<64xi32, #tpu.memory_space<vmem>> -> memref<8xi32, #tpu.memory_space<vmem>>
    %dma_wait3A_58 = arith.constant 0 : i32
    %dma_wait3A_59 = arith.constant 0 : i32
    %dma_wait3A_60 = tpu.memref_slice %arg3[%dma_wait3A_58, %dma_wait3A_59] : memref<30522x768xf32, #tpu.memory_space<hbm>> -> memref<30522x768xf32, #tpu.memory_space<hbm>>
    tpu.wait_indirect_dma semaphore(%arg16 : memref<!tpu.dma_semaphore, #tpu.memory_space<semaphore_mem>>) src(%dma_wait3A_60 : memref<30522x768xf32, #tpu.memory_space<hbm>>) dst(%arg7 : memref<8x768xf32, #tpu.memory_space<vmem>>)
    %add3A_61 = arith.constant 8 : i32
    %add3A_62 = arith.addi %mul3A_2, %add3A_61 : i32
    %dma_start3A_63 = arith.constant 0 : i32
    %dma_start3A_64 = tpu.memref_slice %arg4[%add3A_62, %dma_start3A_63] : memref<2048x768xf32, #tpu.memory_space<hbm>> -> memref<8x768xf32, #tpu.memory_space<hbm>>
    %dma_start3A_65 = arith.constant 0 : i32
    %dma_start3A_66 = tpu.memref_slice %arg4[%add3A_62, %dma_start3A_65] : memref<2048x768xf32, #tpu.memory_space<hbm>> -> memref<8x768xf32, #tpu.memory_space<hbm>>
    tpu.enqueue_dma source(%arg7 : memref<8x768xf32, #tpu.memory_space<vmem>>) target(%dma_start3A_66 : memref<8x768xf32, #tpu.memory_space<hbm>>) target_semaphore(%arg24 : memref<!tpu.dma_semaphore, #tpu.memory_space<semaphore_mem>>)
    %dma_wait3A_67 = arith.constant 16 : i32
    %dma_wait3A_68 = tpu.memref_slice %arg5[%dma_wait3A_67] : memref<64xi32, #tpu.memory_space<vmem>> -> memref<8xi32, #tpu.memory_space<vmem>>
    %dma_wait3A_69 = arith.constant 0 : i32
    %dma_wait3A_70 = arith.constant 0 : i32
    %dma_wait3A_71 = tpu.memref_slice %arg3[%dma_wait3A_69, %dma_wait3A_70] : memref<30522x768xf32, #tpu.memory_space<hbm>> -> memref<30522x768xf32, #tpu.memory_space<hbm>>
    tpu.wait_indirect_dma semaphore(%arg17 : memref<!tpu.dma_semaphore, #tpu.memory_space<semaphore_mem>>) src(%dma_wait3A_71 : memref<30522x768xf32, #tpu.memory_space<hbm>>) dst(%arg8 : memref<8x768xf32, #tpu.memory_space<vmem>>)
    %add3A_72 = arith.constant 16 : i32
    %add3A_73 = arith.addi %mul3A_2, %add3A_72 : i32
    %dma_start3A_74 = arith.constant 0 : i32
    %dma_start3A_75 = tpu.memref_slice %arg4[%add3A_73, %dma_start3A_74] : memref<2048x768xf32, #tpu.memory_space<hbm>> -> memref<8x768xf32, #tpu.memory_space<hbm>>
    %dma_start3A_76 = arith.constant 0 : i32
    %dma_start3A_77 = tpu.memref_slice %arg4[%add3A_73, %dma_start3A_76] : memref<2048x768xf32, #tpu.memory_space<hbm>> -> memref<8x768xf32, #tpu.memory_space<hbm>>
    tpu.enqueue_dma source(%arg8 : memref<8x768xf32, #tpu.memory_space<vmem>>) target(%dma_start3A_77 : memref<8x768xf32, #tpu.memory_space<hbm>>) target_semaphore(%arg25 : memref<!tpu.dma_semaphore, #tpu.memory_space<semaphore_mem>>)
    %dma_wait3A_78 = arith.constant 24 : i32
    %dma_wait3A_79 = tpu.memref_slice %arg5[%dma_wait3A_78] : memref<64xi32, #tpu.memory_space<vmem>> -> memref<8xi32, #tpu.memory_space<vmem>>
    %dma_wait3A_80 = arith.constant 0 : i32
    %dma_wait3A_81 = arith.constant 0 : i32
    %dma_wait3A_82 = tpu.memref_slice %arg3[%dma_wait3A_80, %dma_wait3A_81] : memref<30522x768xf32, #tpu.memory_space<hbm>> -> memref<30522x768xf32, #tpu.memory_space<hbm>>
    tpu.wait_indirect_dma semaphore(%arg18 : memref<!tpu.dma_semaphore, #tpu.memory_space<semaphore_mem>>) src(%dma_wait3A_82 : memref<30522x768xf32, #tpu.memory_space<hbm>>) dst(%arg9 : memref<8x768xf32, #tpu.memory_space<vmem>>)
    %add3A_83 = arith.constant 24 : i32
    %add3A_84 = arith.addi %mul3A_2, %add3A_83 : i32
    %dma_start3A_85 = arith.constant 0 : i32
    %dma_start3A_86 = tpu.memref_slice %arg4[%add3A_84, %dma_start3A_85] : memref<2048x768xf32, #tpu.memory_space<hbm>> -> memref<8x768xf32, #tpu.memory_space<hbm>>
    %dma_start3A_87 = arith.constant 0 : i32
    %dma_start3A_88 = tpu.memref_slice %arg4[%add3A_84, %dma_start3A_87] : memref<2048x768xf32, #tpu.memory_space<hbm>> -> memref<8x768xf32, #tpu.memory_space<hbm>>
    tpu.enqueue_dma source(%arg9 : memref<8x768xf32, #tpu.memory_space<vmem>>) target(%dma_start3A_88 : memref<8x768xf32, #tpu.memory_space<hbm>>) target_semaphore(%arg26 : memref<!tpu.dma_semaphore, #tpu.memory_space<semaphore_mem>>)
    %dma_wait3A_89 = arith.constant 32 : i32
    %dma_wait3A_90 = tpu.memref_slice %arg5[%dma_wait3A_89] : memref<64xi32, #tpu.memory_space<vmem>> -> memref<8xi32, #tpu.memory_space<vmem>>
    %dma_wait3A_91 = arith.constant 0 : i32
    %dma_wait3A_92 = arith.constant 0 : i32
    %dma_wait3A_93 = tpu.memref_slice %arg3[%dma_wait3A_91, %dma_wait3A_92] : memref<30522x768xf32, #tpu.memory_space<hbm>> -> memref<30522x768xf32, #tpu.memory_space<hbm>>
    tpu.wait_indirect_dma semaphore(%arg19 : memref<!tpu.dma_semaphore, #tpu.memory_space<semaphore_mem>>) src(%dma_wait3A_93 : memref<30522x768xf32, #tpu.memory_space<hbm>>) dst(%arg10 : memref<8x768xf32, #tpu.memory_space<vmem>>)
    %add3A_94 = arith.constant 32 : i32
    %add3A_95 = arith.addi %mul3A_2, %add3A_94 : i32
    %dma_start3A_96 = arith.constant 0 : i32
    %dma_start3A_97 = tpu.memref_slice %arg4[%add3A_95, %dma_start3A_96] : memref<2048x768xf32, #tpu.memory_space<hbm>> -> memref<8x768xf32, #tpu.memory_space<hbm>>
    %dma_start3A_98 = arith.constant 0 : i32
    %dma_start3A_99 = tpu.memref_slice %arg4[%add3A_95, %dma_start3A_98] : memref<2048x768xf32, #tpu.memory_space<hbm>> -> memref<8x768xf32, #tpu.memory_space<hbm>>
    tpu.enqueue_dma source(%arg10 : memref<8x768xf32, #tpu.memory_space<vmem>>) target(%dma_start3A_99 : memref<8x768xf32, #tpu.memory_space<hbm>>) target_semaphore(%arg27 : memref<!tpu.dma_semaphore, #tpu.memory_space<semaphore_mem>>)
    %dma_wait3A_100 = arith.constant 40 : i32
    %dma_wait3A_101 = tpu.memref_slice %arg5[%dma_wait3A_100] : memref<64xi32, #tpu.memory_space<vmem>> -> memref<8xi32, #tpu.memory_space<vmem>>
    %dma_wait3A_102 = arith.constant 0 : i32
    %dma_wait3A_103 = arith.constant 0 : i32
    %dma_wait3A_104 = tpu.memref_slice %arg3[%dma_wait3A_102, %dma_wait3A_103] : memref<30522x768xf32, #tpu.memory_space<hbm>> -> memref<30522x768xf32, #tpu.memory_space<hbm>>
    tpu.wait_indirect_dma semaphore(%arg20 : memref<!tpu.dma_semaphore, #tpu.memory_space<semaphore_mem>>) src(%dma_wait3A_104 : memref<30522x768xf32, #tpu.memory_space<hbm>>) dst(%arg11 : memref<8x768xf32, #tpu.memory_space<vmem>>)
    %add3A_105 = arith.constant 40 : i32
    %add3A_106 = arith.addi %mul3A_2, %add3A_105 : i32
    %dma_start3A_107 = arith.constant 0 : i32
    %dma_start3A_108 = tpu.memref_slice %arg4[%add3A_106, %dma_start3A_107] : memref<2048x768xf32, #tpu.memory_space<hbm>> -> memref<8x768xf32, #tpu.memory_space<hbm>>
    %dma_start3A_109 = arith.constant 0 : i32
    %dma_start3A_110 = tpu.memref_slice %arg4[%add3A_106, %dma_start3A_109] : memref<2048x768xf32, #tpu.memory_space<hbm>> -> memref<8x768xf32, #tpu.memory_space<hbm>>
    tpu.enqueue_dma source(%arg11 : memref<8x768xf32, #tpu.memory_space<vmem>>) target(%dma_start3A_110 : memref<8x768xf32, #tpu.memory_space<hbm>>) target_semaphore(%arg28 : memref<!tpu.dma_semaphore, #tpu.memory_space<semaphore_mem>>)
    %dma_wait3A_111 = arith.constant 48 : i32
    %dma_wait3A_112 = tpu.memref_slice %arg5[%dma_wait3A_111] : memref<64xi32, #tpu.memory_space<vmem>> -> memref<8xi32, #tpu.memory_space<vmem>>
    %dma_wait3A_113 = arith.constant 0 : i32
    %dma_wait3A_114 = arith.constant 0 : i32
    %dma_wait3A_115 = tpu.memref_slice %arg3[%dma_wait3A_113, %dma_wait3A_114] : memref<30522x768xf32, #tpu.memory_space<hbm>> -> memref<30522x768xf32, #tpu.memory_space<hbm>>
    tpu.wait_indirect_dma semaphore(%arg21 : memref<!tpu.dma_semaphore, #tpu.memory_space<semaphore_mem>>) src(%dma_wait3A_115 : memref<30522x768xf32, #tpu.memory_space<hbm>>) dst(%arg12 : memref<8x768xf32, #tpu.memory_space<vmem>>)
    %add3A_116 = arith.constant 48 : i32
    %add3A_117 = arith.addi %mul3A_2, %add3A_116 : i32
    %dma_start3A_118 = arith.constant 0 : i32
    %dma_start3A_119 = tpu.memref_slice %arg4[%add3A_117, %dma_start3A_118] : memref<2048x768xf32, #tpu.memory_space<hbm>> -> memref<8x768xf32, #tpu.memory_space<hbm>>
    %dma_start3A_120 = arith.constant 0 : i32
    %dma_start3A_121 = tpu.memref_slice %arg4[%add3A_117, %dma_start3A_120] : memref<2048x768xf32, #tpu.memory_space<hbm>> -> memref<8x768xf32, #tpu.memory_space<hbm>>
    tpu.enqueue_dma source(%arg12 : memref<8x768xf32, #tpu.memory_space<vmem>>) target(%dma_start3A_121 : memref<8x768xf32, #tpu.memory_space<hbm>>) target_semaphore(%arg29 : memref<!tpu.dma_semaphore, #tpu.memory_space<semaphore_mem>>)
    %dma_wait3A_122 = arith.constant 56 : i32
    %dma_wait3A_123 = tpu.memref_slice %arg5[%dma_wait3A_122] : memref<64xi32, #tpu.memory_space<vmem>> -> memref<8xi32, #tpu.memory_space<vmem>>
    %dma_wait3A_124 = arith.constant 0 : i32
    %dma_wait3A_125 = arith.constant 0 : i32
    %dma_wait3A_126 = tpu.memref_slice %arg3[%dma_wait3A_124, %dma_wait3A_125] : memref<30522x768xf32, #tpu.memory_space<hbm>> -> memref<30522x768xf32, #tpu.memory_space<hbm>>
    tpu.wait_indirect_dma semaphore(%arg22 : memref<!tpu.dma_semaphore, #tpu.memory_space<semaphore_mem>>) src(%dma_wait3A_126 : memref<30522x768xf32, #tpu.memory_space<hbm>>) dst(%arg13 : memref<8x768xf32, #tpu.memory_space<vmem>>)
    %add3A_127 = arith.constant 56 : i32
    %add3A_128 = arith.addi %mul3A_2, %add3A_127 : i32
    %dma_start3A_129 = arith.constant 0 : i32
    %dma_start3A_130 = tpu.memref_slice %arg4[%add3A_128, %dma_start3A_129] : memref<2048x768xf32, #tpu.memory_space<hbm>> -> memref<8x768xf32, #tpu.memory_space<hbm>>
    %dma_start3A_131 = arith.constant 0 : i32
    %dma_start3A_132 = tpu.memref_slice %arg4[%add3A_128, %dma_start3A_131] : memref<2048x768xf32, #tpu.memory_space<hbm>> -> memref<8x768xf32, #tpu.memory_space<hbm>>
    tpu.enqueue_dma source(%arg13 : memref<8x768xf32, #tpu.memory_space<vmem>>) target(%dma_start3A_132 : memref<8x768xf32, #tpu.memory_space<hbm>>) target_semaphore(%arg30 : memref<!tpu.dma_semaphore, #tpu.memory_space<semaphore_mem>>)
    %dma_wait3A_133 = arith.constant 0 : i32
    %dma_wait3A_134 = tpu.memref_slice %arg4[%add3A_51, %dma_wait3A_133] : memref<2048x768xf32, #tpu.memory_space<hbm>> -> memref<8x768xf32, #tpu.memory_space<hbm>>
    %dma_wait3A_135 = arith.constant 0 : i32
    %dma_wait3A_136 = tpu.memref_slice %arg4[%add3A_51, %dma_wait3A_135] : memref<2048x768xf32, #tpu.memory_space<hbm>> -> memref<8x768xf32, #tpu.memory_space<hbm>>
    tpu.wait_dma2 semaphore(%arg23 : memref<!tpu.dma_semaphore, #tpu.memory_space<semaphore_mem>>) src(%arg6 : memref<8x768xf32, #tpu.memory_space<vmem>>) dst(%dma_wait3A_136 : memref<8x768xf32, #tpu.memory_space<hbm>>)
    %dma_wait3A_137 = arith.constant 0 : i32
    %dma_wait3A_138 = tpu.memref_slice %arg4[%add3A_62, %dma_wait3A_137] : memref<2048x768xf32, #tpu.memory_space<hbm>> -> memref<8x768xf32, #tpu.memory_space<hbm>>
    %dma_wait3A_139 = arith.constant 0 : i32
    %dma_wait3A_140 = tpu.memref_slice %arg4[%add3A_62, %dma_wait3A_139] : memref<2048x768xf32, #tpu.memory_space<hbm>> -> memref<8x768xf32, #tpu.memory_space<hbm>>
    tpu.wait_dma2 semaphore(%arg24 : memref<!tpu.dma_semaphore, #tpu.memory_space<semaphore_mem>>) src(%arg7 : memref<8x768xf32, #tpu.memory_space<vmem>>) dst(%dma_wait3A_140 : memref<8x768xf32, #tpu.memory_space<hbm>>)
    %dma_wait3A_141 = arith.constant 0 : i32
    %dma_wait3A_142 = tpu.memref_slice %arg4[%add3A_73, %dma_wait3A_141] : memref<2048x768xf32, #tpu.memory_space<hbm>> -> memref<8x768xf32, #tpu.memory_space<hbm>>
    %dma_wait3A_143 = arith.constant 0 : i32
    %dma_wait3A_144 = tpu.memref_slice %arg4[%add3A_73, %dma_wait3A_143] : memref<2048x768xf32, #tpu.memory_space<hbm>> -> memref<8x768xf32, #tpu.memory_space<hbm>>
    tpu.wait_dma2 semaphore(%arg25 : memref<!tpu.dma_semaphore, #tpu.memory_space<semaphore_mem>>) src(%arg8 : memref<8x768xf32, #tpu.memory_space<vmem>>) dst(%dma_wait3A_144 : memref<8x768xf32, #tpu.memory_space<hbm>>)
    %dma_wait3A_145 = arith.constant 0 : i32
    %dma_wait3A_146 = tpu.memref_slice %arg4[%add3A_84, %dma_wait3A_145] : memref<2048x768xf32, #tpu.memory_space<hbm>> -> memref<8x768xf32, #tpu.memory_space<hbm>>
    %dma_wait3A_147 = arith.constant 0 : i32
    %dma_wait3A_148 = tpu.memref_slice %arg4[%add3A_84, %dma_wait3A_147] : memref<2048x768xf32, #tpu.memory_space<hbm>> -> memref<8x768xf32, #tpu.memory_space<hbm>>
    tpu.wait_dma2 semaphore(%arg26 : memref<!tpu.dma_semaphore, #tpu.memory_space<semaphore_mem>>) src(%arg9 : memref<8x768xf32, #tpu.memory_space<vmem>>) dst(%dma_wait3A_148 : memref<8x768xf32, #tpu.memory_space<hbm>>)
    %dma_wait3A_149 = arith.constant 0 : i32
    %dma_wait3A_150 = tpu.memref_slice %arg4[%add3A_95, %dma_wait3A_149] : memref<2048x768xf32, #tpu.memory_space<hbm>> -> memref<8x768xf32, #tpu.memory_space<hbm>>
    %dma_wait3A_151 = arith.constant 0 : i32
    %dma_wait3A_152 = tpu.memref_slice %arg4[%add3A_95, %dma_wait3A_151] : memref<2048x768xf32, #tpu.memory_space<hbm>> -> memref<8x768xf32, #tpu.memory_space<hbm>>
    tpu.wait_dma2 semaphore(%arg27 : memref<!tpu.dma_semaphore, #tpu.memory_space<semaphore_mem>>) src(%arg10 : memref<8x768xf32, #tpu.memory_space<vmem>>) dst(%dma_wait3A_152 : memref<8x768xf32, #tpu.memory_space<hbm>>)
    %dma_wait3A_153 = arith.constant 0 : i32
    %dma_wait3A_154 = tpu.memref_slice %arg4[%add3A_106, %dma_wait3A_153] : memref<2048x768xf32, #tpu.memory_space<hbm>> -> memref<8x768xf32, #tpu.memory_space<hbm>>
    %dma_wait3A_155 = arith.constant 0 : i32
    %dma_wait3A_156 = tpu.memref_slice %arg4[%add3A_106, %dma_wait3A_155] : memref<2048x768xf32, #tpu.memory_space<hbm>> -> memref<8x768xf32, #tpu.memory_space<hbm>>
    tpu.wait_dma2 semaphore(%arg28 : memref<!tpu.dma_semaphore, #tpu.memory_space<semaphore_mem>>) src(%arg11 : memref<8x768xf32, #tpu.memory_space<vmem>>) dst(%dma_wait3A_156 : memref<8x768xf32, #tpu.memory_space<hbm>>)
    %dma_wait3A_157 = arith.constant 0 : i32
    %dma_wait3A_158 = tpu.memref_slice %arg4[%add3A_117, %dma_wait3A_157] : memref<2048x768xf32, #tpu.memory_space<hbm>> -> memref<8x768xf32, #tpu.memory_space<hbm>>
    %dma_wait3A_159 = arith.constant 0 : i32
    %dma_wait3A_160 = tpu.memref_slice %arg4[%add3A_117, %dma_wait3A_159] : memref<2048x768xf32, #tpu.memory_space<hbm>> -> memref<8x768xf32, #tpu.memory_space<hbm>>
    tpu.wait_dma2 semaphore(%arg29 : memref<!tpu.dma_semaphore, #tpu.memory_space<semaphore_mem>>) src(%arg12 : memref<8x768xf32, #tpu.memory_space<vmem>>) dst(%dma_wait3A_160 : memref<8x768xf32, #tpu.memory_space<hbm>>)
    %dma_wait3A_161 = arith.constant 0 : i32
    %dma_wait3A_162 = tpu.memref_slice %arg4[%add3A_128, %dma_wait3A_161] : memref<2048x768xf32, #tpu.memory_space<hbm>> -> memref<8x768xf32, #tpu.memory_space<hbm>>
    %dma_wait3A_163 = arith.constant 0 : i32
    %dma_wait3A_164 = tpu.memref_slice %arg4[%add3A_128, %dma_wait3A_163] : memref<2048x768xf32, #tpu.memory_space<hbm>> -> memref<8x768xf32, #tpu.memory_space<hbm>>
    tpu.wait_dma2 semaphore(%arg30 : memref<!tpu.dma_semaphore, #tpu.memory_space<semaphore_mem>>) src(%arg13 : memref<8x768xf32, #tpu.memory_space<vmem>>) dst(%dma_wait3A_164 : memref<8x768xf32, #tpu.memory_space<hbm>>)
    return
  }
}

module attributes {stable_mosaic.version = 14 : i64} {
  func.func @_tc_ln_body_acc(%arg0: i32, %arg1: memref<4x2048x768xf32, #tpu.memory_space<any>>, %arg2: memref<512x768xf32, #tpu.memory_space<vmem>>, %arg3: memref<512x768xf32, #tpu.memory_space<vmem>>, %arg4: memref<1x512x1xi32, #tpu.memory_space<vmem>>, %arg5: memref<4x768xf32, #tpu.memory_space<vmem>>, %arg6: memref<1x512x768xf32, #tpu.memory_space<vmem>>) attributes {dimension_semantics = [#tpu.dimension_semantics<arbitrary>], iteration_bounds = array<i64: 4>, scalar_prefetch = 0 : i64, scratch_operands = 0 : i64, tpu.core_type = #tpu.core_type<tc>, window_params = [{}, {transform_indices = @transform_1, window_bounds = array<i64: 512, 768>}, {transform_indices = @transform_2, window_bounds = array<i64: 512, 768>}, {transform_indices = @transform_3, window_bounds = array<i64: 1, 512, 1>}, {pipeline_mode = #tpu.pipeline_mode<synchronous>, transform_indices = @transform_4, window_bounds = array<i64: 4, 768>}, {transform_indices = @transform_5, window_bounds = array<i64: 1, 512, 768>}]} {
    %get3A = arith.constant 0 : index
    %get3A_0 = arith.constant 0 : index
    %get3A_1 = vector.load %arg2[%get3A, %get3A_0] : memref<512x768xf32, #tpu.memory_space<vmem>>, vector<512x768xf32>
    %get3A_2 = arith.constant 0 : index
    %get3A_3 = arith.constant 0 : index
    %get3A_4 = vector.load %arg3[%get3A_2, %get3A_3] : memref<512x768xf32, #tpu.memory_space<vmem>>, vector<512x768xf32>
    %get3A_5 = arith.constant 0 : index
    %get3A_6 = arith.constant 0 : index
    %get3A_7 = arith.constant 0 : index
    %get3A_8 = vector.load %arg4[%get3A_5, %get3A_6, %get3A_7] : memref<1x512x1xi32, #tpu.memory_space<vmem>>, vector<1x512x1xi32>
    %get3A_9 = vector.shape_cast %get3A_8 : vector<1x512x1xi32> to vector<512x1xi32>
    %convert_element_type3A = arith.sitofp %get3A_9 : vector<512x1xi32> to vector<512x1xf32>
    %get3A_10 = arith.constant 0 : index
    %get3A_11 = arith.constant 0 : index
    %get3A_12 = vector.load %arg5[%get3A_10, %get3A_11] : memref<4x768xf32, #tpu.memory_space<vmem>>, vector<4x768xf32>
    %slice3A = vector.extract_strided_slice %get3A_12 {offsets = [0, 0], sizes = [1, 768], strides = [1, 1]} : vector<4x768xf32> to vector<1x768xf32>
    %slice3A_13 = vector.extract_strided_slice %get3A_12 {offsets = [1, 0], sizes = [1, 768], strides = [1, 1]} : vector<4x768xf32> to vector<1x768xf32>
    %slice3A_14 = vector.extract_strided_slice %get3A_12 {offsets = [2, 0], sizes = [1, 768], strides = [1, 1]} : vector<4x768xf32> to vector<1x768xf32>
    %slice3A_15 = vector.extract_strided_slice %get3A_12 {offsets = [3, 0], sizes = [1, 768], strides = [1, 1]} : vector<4x768xf32> to vector<1x768xf32>
    %sub3A = arith.subf %slice3A_15, %slice3A_14 : vector<1x768xf32>
    %add3A = arith.addf %get3A_1, %get3A_4 : vector<512x768xf32>
    %add3A_16 = vector.broadcast %slice3A_14 : vector<1x768xf32> to vector<512x768xf32>
    %add3A_17 = arith.addf %add3A, %add3A_16 : vector<512x768xf32>
    %mul3A = vector.broadcast %convert_element_type3A : vector<512x1xf32> to vector<512x768xf32>
    %mul3A_18 = vector.broadcast %sub3A : vector<1x768xf32> to vector<512x768xf32>
    %mul3A_19 = arith.mulf %mul3A, %mul3A_18 : vector<512x768xf32>
    %add3A_20 = arith.addf %add3A_17, %mul3A_19 : vector<512x768xf32>
    %reduce_sum3A = arith.constant dense<0.000000e+00> : vector<512xf32>
    %reduce_sum3A_21 = vector.multi_reduction <add>, %add3A_20, %reduce_sum3A [1] : vector<512x768xf32> to vector<512xf32>
    %broadcast_in_dim3A = vector.shape_cast %reduce_sum3A_21 : vector<512xf32> to vector<512x1xf32>
    %div3A = arith.constant 7.680000e+02 : f32
    %div3A_22 = vector.broadcast %div3A : f32 to vector<512x1xf32>
    %div3A_23 = arith.divf %broadcast_in_dim3A, %div3A_22 : vector<512x1xf32>
    %sub3A_24 = vector.broadcast %div3A_23 : vector<512x1xf32> to vector<512x768xf32>
    %sub3A_25 = arith.subf %add3A_20, %sub3A_24 : vector<512x768xf32>
    %mul3A_26 = arith.mulf %sub3A_25, %sub3A_25 : vector<512x768xf32>
    %reduce_sum3A_27 = arith.constant dense<0.000000e+00> : vector<512xf32>
    %reduce_sum3A_28 = vector.multi_reduction <add>, %mul3A_26, %reduce_sum3A_27 [1] : vector<512x768xf32> to vector<512xf32>
    %broadcast_in_dim3A_29 = vector.shape_cast %reduce_sum3A_28 : vector<512xf32> to vector<512x1xf32>
    %div3A_30 = arith.constant 7.680000e+02 : f32
    %div3A_31 = vector.broadcast %div3A_30 : f32 to vector<512x1xf32>
    %div3A_32 = arith.divf %broadcast_in_dim3A_29, %div3A_31 : vector<512x1xf32>
    %add3A_33 = arith.constant 9.99999996E-13 : f32
    %add3A_34 = vector.broadcast %add3A_33 : f32 to vector<512x1xf32>
    %add3A_35 = arith.addf %div3A_32, %add3A_34 : vector<512x1xf32>
    %rsqrt3A = math.rsqrt %add3A_35 : vector<512x1xf32>
    %mul3A_36 = vector.broadcast %rsqrt3A : vector<512x1xf32> to vector<512x768xf32>
    %mul3A_37 = arith.mulf %sub3A_25, %mul3A_36 : vector<512x768xf32>
    %mul3A_38 = vector.broadcast %slice3A : vector<1x768xf32> to vector<512x768xf32>
    %mul3A_39 = arith.mulf %mul3A_37, %mul3A_38 : vector<512x768xf32>
    %add3A_40 = vector.broadcast %slice3A_13 : vector<1x768xf32> to vector<512x768xf32>
    %add3A_41 = arith.addf %mul3A_39, %add3A_40 : vector<512x768xf32>
    %swap3A = arith.constant 0 : index
    %swap3A_42 = arith.constant 0 : index
    %swap3A_43 = arith.constant 0 : index
    %swap3A_44 = vector.load %arg6[%swap3A, %swap3A_42, %swap3A_43] : memref<1x512x768xf32, #tpu.memory_space<vmem>>, vector<1x512x768xf32>
    %swap3A_45 = vector.shape_cast %swap3A_44 : vector<1x512x768xf32> to vector<512x768xf32>
    %swap3A_46 = vector.shape_cast %add3A_41 : vector<512x768xf32> to vector<1x512x768xf32>
    tpu.vector_store %arg6[%swap3A, %swap3A_42, %swap3A_43], %swap3A_46 {strides = array<i32>} : memref<1x512x768xf32, #tpu.memory_space<vmem>>, vector<1x512x768xf32>,
    return
  }
  func.func @transform_1(%arg0: i32) -> (i32, i32) {
    %mul3A = arith.constant 1 : i32
    %mul3A_0 = arith.muli %arg0, %mul3A : i32
    %add3A = arith.constant 0 : i32
    %add3A_1 = arith.addi %mul3A_0, %add3A : i32
    %c0_i32 = arith.constant 0 : i32
    %c0_i32_2 = arith.constant 0 : i32
    return %add3A_1, %c0_i32 : i32, i32
  }
  func.func @transform_2(%arg0: i32) -> (i32, i32) {
    %c1_i32 = arith.constant 1 : i32
    %c0_i32 = arith.constant 0 : i32
    %c0_i32_0 = arith.constant 0 : i32
    return %c1_i32, %c0_i32 : i32, i32
  }
  func.func @transform_3(%arg0: i32) -> (i32, i32, i32) {
    %c1_i32 = arith.constant 1 : i32
    %c0_i32 = arith.constant 0 : i32
    %c0_i32_0 = arith.constant 0 : i32
    return %arg0, %c1_i32, %c0_i32 : i32, i32, i32
  }
  func.func @transform_4(%arg0: i32) -> (i32, i32) {
    %c0_i32 = arith.constant 0 : i32
    %c0_i32_0 = arith.constant 0 : i32
    %c0_i32_1 = arith.constant 0 : i32
    return %c0_i32, %c0_i32_0 : i32, i32
  }
  func.func @transform_5(%arg0: i32) -> (i32, i32, i32) {
    %c1_i32 = arith.constant 1 : i32
    %c0_i32 = arith.constant 0 : i32
    %c0_i32_0 = arith.constant 0 : i32
    return %arg0, %c1_i32, %c0_i32 : i32, i32, i32
  }
}

module attributes {stable_mosaic.version = 14 : i64} {
  func.func @_tc_ln_body(%arg0: i32, %arg1: memref<512x768xf32, #tpu.memory_space<vmem>>, %arg2: memref<512x768xf32, #tpu.memory_space<vmem>>, %arg3: memref<1x512x1xi32, #tpu.memory_space<vmem>>, %arg4: memref<4x768xf32, #tpu.memory_space<vmem>>, %arg5: memref<1x512x768xf32, #tpu.memory_space<vmem>>) attributes {dimension_semantics = [#tpu.dimension_semantics<arbitrary>], iteration_bounds = array<i64: 4>, scalar_prefetch = 0 : i64, scratch_operands = 0 : i64, tpu.core_type = #tpu.core_type<tc>, window_params = [{transform_indices = @transform_0, window_bounds = array<i64: 512, 768>}, {transform_indices = @transform_1, window_bounds = array<i64: 512, 768>}, {transform_indices = @transform_2, window_bounds = array<i64: 1, 512, 1>}, {pipeline_mode = #tpu.pipeline_mode<synchronous>, transform_indices = @transform_3, window_bounds = array<i64: 4, 768>}, {transform_indices = @transform_4, window_bounds = array<i64: 1, 512, 768>}]} {
    %get3A = arith.constant 0 : index
    %get3A_0 = arith.constant 0 : index
    %get3A_1 = vector.load %arg1[%get3A, %get3A_0] : memref<512x768xf32, #tpu.memory_space<vmem>>, vector<512x768xf32>
    %get3A_2 = arith.constant 0 : index
    %get3A_3 = arith.constant 0 : index
    %get3A_4 = vector.load %arg2[%get3A_2, %get3A_3] : memref<512x768xf32, #tpu.memory_space<vmem>>, vector<512x768xf32>
    %get3A_5 = arith.constant 0 : index
    %get3A_6 = arith.constant 0 : index
    %get3A_7 = arith.constant 0 : index
    %get3A_8 = vector.load %arg3[%get3A_5, %get3A_6, %get3A_7] : memref<1x512x1xi32, #tpu.memory_space<vmem>>, vector<1x512x1xi32>
    %get3A_9 = vector.shape_cast %get3A_8 : vector<1x512x1xi32> to vector<512x1xi32>
    %convert_element_type3A = arith.sitofp %get3A_9 : vector<512x1xi32> to vector<512x1xf32>
    %get3A_10 = arith.constant 0 : index
    %get3A_11 = arith.constant 0 : index
    %get3A_12 = vector.load %arg4[%get3A_10, %get3A_11] : memref<4x768xf32, #tpu.memory_space<vmem>>, vector<4x768xf32>
    %slice3A = vector.extract_strided_slice %get3A_12 {offsets = [0, 0], sizes = [1, 768], strides = [1, 1]} : vector<4x768xf32> to vector<1x768xf32>
    %slice3A_13 = vector.extract_strided_slice %get3A_12 {offsets = [1, 0], sizes = [1, 768], strides = [1, 1]} : vector<4x768xf32> to vector<1x768xf32>
    %slice3A_14 = vector.extract_strided_slice %get3A_12 {offsets = [2, 0], sizes = [1, 768], strides = [1, 1]} : vector<4x768xf32> to vector<1x768xf32>
    %slice3A_15 = vector.extract_strided_slice %get3A_12 {offsets = [3, 0], sizes = [1, 768], strides = [1, 1]} : vector<4x768xf32> to vector<1x768xf32>
    %sub3A = arith.subf %slice3A_15, %slice3A_14 : vector<1x768xf32>
    %add3A = arith.addf %get3A_1, %get3A_4 : vector<512x768xf32>
    %add3A_16 = vector.broadcast %slice3A_14 : vector<1x768xf32> to vector<512x768xf32>
    %add3A_17 = arith.addf %add3A, %add3A_16 : vector<512x768xf32>
    %mul3A = vector.broadcast %convert_element_type3A : vector<512x1xf32> to vector<512x768xf32>
    %mul3A_18 = vector.broadcast %sub3A : vector<1x768xf32> to vector<512x768xf32>
    %mul3A_19 = arith.mulf %mul3A, %mul3A_18 : vector<512x768xf32>
    %add3A_20 = arith.addf %add3A_17, %mul3A_19 : vector<512x768xf32>
    %reduce_sum3A = arith.constant dense<0.000000e+00> : vector<512xf32>
    %reduce_sum3A_21 = vector.multi_reduction <add>, %add3A_20, %reduce_sum3A [1] : vector<512x768xf32> to vector<512xf32>
    %broadcast_in_dim3A = vector.shape_cast %reduce_sum3A_21 : vector<512xf32> to vector<512x1xf32>
    %div3A = arith.constant 7.680000e+02 : f32
    %div3A_22 = vector.broadcast %div3A : f32 to vector<512x1xf32>
    %div3A_23 = arith.divf %broadcast_in_dim3A, %div3A_22 : vector<512x1xf32>
    %sub3A_24 = vector.broadcast %div3A_23 : vector<512x1xf32> to vector<512x768xf32>
    %sub3A_25 = arith.subf %add3A_20, %sub3A_24 : vector<512x768xf32>
    %mul3A_26 = arith.mulf %sub3A_25, %sub3A_25 : vector<512x768xf32>
    %reduce_sum3A_27 = arith.constant dense<0.000000e+00> : vector<512xf32>
    %reduce_sum3A_28 = vector.multi_reduction <add>, %mul3A_26, %reduce_sum3A_27 [1] : vector<512x768xf32> to vector<512xf32>
    %broadcast_in_dim3A_29 = vector.shape_cast %reduce_sum3A_28 : vector<512xf32> to vector<512x1xf32>
    %div3A_30 = arith.constant 7.680000e+02 : f32
    %div3A_31 = vector.broadcast %div3A_30 : f32 to vector<512x1xf32>
    %div3A_32 = arith.divf %broadcast_in_dim3A_29, %div3A_31 : vector<512x1xf32>
    %add3A_33 = arith.constant 9.99999996E-13 : f32
    %add3A_34 = vector.broadcast %add3A_33 : f32 to vector<512x1xf32>
    %add3A_35 = arith.addf %div3A_32, %add3A_34 : vector<512x1xf32>
    %rsqrt3A = math.rsqrt %add3A_35 : vector<512x1xf32>
    %mul3A_36 = vector.broadcast %rsqrt3A : vector<512x1xf32> to vector<512x768xf32>
    %mul3A_37 = arith.mulf %sub3A_25, %mul3A_36 : vector<512x768xf32>
    %mul3A_38 = vector.broadcast %slice3A : vector<1x768xf32> to vector<512x768xf32>
    %mul3A_39 = arith.mulf %mul3A_37, %mul3A_38 : vector<512x768xf32>
    %add3A_40 = vector.broadcast %slice3A_13 : vector<1x768xf32> to vector<512x768xf32>
    %add3A_41 = arith.addf %mul3A_39, %add3A_40 : vector<512x768xf32>
    %swap3A = arith.constant 0 : index
    %swap3A_42 = arith.constant 0 : index
    %swap3A_43 = arith.constant 0 : index
    %swap3A_44 = vector.load %arg5[%swap3A, %swap3A_42, %swap3A_43] : memref<1x512x768xf32, #tpu.memory_space<vmem>>, vector<1x512x768xf32>
    %swap3A_45 = vector.shape_cast %swap3A_44 : vector<1x512x768xf32> to vector<512x768xf32>
    %swap3A_46 = vector.shape_cast %add3A_41 : vector<512x768xf32> to vector<1x512x768xf32>
    tpu.vector_store %arg5[%swap3A, %swap3A_42, %swap3A_43], %swap3A_46 {strides = array<i32>} : memref<1x512x768xf32, #tpu.memory_space<vmem>>, vector<1x512x768xf32>,
    return
  }
  func.func @transform_0(%arg0: i32) -> (i32, i32) {
    %mul3A = arith.constant 1 : i32
    %mul3A_0 = arith.muli %arg0, %mul3A : i32
    %add3A = arith.constant 0 : i32
    %add3A_1 = arith.addi %mul3A_0, %add3A : i32
    %c0_i32 = arith.constant 0 : i32
    %c0_i32_2 = arith.constant 0 : i32
    return %add3A_1, %c0_i32 : i32, i32
  }
  func.func @transform_1(%arg0: i32) -> (i32, i32) {
    %c0_i32 = arith.constant 0 : i32
    %c0_i32_0 = arith.constant 0 : i32
    %c0_i32_1 = arith.constant 0 : i32
    return %c0_i32, %c0_i32_0 : i32, i32
  }
  func.func @transform_2(%arg0: i32) -> (i32, i32, i32) {
    %c0_i32 = arith.constant 0 : i32
    %c0_i32_0 = arith.constant 0 : i32
    %c0_i32_1 = arith.constant 0 : i32
    return %arg0, %c0_i32, %c0_i32_0 : i32, i32, i32
  }
  func.func @transform_3(%arg0: i32) -> (i32, i32) {
    %c0_i32 = arith.constant 0 : i32
    %c0_i32_0 = arith.constant 0 : i32
    %c0_i32_1 = arith.constant 0 : i32
    return %c0_i32, %c0_i32_0 : i32, i32
  }
  func.func @transform_4(%arg0: i32) -> (i32, i32, i32) {
    %c0_i32 = arith.constant 0 : i32
    %c0_i32_0 = arith.constant 0 : i32
    %c0_i32_1 = arith.constant 0 : i32
    return %arg0, %c0_i32, %c0_i32_0 : i32, i32, i32
  }
}

module attributes {stable_mosaic.version = 14 : i64} {
  func.func @_tc_ln_body_acc(%arg0: i32, %arg1: memref<4x2048x768xf32, #tpu.memory_space<any>>, %arg2: memref<512x768xf32, #tpu.memory_space<vmem>>, %arg3: memref<512x768xf32, #tpu.memory_space<vmem>>, %arg4: memref<1x512x1xi32, #tpu.memory_space<vmem>>, %arg5: memref<4x768xf32, #tpu.memory_space<vmem>>, %arg6: memref<1x512x768xf32, #tpu.memory_space<vmem>>) attributes {dimension_semantics = [#tpu.dimension_semantics<arbitrary>], iteration_bounds = array<i64: 4>, scalar_prefetch = 0 : i64, scratch_operands = 0 : i64, tpu.core_type = #tpu.core_type<tc>, window_params = [{}, {transform_indices = @transform_1, window_bounds = array<i64: 512, 768>}, {transform_indices = @transform_2, window_bounds = array<i64: 512, 768>}, {transform_indices = @transform_3, window_bounds = array<i64: 1, 512, 1>}, {pipeline_mode = #tpu.pipeline_mode<synchronous>, transform_indices = @transform_4, window_bounds = array<i64: 4, 768>}, {transform_indices = @transform_5, window_bounds = array<i64: 1, 512, 768>}]} {
    %get3A = arith.constant 0 : index
    %get3A_0 = arith.constant 0 : index
    %get3A_1 = vector.load %arg2[%get3A, %get3A_0] : memref<512x768xf32, #tpu.memory_space<vmem>>, vector<512x768xf32>
    %get3A_2 = arith.constant 0 : index
    %get3A_3 = arith.constant 0 : index
    %get3A_4 = vector.load %arg3[%get3A_2, %get3A_3] : memref<512x768xf32, #tpu.memory_space<vmem>>, vector<512x768xf32>
    %get3A_5 = arith.constant 0 : index
    %get3A_6 = arith.constant 0 : index
    %get3A_7 = arith.constant 0 : index
    %get3A_8 = vector.load %arg4[%get3A_5, %get3A_6, %get3A_7] : memref<1x512x1xi32, #tpu.memory_space<vmem>>, vector<1x512x1xi32>
    %get3A_9 = vector.shape_cast %get3A_8 : vector<1x512x1xi32> to vector<512x1xi32>
    %convert_element_type3A = arith.sitofp %get3A_9 : vector<512x1xi32> to vector<512x1xf32>
    %get3A_10 = arith.constant 0 : index
    %get3A_11 = arith.constant 0 : index
    %get3A_12 = vector.load %arg5[%get3A_10, %get3A_11] : memref<4x768xf32, #tpu.memory_space<vmem>>, vector<4x768xf32>
    %slice3A = vector.extract_strided_slice %get3A_12 {offsets = [0, 0], sizes = [1, 768], strides = [1, 1]} : vector<4x768xf32> to vector<1x768xf32>
    %slice3A_13 = vector.extract_strided_slice %get3A_12 {offsets = [1, 0], sizes = [1, 768], strides = [1, 1]} : vector<4x768xf32> to vector<1x768xf32>
    %slice3A_14 = vector.extract_strided_slice %get3A_12 {offsets = [2, 0], sizes = [1, 768], strides = [1, 1]} : vector<4x768xf32> to vector<1x768xf32>
    %slice3A_15 = vector.extract_strided_slice %get3A_12 {offsets = [3, 0], sizes = [1, 768], strides = [1, 1]} : vector<4x768xf32> to vector<1x768xf32>
    %sub3A = arith.subf %slice3A_15, %slice3A_14 : vector<1x768xf32>
    %add3A = arith.addf %get3A_1, %get3A_4 : vector<512x768xf32>
    %add3A_16 = vector.broadcast %slice3A_14 : vector<1x768xf32> to vector<512x768xf32>
    %add3A_17 = arith.addf %add3A, %add3A_16 : vector<512x768xf32>
    %mul3A = vector.broadcast %convert_element_type3A : vector<512x1xf32> to vector<512x768xf32>
    %mul3A_18 = vector.broadcast %sub3A : vector<1x768xf32> to vector<512x768xf32>
    %mul3A_19 = arith.mulf %mul3A, %mul3A_18 : vector<512x768xf32>
    %add3A_20 = arith.addf %add3A_17, %mul3A_19 : vector<512x768xf32>
    %reduce_sum3A = arith.constant dense<0.000000e+00> : vector<512xf32>
    %reduce_sum3A_21 = vector.multi_reduction <add>, %add3A_20, %reduce_sum3A [1] : vector<512x768xf32> to vector<512xf32>
    %broadcast_in_dim3A = vector.shape_cast %reduce_sum3A_21 : vector<512xf32> to vector<512x1xf32>
    %div3A = arith.constant 7.680000e+02 : f32
    %div3A_22 = vector.broadcast %div3A : f32 to vector<512x1xf32>
    %div3A_23 = arith.divf %broadcast_in_dim3A, %div3A_22 : vector<512x1xf32>
    %sub3A_24 = vector.broadcast %div3A_23 : vector<512x1xf32> to vector<512x768xf32>
    %sub3A_25 = arith.subf %add3A_20, %sub3A_24 : vector<512x768xf32>
    %mul3A_26 = arith.mulf %sub3A_25, %sub3A_25 : vector<512x768xf32>
    %reduce_sum3A_27 = arith.constant dense<0.000000e+00> : vector<512xf32>
    %reduce_sum3A_28 = vector.multi_reduction <add>, %mul3A_26, %reduce_sum3A_27 [1] : vector<512x768xf32> to vector<512xf32>
    %broadcast_in_dim3A_29 = vector.shape_cast %reduce_sum3A_28 : vector<512xf32> to vector<512x1xf32>
    %div3A_30 = arith.constant 7.680000e+02 : f32
    %div3A_31 = vector.broadcast %div3A_30 : f32 to vector<512x1xf32>
    %div3A_32 = arith.divf %broadcast_in_dim3A_29, %div3A_31 : vector<512x1xf32>
    %add3A_33 = arith.constant 9.99999996E-13 : f32
    %add3A_34 = vector.broadcast %add3A_33 : f32 to vector<512x1xf32>
    %add3A_35 = arith.addf %div3A_32, %add3A_34 : vector<512x1xf32>
    %rsqrt3A = math.rsqrt %add3A_35 : vector<512x1xf32>
    %mul3A_36 = vector.broadcast %rsqrt3A : vector<512x1xf32> to vector<512x768xf32>
    %mul3A_37 = arith.mulf %sub3A_25, %mul3A_36 : vector<512x768xf32>
    %mul3A_38 = vector.broadcast %slice3A : vector<1x768xf32> to vector<512x768xf32>
    %mul3A_39 = arith.mulf %mul3A_37, %mul3A_38 : vector<512x768xf32>
    %add3A_40 = vector.broadcast %slice3A_13 : vector<1x768xf32> to vector<512x768xf32>
    %add3A_41 = arith.addf %mul3A_39, %add3A_40 : vector<512x768xf32>
    %swap3A = arith.constant 0 : index
    %swap3A_42 = arith.constant 0 : index
    %swap3A_43 = arith.constant 0 : index
    %swap3A_44 = vector.load %arg6[%swap3A, %swap3A_42, %swap3A_43] : memref<1x512x768xf32, #tpu.memory_space<vmem>>, vector<1x512x768xf32>
    %swap3A_45 = vector.shape_cast %swap3A_44 : vector<1x512x768xf32> to vector<512x768xf32>
    %swap3A_46 = vector.shape_cast %add3A_41 : vector<512x768xf32> to vector<1x512x768xf32>
    tpu.vector_store %arg6[%swap3A, %swap3A_42, %swap3A_43], %swap3A_46 {strides = array<i32>} : memref<1x512x768xf32, #tpu.memory_space<vmem>>, vector<1x512x768xf32>,
    return
  }
  func.func @transform_1(%arg0: i32) -> (i32, i32) {
    %mul3A = arith.constant 1 : i32
    %mul3A_0 = arith.muli %arg0, %mul3A : i32
    %add3A = arith.constant 0 : i32
    %add3A_1 = arith.addi %mul3A_0, %add3A : i32
    %c0_i32 = arith.constant 0 : i32
    %c0_i32_2 = arith.constant 0 : i32
    return %add3A_1, %c0_i32 : i32, i32
  }
  func.func @transform_2(%arg0: i32) -> (i32, i32) {
    %c2_i32 = arith.constant 2 : i32
    %c0_i32 = arith.constant 0 : i32
    %c0_i32_0 = arith.constant 0 : i32
    return %c2_i32, %c0_i32 : i32, i32
  }
  func.func @transform_3(%arg0: i32) -> (i32, i32, i32) {
    %c2_i32 = arith.constant 2 : i32
    %c0_i32 = arith.constant 0 : i32
    %c0_i32_0 = arith.constant 0 : i32
    return %arg0, %c2_i32, %c0_i32 : i32, i32, i32
  }
  func.func @transform_4(%arg0: i32) -> (i32, i32) {
    %c0_i32 = arith.constant 0 : i32
    %c0_i32_0 = arith.constant 0 : i32
    %c0_i32_1 = arith.constant 0 : i32
    return %c0_i32, %c0_i32_0 : i32, i32
  }
  func.func @transform_5(%arg0: i32) -> (i32, i32, i32) {
    %c2_i32 = arith.constant 2 : i32
    %c0_i32 = arith.constant 0 : i32
    %c0_i32_0 = arith.constant 0 : i32
    return %arg0, %c2_i32, %c0_i32 : i32, i32, i32
  }
}

module attributes {stable_mosaic.version = 14 : i64} {
  func.func @_tc_ln_body_acc(%arg0: i32, %arg1: memref<4x2048x768xf32, #tpu.memory_space<any>>, %arg2: memref<512x768xf32, #tpu.memory_space<vmem>>, %arg3: memref<512x768xf32, #tpu.memory_space<vmem>>, %arg4: memref<1x512x1xi32, #tpu.memory_space<vmem>>, %arg5: memref<4x768xf32, #tpu.memory_space<vmem>>, %arg6: memref<1x512x768xf32, #tpu.memory_space<vmem>>) attributes {dimension_semantics = [#tpu.dimension_semantics<arbitrary>], iteration_bounds = array<i64: 4>, scalar_prefetch = 0 : i64, scratch_operands = 0 : i64, tpu.core_type = #tpu.core_type<tc>, window_params = [{}, {transform_indices = @transform_1, window_bounds = array<i64: 512, 768>}, {transform_indices = @transform_2, window_bounds = array<i64: 512, 768>}, {transform_indices = @transform_3, window_bounds = array<i64: 1, 512, 1>}, {pipeline_mode = #tpu.pipeline_mode<synchronous>, transform_indices = @transform_4, window_bounds = array<i64: 4, 768>}, {transform_indices = @transform_5, window_bounds = array<i64: 1, 512, 768>}]} {
    %get3A = arith.constant 0 : index
    %get3A_0 = arith.constant 0 : index
    %get3A_1 = vector.load %arg2[%get3A, %get3A_0] : memref<512x768xf32, #tpu.memory_space<vmem>>, vector<512x768xf32>
    %get3A_2 = arith.constant 0 : index
    %get3A_3 = arith.constant 0 : index
    %get3A_4 = vector.load %arg3[%get3A_2, %get3A_3] : memref<512x768xf32, #tpu.memory_space<vmem>>, vector<512x768xf32>
    %get3A_5 = arith.constant 0 : index
    %get3A_6 = arith.constant 0 : index
    %get3A_7 = arith.constant 0 : index
    %get3A_8 = vector.load %arg4[%get3A_5, %get3A_6, %get3A_7] : memref<1x512x1xi32, #tpu.memory_space<vmem>>, vector<1x512x1xi32>
    %get3A_9 = vector.shape_cast %get3A_8 : vector<1x512x1xi32> to vector<512x1xi32>
    %convert_element_type3A = arith.sitofp %get3A_9 : vector<512x1xi32> to vector<512x1xf32>
    %get3A_10 = arith.constant 0 : index
    %get3A_11 = arith.constant 0 : index
    %get3A_12 = vector.load %arg5[%get3A_10, %get3A_11] : memref<4x768xf32, #tpu.memory_space<vmem>>, vector<4x768xf32>
    %slice3A = vector.extract_strided_slice %get3A_12 {offsets = [0, 0], sizes = [1, 768], strides = [1, 1]} : vector<4x768xf32> to vector<1x768xf32>
    %slice3A_13 = vector.extract_strided_slice %get3A_12 {offsets = [1, 0], sizes = [1, 768], strides = [1, 1]} : vector<4x768xf32> to vector<1x768xf32>
    %slice3A_14 = vector.extract_strided_slice %get3A_12 {offsets = [2, 0], sizes = [1, 768], strides = [1, 1]} : vector<4x768xf32> to vector<1x768xf32>
    %slice3A_15 = vector.extract_strided_slice %get3A_12 {offsets = [3, 0], sizes = [1, 768], strides = [1, 1]} : vector<4x768xf32> to vector<1x768xf32>
    %sub3A = arith.subf %slice3A_15, %slice3A_14 : vector<1x768xf32>
    %add3A = arith.addf %get3A_1, %get3A_4 : vector<512x768xf32>
    %add3A_16 = vector.broadcast %slice3A_14 : vector<1x768xf32> to vector<512x768xf32>
    %add3A_17 = arith.addf %add3A, %add3A_16 : vector<512x768xf32>
    %mul3A = vector.broadcast %convert_element_type3A : vector<512x1xf32> to vector<512x768xf32>
    %mul3A_18 = vector.broadcast %sub3A : vector<1x768xf32> to vector<512x768xf32>
    %mul3A_19 = arith.mulf %mul3A, %mul3A_18 : vector<512x768xf32>
    %add3A_20 = arith.addf %add3A_17, %mul3A_19 : vector<512x768xf32>
    %reduce_sum3A = arith.constant dense<0.000000e+00> : vector<512xf32>
    %reduce_sum3A_21 = vector.multi_reduction <add>, %add3A_20, %reduce_sum3A [1] : vector<512x768xf32> to vector<512xf32>
    %broadcast_in_dim3A = vector.shape_cast %reduce_sum3A_21 : vector<512xf32> to vector<512x1xf32>
    %div3A = arith.constant 7.680000e+02 : f32
    %div3A_22 = vector.broadcast %div3A : f32 to vector<512x1xf32>
    %div3A_23 = arith.divf %broadcast_in_dim3A, %div3A_22 : vector<512x1xf32>
    %sub3A_24 = vector.broadcast %div3A_23 : vector<512x1xf32> to vector<512x768xf32>
    %sub3A_25 = arith.subf %add3A_20, %sub3A_24 : vector<512x768xf32>
    %mul3A_26 = arith.mulf %sub3A_25, %sub3A_25 : vector<512x768xf32>
    %reduce_sum3A_27 = arith.constant dense<0.000000e+00> : vector<512xf32>
    %reduce_sum3A_28 = vector.multi_reduction <add>, %mul3A_26, %reduce_sum3A_27 [1] : vector<512x768xf32> to vector<512xf32>
    %broadcast_in_dim3A_29 = vector.shape_cast %reduce_sum3A_28 : vector<512xf32> to vector<512x1xf32>
    %div3A_30 = arith.constant 7.680000e+02 : f32
    %div3A_31 = vector.broadcast %div3A_30 : f32 to vector<512x1xf32>
    %div3A_32 = arith.divf %broadcast_in_dim3A_29, %div3A_31 : vector<512x1xf32>
    %add3A_33 = arith.constant 9.99999996E-13 : f32
    %add3A_34 = vector.broadcast %add3A_33 : f32 to vector<512x1xf32>
    %add3A_35 = arith.addf %div3A_32, %add3A_34 : vector<512x1xf32>
    %rsqrt3A = math.rsqrt %add3A_35 : vector<512x1xf32>
    %mul3A_36 = vector.broadcast %rsqrt3A : vector<512x1xf32> to vector<512x768xf32>
    %mul3A_37 = arith.mulf %sub3A_25, %mul3A_36 : vector<512x768xf32>
    %mul3A_38 = vector.broadcast %slice3A : vector<1x768xf32> to vector<512x768xf32>
    %mul3A_39 = arith.mulf %mul3A_37, %mul3A_38 : vector<512x768xf32>
    %add3A_40 = vector.broadcast %slice3A_13 : vector<1x768xf32> to vector<512x768xf32>
    %add3A_41 = arith.addf %mul3A_39, %add3A_40 : vector<512x768xf32>
    %swap3A = arith.constant 0 : index
    %swap3A_42 = arith.constant 0 : index
    %swap3A_43 = arith.constant 0 : index
    %swap3A_44 = vector.load %arg6[%swap3A, %swap3A_42, %swap3A_43] : memref<1x512x768xf32, #tpu.memory_space<vmem>>, vector<1x512x768xf32>
    %swap3A_45 = vector.shape_cast %swap3A_44 : vector<1x512x768xf32> to vector<512x768xf32>
    %swap3A_46 = vector.shape_cast %add3A_41 : vector<512x768xf32> to vector<1x512x768xf32>
    tpu.vector_store %arg6[%swap3A, %swap3A_42, %swap3A_43], %swap3A_46 {strides = array<i32>} : memref<1x512x768xf32, #tpu.memory_space<vmem>>, vector<1x512x768xf32>,
    return
  }
  func.func @transform_1(%arg0: i32) -> (i32, i32) {
    %mul3A = arith.constant 1 : i32
    %mul3A_0 = arith.muli %arg0, %mul3A : i32
    %add3A = arith.constant 0 : i32
    %add3A_1 = arith.addi %mul3A_0, %add3A : i32
    %c0_i32 = arith.constant 0 : i32
    %c0_i32_2 = arith.constant 0 : i32
    return %add3A_1, %c0_i32 : i32, i32
  }
  func.func @transform_2(%arg0: i32) -> (i32, i32) {
    %c3_i32 = arith.constant 3 : i32
    %c0_i32 = arith.constant 0 : i32
    %c0_i32_0 = arith.constant 0 : i32
    return %c3_i32, %c0_i32 : i32, i32
  }
  func.func @transform_3(%arg0: i32) -> (i32, i32, i32) {
    %c3_i32 = arith.constant 3 : i32
    %c0_i32 = arith.constant 0 : i32
    %c0_i32_0 = arith.constant 0 : i32
    return %arg0, %c3_i32, %c0_i32 : i32, i32, i32
  }
  func.func @transform_4(%arg0: i32) -> (i32, i32) {
    %c0_i32 = arith.constant 0 : i32
    %c0_i32_0 = arith.constant 0 : i32
    %c0_i32_1 = arith.constant 0 : i32
    return %c0_i32, %c0_i32_0 : i32, i32
  }
  func.func @transform_5(%arg0: i32) -> (i32, i32, i32) {
    %c3_i32 = arith.constant 3 : i32
    %c0_i32 = arith.constant 0 : i32
    %c0_i32_0 = arith.constant 0 : i32
    return %arg0, %c3_i32, %c0_i32 : i32, i32, i32
  }
}

</mosaic_0001>

<sc_bundles>
// kernel: _embed.10.cloned.1.call-start
scs
__scs_entry_jumppad:
0x0: {  	(pc) =	sbr.rel $0x88, $3  }
0x1: {  	(tag) =	ssettag $0x0;
	lr =	simm.s32 $0x1  }
0x2: {  	[smem:$0x3F9A] =	sst lr;
	_ =	strace $0xD0000000  }
0x3: {  	_ = 	snop  }
0x4: {  	_ = 	snop  }
0x5: {  	_ = 	snop  }
0x6: {  	_ = 	snop  }
0x7: {  	_ = 	snop  }
__scs_overlays_trampoline_lowered:
0x8: {  	[smem:$0x3FA9] =	sst s0  }
0x9: {  	[smem:$0x3FAA] =	sst s1  }
0xa: {  	[smem:$0x3FAB] =	sst s2  }
0xb: {  	[smem:$0x3FAC] =	sst s3  }
0xc: {  	[smem:$0x3FAD] =	sst s4  }
0xd: {  	[smem:$0x3FAE] =	sst s5  }
0xe: {  	[smem:$0x3FAF] =	sst s6  }
0xf: {  	[smem:$0x3FB0] =	sst s7  }
0x10: {  	[smem:$0x3FB1] =	sst s8  }
0x11: {  	[smem:$0x3FB2] =	sst s9;
	s0 =	simm.s32 @!p0 $0x0  }
0x12: {  	s1 =	sld [smem:$0x3F98];
	s0 =	simm.s32 @p0 $0x1  }
0x13: {  	[smem:$0x3FB3] =	sst s0;
	s0 =	simm.s32 @!p1 $0x0  }
0x14: {  	s2 =	sld [smem:$0x3F97];
	s0 =	simm.s32 @p1 $0x1  }
0x15: {  	[smem:$0x3FB4] =	sst s0;
	s0 =	simm.s32 @!p2 $0x0  }
0x16: {  	s3 =	sld [smem:$0x3FDB];
	s0 =	simm.s32 @p2 $0x1  }
0x17: {  	s4 =	simm.s32 $0x1BF5;
	[smem:$0x3FB6] =	sst s0  }
0x18: {  	s0 =	sld [smem:$0x3F99];
	_ =	swait.ge [sflag:s4], $0x0  }
0x19: {  	s7 =	sld [smem:$0x3F9A]  }
0x1a: {  	s8 =	sadd.s32 $0xFFFFE003, lr  }
0x1b: {  	s9 =	sadd.s32 $0xFFFFFEF7, lr;
	s5 =	simm.s32 $0xFFFFFFFF;
	p2 =	slt.u32 s8, $0xFFFFF086  }
0x1c: {  	p1 =	slt.u32 s9, $0xF7A;
	s5 =	simm.s32 @!p2 $0x0  }
0x1d: {  	s5 =	simm.s32 @p1 $0x1;
	p0 =	seq.s32 s7, s2  }
0x1e: {  	s7 =	smul.u32 @!p0 $0xF7A, s2;
	p2 =	seq.s32 @!p0 s5, $0x0  }
0x1f: {  	s9 =	smul.u32 $0xF7A, s1;
	s8 =	simm.s32 @!p0 $0x1BF5;
	p2 =	por !p2, p0  }
0x20: {  	[sflag:s8] =	ssyncset.s32 @!p0 $0xFFFFF086;
	s6 =	sadd.s32 @!p0 s3, s7;
	s7 =	simm.s32 @!p0 $0x108  }
0x21: {  	s3 =	sadd.s32 s3, s9;
	s6 =	sadd.s32 @!p0 $0x88, s6;
	s7 =	simm.s32 @p2 $0x1082  }
0x22: {  	[simem:s7], [sflag:s8] =	dma.local @!p0 [hbm:s6], $0xF7A  }
0x23: {  	s9 =	sor.u32 $0xD0000000, s2;
	s6 =	simm.s32 $0x108;
	_ =	swait.ge @!p0 [sflag:s8], $0x0  }
0x24: {  	s3 =	sadd.s32 $0x88, s3;
	s6 =	simm.s32 @!p1 $0x1082;
	[sflag:s4] =	ssyncset.s32 $0xFFFFF086  }
0x25: {  	[simem:s6], [sflag:s4] =	dma.local [hbm:s3], $0xF7A  }
0x26: {  	[smem:$0x3F9A] =	sst s1;
	(tag) =	ssettag s2;
	_ =	strace s9  }
0x27: {  	s1 =	sld [smem:$0x3FAA]  }
0x28: {  	s2 =	sld [smem:$0x3FAB]  }
0x29: {  	s4 =	sld [smem:$0x3FAD]  }
0x2a: {  	p0 =	seq.s32 s5, $0x0;
	s5 =	sld [smem:$0x3FAE]  }
0x2b: {  	s6 =	sld [smem:$0x3FAF]  }
0x2c: {  	s7 =	sld [smem:$0x3FB0]  }
0x2d: {  	s3 =	simm.s32 $0x108;
	s8 =	sld [smem:$0x3FB1]  }
0x2e: {  	s3 =	simm.s32 @!p0 $0x1082;
	s9 =	sld [smem:$0x3FB2]  }
0x2f: {  	lr =	sadd.s32 s0, s3;
	s0 =	sld [smem:$0x3FA9]  }
0x30: {  	s3 =	sld [smem:$0x3FAC]  }
0x31: {  	[smem:$0x3FB5] =	sst s10  }
0x32: {  	s10 =	sld [smem:$0x3FB3];
	_ =	sdelay $0x3  }
0x33: {  	p0 =	seq.s32 s10, $0x1;
	s10 =	sld [smem:$0x3FB5];
	_ =	sdelay $0x3  }
0x34: {  	[smem:$0x3FB5] =	sst s10  }
0x35: {  	s10 =	sld [smem:$0x3FB4];
	_ =	sdelay $0x3  }
0x36: {  	p1 =	seq.s32 s10, $0x1;
	s10 =	sld [smem:$0x3FB5];
	_ =	sdelay $0x3  }
0x37: {  	[smem:$0x3FB5] =	sst s10  }
0x38: {  	s10 =	sld [smem:$0x3FB6]  }
0x39: {  	_ = 	snop;
	(pc) =	sbr.ind lr, $3  }
0x3a: {  	_ = 	snop  }
0x3b: {  	_ = 	snop  }
0x3c: {  	p2 =	seq.s32 s10, $0x1;
	s10 =	sld [smem:$0x3FB5]  }
0x3d: {  	_ =	shalt  }
0x3e: {  	_ =	shalt  }
0x3f: {  	_ =	shalt  }
0x40: {  	_ =	shalt  }
0x41: {  	_ =	shalt  }
0x42: {  	_ =	shalt  }
0x43: {  	_ =	shalt  }
0x44: {  	_ =	shalt  }
0x45: {  	_ =	shalt  }
0x46: {  	_ =	shalt  }
0x47: {  	_ =	shalt  }
0x48: {  	_ =	shalt  }
0x49: {  	_ =	shalt  }
0x4a: {  	_ =	shalt  }
0x4b: {  	_ =	shalt  }
0x4c: {  	_ =	shalt  }
0x4d: {  	_ =	shalt  }
0x4e: {  	_ =	shalt  }
0x4f: {  	_ =	shalt  }
0x50: {  	_ =	shalt  }
0x51: {  	_ =	shalt  }
0x52: {  	_ =	shalt  }
0x53: {  	_ =	shalt  }
0x54: {  	_ =	shalt  }
0x55: {  	_ =	shalt  }
0x56: {  	_ =	shalt  }
0x57: {  	_ =	shalt  }
0x58: {  	_ =	shalt  }
0x59: {  	_ =	shalt  }
0x5a: {  	_ =	shalt  }
0x5b: {  	_ =	shalt  }
0x5c: {  	_ =	shalt  }
0x5d: {  	_ =	shalt  }
0x5e: {  	_ =	shalt  }
0x5f: {  	_ =	shalt  }
0x60: {  	_ =	shalt  }
0x61: {  	_ =	shalt  }
0x62: {  	_ =	shalt  }
0x63: {  	_ =	shalt  }
0x64: {  	_ =	shalt  }
0x65: {  	_ =	shalt  }
0x66: {  	_ =	shalt  }
0x67: {  	_ =	shalt  }
0x68: {  	_ =	shalt  }
0x69: {  	_ =	shalt  }
0x6a: {  	_ =	shalt  }
0x6b: {  	_ =	shalt  }
0x6c: {  	_ =	shalt  }
0x6d: {  	_ =	shalt  }
0x6e: {  	_ =	shalt  }
0x6f: {  	_ =	shalt  }
0x70: {  	_ =	shalt  }
0x71: {  	_ =	shalt  }
0x72: {  	_ =	shalt  }
0x73: {  	_ =	shalt  }
0x74: {  	_ =	shalt  }
0x75: {  	_ =	shalt  }
0x76: {  	_ =	shalt  }
0x77: {  	_ =	shalt  }
0x78: {  	_ =	shalt  }
0x79: {  	_ =	shalt  }
0x7a: {  	_ =	shalt  }
0x7b: {  	_ =	shalt  }
0x7c: {  	_ =	shalt  }
0x7d: {  	_ =	shalt  }
0x7e: {  	_ =	shalt  }
0x7f: {  	_ =	shalt  }
0x80: {  	_ =	shalt  }
0x81: {  	_ =	shalt  }
0x82: {  	_ =	shalt  }
0x83: {  	_ =	shalt  }
0x84: {  	_ =	shalt  }
0x85: {  	_ =	shalt  }
0x86: {  	_ =	shalt  }
0x87: {  	_ =	shalt  }
.Lfunc_end0:
.L_simem_size_0:
called_computation_lowered:
.L_overlay_start_0:
0x88: {  	s2 =	sld [smem:$0x3FD9]  }
0x89: {  	s3 =	sld [smem:$0x3FFE];
	_ =	sdelay $0x1  }
0x8a: {  	s1 =	srdreg.scid  }
0x8b: {  	s0 =	sand.u32 $0x1, s1  }
0x8c: {  	s17 =	sshll.u32 s0, $0xA;
	s2 =	sadd.s32 s3, s2  }
0x8d: {  	s2 =	sadd.s32 s2, s17  }
0x8e: {  	[smem:$0x3FC1] =	sst s2  }
0x8f: {  	_ = 	snop  }
0x90: {  	s2 =	sld [smem:$0x3FC7]  }
0x91: {  	s18 =	sld [smem:$0x3FD0];
	(tm) =	ssettm $0x1  }
0x92: {  	s4 =	sld [smem:$0x3FFB];
	_ =	sdelay $0x3  }
0x93: {  	_ =	strace s4  }
0x94: {  	s4 =	sld [smem:$0x3FFC];
	_ =	sdelay $0x3  }
0x95: {  	_ =	strace s4  }
0x96: {  	s4 =	sld [smem:$0x3FFD];
	_ =	sdelay $0x3  }
0x97: {  	_ =	strace s4  }
0x98: {  	_ =	strace $0x8FFFFFFF  }
0x99: {  	s19 =	sld [smem:$0x3FDB];
	_ =	sdelay $0x1  }
0x9a: {  	s5 =	simm.s32 $_scs_section_size  }
0x9b: {  	s6 =	simm.s32 $_size__tile_overlayer_lowered;
	s7 =	simm.s32 $_tile_overlayer_lowered  }
0x9c: {  	s22 =	simm.s32 $0x1BFF;
	s21 =	sshll.u32 s7, $0x1;
	s4 =	sadd.s32 s5, s19  }
0x9d: {  	s8 =	simm.s32 $0x0;
	s20 =	sshll.u32 s6, $0x1;
	s6 =	sadd.s32 s21, s4  }
0x9e: {  	[timem:s8], [sflag:s22] =	dma.local [hbm:s6], s20  }
0x9f: {  	_ =	swait.ge [sflag:s22], s20  }
0xa0: {  	s5 =	ssub.s32 $0x0, s20;
	[sflag:s22] =	ssyncset.done $0x0  }
0xa1: {  	[sflag:s22] =	ssyncadd.s32 s5;
	_ =	sdelay $0x1  }
0xa2: {  	s23 =	simm.s32 $0x1B8B  }
0xa3: {  	_ =	swait.ge [sflag:s23], $0x1  }
0xa4: {  	[sflag:s23] =	ssyncset.done $0x0  }
0xa5: {  	s25 =	simm.s32 $0x1B8E;
	s24 =	sld [smem:$0x3FFE];
	[sflag:s23] =	ssyncadd.s32 $0xFFFFFFFF  }
0xa6: {  	s26 =	simm.s32 $execute0_lowered;
	[smem:$0x3FD2] =	sst s25  }
0xa7: {  	s6 =	sshll.u32 s26, $0x1;
	_ =	strace $0x80000046;
	[dreg:$0x1] =	wrdreg $0xFFFFFFFF  }
0xa8: {  	s28 =	simm.s32 $_size_execute0_lowered;
	s4 =	sadd.s32 s4, s6;
	[dreg:$0x0] =	wrdreg $0x0  }
0xa9: {  	s6 =	sshll.u32 s28, $0x1;
	[dreg:$0x2] =	wrdreg s4  }
0xaa: {  	[dreg:$0x3] =	wrdreg s6  }
0xab: {  	[dreg:$0x4] =	wrdreg $0xC0  }
0xac: {  	_ =	task [dreg:s8], $0x5FFFF  }
0xad: {  	[dreg:$0x1] =	wrdreg $0xFFFFFFFF  }
0xae: {  	[dreg:$0x0] =	wrdreg $0x60  }
0xaf: {  	[dreg:$0x2] =	wrdreg s24  }
0xb0: {  	[dreg:$0x3] =	wrdreg s2  }
0xb1: {  	[dreg:$0x4] =	wrdreg s18  }
0xb2: {  	[dreg:$0x5] =	wrdreg $0x9  }
0xb3: {  	_ =	task.clear_ibuf [dreg:s8], $0x6FFFF;
	_ =	strace $0x90000046  }
0xb4: {  	s29 =	simm.s32 $0x9;
	_ =	strace $0x80000048  }
0xb5: {  	_ =	swait.ge [sflag:s29], $0x1  }
0xb6: {  	[sflag:s29] =	ssyncadd.s32 $0xFFFFFFFF  }
0xb7: {  	_ =	strace $0x90000048  }
0xb8: {  	_ =	sfence  }
0xb9: {  	s30 =	sld [smem:$0x0];
	_ =	sdelay $0x2  }
0xba: {  	s31 =	sshll.u32 s1, $0xD;
	s1 =	sshrl.u32 s1, $0x2  }
0xbb: {  	s3 =	sand.u32 $0x4000, s31;
	s1 =	sadd.s32 s1, s30  }
0xbc: {  	s0 =	sor.u32 s3, s0;
	s1 =	sshll.u32 s1, $0x11  }
0xbd: {  	s0 =	sor.u32 s1, s0  }
0xbe: {  	s0 =	sadd.s32 $0x8F2B, s0  }
0xbf: {  	[sflag:s0] =	ssyncadd.remote.s32 $0x1  }
0xc0: {  	_ =	sfence.sel $0xFFFF  }
0xc1: {  	[dreg:$0x0] =	wrdreg $0xFFFFFFFF;
	(pc) =	sbr.abs _section_cstart, $3  }
0xc2: {  	[dreg:$0x1] =	wrdreg $0xFFFFFFFF  }
0xc3: {  	_ =	task.clear_ibuf [dreg:s8], $0x2FFFF;
	_ =	strace $0x9FFFFFFF  }
0xc4: {  	(tm) =	ssettm $0x7FFFFFFF  }
0xc5: {  	_ =	shalt  }
tec
execute0_lowered:
.L_overlay_start_1:
0x0: {  	(tag) =	ssettag $0x1  }
0x1: {  	s0 =	srdreg.scid  }
0x2: {  	s1 =	rddreg [dreg:$0x0];
	s3 =	stileid.u32;
	s0 =	sand.u32 $0x1, s0  }
0x3: {  	s2 =	rddreg [dreg:$0x1];
	s3 =	sshll.u32 s3, $0x4;
	s4 =	sshll.u32 s0, $0x3  }
0x4: {  	s5 =	rddreg [dreg:$0x2];
	s4 =	sor.u32 s4, s3;
	s3 =	simm.s32 $0x0  }
0x5: {  	s10 =	simm.s32 $0x880;
	s11 =	simm.s32 $0x1080;
	[smem:$0x7FF] =	sst s3  }
0x6: {  	s12 =	simm.s32 $0x2080;
	_ =	strace $0x80000047;
	[dreg:$0xc] =	wrdreg s10  }
0x7: {  	s14 =	simm.s32 $0x2880;
	s15 =	simm.s32 $0x3880;
	[dreg:$0xd] =	wrdreg s11  }
0x8: {  	s16 =	simm.s32 $0x4080;
	s17 =	simm.s32 $0x5080;
	[dreg:$0xe] =	wrdreg s12  }
0x9: {  	s18 =	simm.s32 $0x5880;
	s19 =	simm.s32 $0x6880;
	[dreg:$0xf] =	wrdreg s14  }
0xa: {  	s20 =	simm.s32 $0x7080;
	s21 =	simm.s32 $0x8080;
	[dreg:$0x10] =	wrdreg s15  }
0xb: {  	s22 =	simm.s32 $0x8880;
	s28 =	simm.s32 $0xC;
	[dreg:$0x11] =	wrdreg s16  }
0xc: {  	s29 =	simm.s32 $0xD;
	s30 =	simm.s32 $0xE;
	[dreg:$0x12] =	wrdreg s17  }
0xd: {  	s31 =	simm.s32 $0xF;
	s0 =	ssub.s32 $0x2, s0;
	[dreg:$0x13] =	wrdreg s18  }
0xe: {  	s13 =	sshrl.u32 s0, $0x1;
	s6 =	smul.u32 $0x300, s4;
	[dreg:$0x14] =	wrdreg s19  }
0xf: {  	s1 =	sadd.s32 s4, s1;
	s7 =	smul.u32 $0x1800, s4;
	[dreg:$0x15] =	wrdreg s20  }
0x10: {  	s0 =	ssub.s32 s0, s13;
	s13 =	simm.s32 $0x4880;
	[dreg:$0x16] =	wrdreg s21  }
0x11: {  	s1 =	sadd.s32 $0x2C00, s1;
	[dreg:$0x17] =	wrdreg s22;
	s17 =	simm.s32 $0x2  }
0x12: {  	s18 =	simm.s32 $0x3;
	s19 =	simm.s32 $0x4;
	s20 =	simm.s32 $0x5  }
0x13: {  	s21 =	simm.s32 $0x6;
	s22 =	simm.s32 $0x7;
	s10 =	simm.s32 $0x80  }
0x14: {  	s11 =	simm.s32 $0x1880;
	s23 =	sadd.s32 s5, s6;
	[dreg:$0x4] =	wrdreg s1  }
0x15: {  	s12 =	simm.s32 $0x3080;
	s24 =	sadd.s32 $0x300, s23;
	[dreg:$0x1c] =	wrdreg s23  }
0x16: {  	s14 =	simm.s32 $0x6080;
	s26 =	sadd.s32 $0x600, s23;
	[dreg:$0x5] =	wrdreg s24  }
0x17: {  	s25 =	sshrl.u32 s7, $0x3;
	s23 =	simm.s32 $0x9880;
	[dreg:$0x6] =	wrdreg s26  }
0x18: {  	s5 =	sadd.s32 s5, s25;
	s25 =	simm.s32 $0xB080;
	[dreg:$0x18] =	wrdreg s23  }
0x19: {  	s15 =	simm.s32 $0x7880;
	s4 =	sadd.s32 $0x900, s5;
	[dreg:$0x1a] =	wrdreg s25  }
0x1a: {  	s16 =	simm.s32 $0x9080;
	s6 =	sadd.s32 $0xC00, s5;
	[dreg:$0x7] =	wrdreg s4  }
0x1b: {  	s1 =	simm.s32 $0x10;
	s7 =	sadd.s32 $0xF00, s5;
	[dreg:$0x8] =	wrdreg s6  }
0x1c: {  	s8 =	sadd.s32 $0x1200, s5;
	s9 =	sadd.s32 $0x1500, s5;
	[dreg:$0x9] =	wrdreg s7  }
0x1d: {  	s5 =	sadd.s32 $0x100, s2;
	s24 =	simm.s32 $0xA080;
	[dreg:$0xa] =	wrdreg s8  }
0x1e: {  	s26 =	simm.s32 $0xB880;
	s23 =	simm.s32 $0x8;
	[dreg:$0xb] =	wrdreg s9  }
0x1f: {  	v0 =	vlaneseq.u32;
	s25 =	simm.s32 $0xA;
	s6 =	sadd.s32 $0x200, s2;
	[dreg:$0x19] =	wrdreg s24  }
0x20: {  	v1 =	vshrl.u32 v0, $0x3;
	s7 =	smax.u32 s0, $0x1;
	[dreg:$0x1b] =	wrdreg s26;
	s24 =	simm.s32 $0x9  }
0x21: {  	vm0 =	vmmov $0xffff;
	v0 =	vand.u32 $0x7, v0;
	v1 =	vmul.u32 $0x8, v1;
	s26 =	simm.s32 $0xB;
	s0 =	simm.s32 $0x11;
	s8 =	simm.s32 $0xA880  }
.LBB2_1:
0x22: {  	s4 =	rddreg [dreg:$0x4];
	s9 =	simm.s32 $0x1  }
0x23: {  	[tilespmem:s3], [sflag:$0x1] =	stream.linear.gather [hbm4b:s4+s3], $0x40, $0x38;
	[tilespmem:$0xC080] =	vst v63  }
0x24: {  	_ =	swait.ge [sflag:s9], $0x40  }
0x25: {  	[sflag:s9] =	ssyncset.done $0x0  }
0x26: {  	[sflag:s9] =	ssyncadd.s32 $0xFFFFFFC0  }
0x27: {  	v2 =	vld.msk [tilespmem:$0x0], $0xff;
	_ =	sdelay $0x4  }
0x28: {  	v3 =	vshrl.u32 v2, $0x3  }
0x29: {  	v3 =	vmul.u32 $0x30, v3  }
0x2a: {  	v2 =	vand.u32 $0x7, v2  }
0x2b: {  	v2 =	vor.u32 v2, v3  }
0x2c: {  	v2 =	vperm.xlane v2, v0;
	_ =	sdelay $0x1  }
0x2d: {  	v2 =	vadd.s32 v1, v2;
	_ =	sdelay $0x4  }
0x2e: {  	[tilespmem:s10], [sflag:$0x2] =	stream.indirect_vreg.gather [hbm4b:s2+s3], $0x80, v2, vm0, $0xb8;
	[tilespmem:$0xC080] =	vst v63  }
0x2f: {  	s4 =	rddreg [dreg:$0xc]  }
0x30: {  	[tilespmem:s4], [sflag:$0x2] =	stream.indirect_vreg.gather [hbm4b:s5+s3], $0x80, v2, vm0, $0xb8;
	[tilespmem:$0xC080] =	vst v63  }
0x31: {  	s9 =	rddreg [dreg:$0xd]  }
0x32: {  	[tilespmem:s9], [sflag:$0x2] =	stream.indirect_vreg.gather [hbm4b:s6+s3], $0x80, v2, vm0, $0xb8;
	[tilespmem:$0xC080] =	vst v63  }
0x33: {  	v2 =	vld.msk [tilespmem:$0x8], $0xff;
	_ =	sdelay $0x4  }
0x34: {  	v3 =	vshrl.u32 v2, $0x3  }
0x35: {  	v3 =	vmul.u32 $0x30, v3  }
0x36: {  	v2 =	vand.u32 $0x7, v2  }
0x37: {  	v2 =	vor.u32 v2, v3  }
0x38: {  	v2 =	vperm.xlane v2, v0;
	_ =	sdelay $0x1  }
0x39: {  	v2 =	vadd.s32 v1, v2;
	_ =	sdelay $0x4  }
0x3a: {  	[tilespmem:s11], [sflag:$0x3] =	stream.indirect_vreg.gather [hbm4b:s2+s3], $0x80, v2, vm0, $0xb8;
	[tilespmem:$0xC080] =	vst v63  }
0x3b: {  	s4 =	rddreg [dreg:$0xe]  }
0x3c: {  	[tilespmem:s4], [sflag:$0x3] =	stream.indirect_vreg.gather [hbm4b:s5+s3], $0x80, v2, vm0, $0xb8;
	[tilespmem:$0xC080] =	vst v63  }
0x3d: {  	s9 =	rddreg [dreg:$0xf]  }
0x3e: {  	[tilespmem:s9], [sflag:$0x3] =	stream.indirect_vreg.gather [hbm4b:s6+s3], $0x80, v2, vm0, $0xb8;
	[tilespmem:$0xC080] =	vst v63  }
0x3f: {  	v2 =	vld.msk [tilespmem:$0x10], $0xff;
	_ =	sdelay $0x4  }
0x40: {  	v3 =	vshrl.u32 v2, $0x3  }
0x41: {  	v3 =	vmul.u32 $0x30, v3  }
0x42: {  	v2 =	vand.u32 $0x7, v2  }
0x43: {  	v2 =	vor.u32 v2, v3  }
0x44: {  	v2 =	vperm.xlane v2, v0;
	_ =	sdelay $0x1  }
0x45: {  	v2 =	vadd.s32 v1, v2;
	_ =	sdelay $0x4  }
0x46: {  	[tilespmem:s12], [sflag:$0x4] =	stream.indirect_vreg.gather [hbm4b:s2+s3], $0x80, v2, vm0, $0xb8;
	[tilespmem:$0xC080] =	vst v63  }
0x47: {  	s4 =	rddreg [dreg:$0x10]  }
0x48: {  	[tilespmem:s4], [sflag:$0x4] =	stream.indirect_vreg.gather [hbm4b:s5+s3], $0x80, v2, vm0, $0xb8;
	[tilespmem:$0xC080] =	vst v63  }
0x49: {  	s9 =	rddreg [dreg:$0x11]  }
0x4a: {  	[tilespmem:s9], [sflag:$0x4] =	stream.indirect_vreg.gather [hbm4b:s6+s3], $0x80, v2, vm0, $0xb8;
	[tilespmem:$0xC080] =	vst v63  }
0x4b: {  	v2 =	vld.msk [tilespmem:$0x18], $0xff;
	_ =	sdelay $0x4  }
0x4c: {  	v3 =	vshrl.u32 v2, $0x3  }
0x4d: {  	v3 =	vmul.u32 $0x30, v3  }
0x4e: {  	v2 =	vand.u32 $0x7, v2  }
0x4f: {  	v2 =	vor.u32 v2, v3  }
0x50: {  	v2 =	vperm.xlane v2, v0;
	_ =	sdelay $0x1  }
0x51: {  	v2 =	vadd.s32 v1, v2;
	_ =	sdelay $0x4  }
0x52: {  	[tilespmem:s13], [sflag:$0x5] =	stream.indirect_vreg.gather [hbm4b:s2+s3], $0x80, v2, vm0, $0xb8;
	[tilespmem:$0xC080] =	vst v63  }
0x53: {  	s4 =	rddreg [dreg:$0x12]  }
0x54: {  	[tilespmem:s4], [sflag:$0x5] =	stream.indirect_vreg.gather [hbm4b:s5+s3], $0x80, v2, vm0, $0xb8;
	[tilespmem:$0xC080] =	vst v63  }
0x55: {  	s9 =	rddreg [dreg:$0x13]  }
0x56: {  	[tilespmem:s9], [sflag:$0x5] =	stream.indirect_vreg.gather [hbm4b:s6+s3], $0x80, v2, vm0, $0xb8;
	[tilespmem:$0xC080] =	vst v63  }
0x57: {  	v2 =	vld.msk [tilespmem:$0x20], $0xff;
	_ =	sdelay $0x4  }
0x58: {  	v3 =	vshrl.u32 v2, $0x3  }
0x59: {  	v3 =	vmul.u32 $0x30, v3  }
0x5a: {  	v2 =	vand.u32 $0x7, v2  }
0x5b: {  	v2 =	vor.u32 v2, v3  }
0x5c: {  	v2 =	vperm.xlane v2, v0;
	_ =	sdelay $0x1  }
0x5d: {  	v2 =	vadd.s32 v1, v2;
	_ =	sdelay $0x4  }
0x5e: {  	[tilespmem:s14], [sflag:$0x6] =	stream.indirect_vreg.gather [hbm4b:s2+s3], $0x80, v2, vm0, $0xb8;
	[tilespmem:$0xC080] =	vst v63  }
0x5f: {  	s4 =	rddreg [dreg:$0x14]  }
0x60: {  	[tilespmem:s4], [sflag:$0x6] =	stream.indirect_vreg.gather [hbm4b:s5+s3], $0x80, v2, vm0, $0xb8;
	[tilespmem:$0xC080] =	vst v63  }
0x61: {  	s9 =	rddreg [dreg:$0x15]  }
0x62: {  	[tilespmem:s9], [sflag:$0x6] =	stream.indirect_vreg.gather [hbm4b:s6+s3], $0x80, v2, vm0, $0xb8;
	[tilespmem:$0xC080] =	vst v63  }
0x63: {  	v2 =	vld.msk [tilespmem:$0x28], $0xff;
	_ =	sdelay $0x4  }
0x64: {  	v3 =	vshrl.u32 v2, $0x3  }
0x65: {  	v3 =	vmul.u32 $0x30, v3  }
0x66: {  	v2 =	vand.u32 $0x7, v2  }
0x67: {  	v2 =	vor.u32 v2, v3  }
0x68: {  	v2 =	vperm.xlane v2, v0;
	_ =	sdelay $0x1  }
0x69: {  	v2 =	vadd.s32 v1, v2;
	_ =	sdelay $0x4  }
0x6a: {  	[tilespmem:s15], [sflag:$0x7] =	stream.indirect_vreg.gather [hbm4b:s2+s3], $0x80, v2, vm0, $0xb8;
	[tilespmem:$0xC080] =	vst v63  }
0x6b: {  	s4 =	rddreg [dreg:$0x16]  }
0x6c: {  	[tilespmem:s4], [sflag:$0x7] =	stream.indirect_vreg.gather [hbm4b:s5+s3], $0x80, v2, vm0, $0xb8;
	[tilespmem:$0xC080] =	vst v63  }
0x6d: {  	s9 =	rddreg [dreg:$0x17]  }
0x6e: {  	[tilespmem:s9], [sflag:$0x7] =	stream.indirect_vreg.gather [hbm4b:s6+s3], $0x80, v2, vm0, $0xb8;
	[tilespmem:$0xC080] =	vst v63  }
0x6f: {  	v2 =	vld.msk [tilespmem:$0x30], $0xff;
	_ =	sdelay $0x4  }
0x70: {  	v3 =	vshrl.u32 v2, $0x3  }
0x71: {  	v3 =	vmul.u32 $0x30, v3  }
0x72: {  	v2 =	vand.u32 $0x7, v2  }
0x73: {  	v2 =	vor.u32 v2, v3  }
0x74: {  	v2 =	vperm.xlane v2, v0;
	_ =	sdelay $0x1  }
0x75: {  	v2 =	vadd.s32 v1, v2;
	_ =	sdelay $0x4  }
0x76: {  	[tilespmem:s16], [sflag:$0x8] =	stream.indirect_vreg.gather [hbm4b:s2+s3], $0x80, v2, vm0, $0xb8;
	[tilespmem:$0xC080] =	vst v63  }
0x77: {  	s4 =	rddreg [dreg:$0x18]  }
0x78: {  	[tilespmem:s4], [sflag:$0x8] =	stream.indirect_vreg.gather [hbm4b:s5+s3], $0x80, v2, vm0, $0xb8;
	[tilespmem:$0xC080] =	vst v63  }
0x79: {  	s9 =	rddreg [dreg:$0x19]  }
0x7a: {  	[tilespmem:s9], [sflag:$0x8] =	stream.indirect_vreg.gather [hbm4b:s6+s3], $0x80, v2, vm0, $0xb8;
	[tilespmem:$0xC080] =	vst v63  }
0x7b: {  	v2 =	vld.msk [tilespmem:$0x38], $0xff;
	_ =	sdelay $0x4  }
0x7c: {  	v3 =	vshrl.u32 v2, $0x3  }
0x7d: {  	v3 =	vmul.u32 $0x30, v3  }
0x7e: {  	v2 =	vand.u32 $0x7, v2  }
0x7f: {  	v2 =	vor.u32 v2, v3  }
0x80: {  	v2 =	vperm.xlane v2, v0;
	_ =	sdelay $0x1  }
0x81: {  	v2 =	vadd.s32 v1, v2;
	_ =	sdelay $0x4  }
0x82: {  	[tilespmem:s8], [sflag:$0x9] =	stream.indirect_vreg.gather [hbm4b:s2+s3], $0x80, v2, vm0, $0xb8;
	[tilespmem:$0xC080] =	vst v63  }
0x83: {  	s4 =	rddreg [dreg:$0x1a]  }
0x84: {  	[tilespmem:s4], [sflag:$0x9] =	stream.indirect_vreg.gather [hbm4b:s5+s3], $0x80, v2, vm0, $0xb8;
	[tilespmem:$0xC080] =	vst v63  }
0x85: {  	s9 =	rddreg [dreg:$0x1b]  }
0x86: {  	[tilespmem:s9], [sflag:$0x9] =	stream.indirect_vreg.gather [hbm4b:s6+s3], $0x80, v2, vm0, $0xb8;
	[tilespmem:$0xC080] =	vst v63  }
0x87: {  	_ =	swait.ge [sflag:s17], $0x1800  }
0x88: {  	[sflag:s17] =	ssyncset.done $0x0  }
0x89: {  	s9 =	rddreg [dreg:$0x1c];
	[sflag:s17] =	ssyncadd.s32 $0xFFFFE800  }
0x8a: {  	[hbm4b:s9+s3] =	stream.linear.scatter [tilespmem:s10], [sflag:$0xA], $0x1800, $0x38;
	[tilespmem:$0xC080] =	vst v63  }
0x8b: {  	_ =	swait.ge [sflag:s18], $0x1800  }
0x8c: {  	[sflag:s18] =	ssyncset.done $0x0  }
0x8d: {  	s9 =	rddreg [dreg:$0x5];
	[sflag:s18] =	ssyncadd.s32 $0xFFFFE800  }
0x8e: {  	[hbm4b:s9+s3] =	stream.linear.scatter [tilespmem:s11], [sflag:$0xB], $0x1800, $0x38;
	[tilespmem:$0xC080] =	vst v63  }
0x8f: {  	_ =	swait.ge [sflag:s19], $0x1800  }
0x90: {  	[sflag:s19] =	ssyncset.done $0x0  }
0x91: {  	s9 =	rddreg [dreg:$0x6];
	[sflag:s19] =	ssyncadd.s32 $0xFFFFE800  }
0x92: {  	[hbm4b:s9+s3] =	stream.linear.scatter [tilespmem:s12], [sflag:$0xC], $0x1800, $0x38;
	[tilespmem:$0xC080] =	vst v63  }
0x93: {  	_ =	swait.ge [sflag:s20], $0x1800  }
0x94: {  	[sflag:s20] =	ssyncset.done $0x0  }
0x95: {  	s9 =	rddreg [dreg:$0x7];
	[sflag:s20] =	ssyncadd.s32 $0xFFFFE800  }
0x96: {  	[hbm4b:s9+s3] =	stream.linear.scatter [tilespmem:s13], [sflag:$0xD], $0x1800, $0x38;
	[tilespmem:$0xC080] =	vst v63  }
0x97: {  	_ =	swait.ge [sflag:s21], $0x1800  }
0x98: {  	[sflag:s21] =	ssyncset.done $0x0  }
0x99: {  	s9 =	rddreg [dreg:$0x8];
	[sflag:s21] =	ssyncadd.s32 $0xFFFFE800  }
0x9a: {  	[hbm4b:s9+s3] =	stream.linear.scatter [tilespmem:s14], [sflag:$0xE], $0x1800, $0x38;
	[tilespmem:$0xC080] =	vst v63  }
0x9b: {  	_ =	swait.ge [sflag:s22], $0x1800  }
0x9c: {  	[sflag:s22] =	ssyncset.done $0x0  }
0x9d: {  	s9 =	rddreg [dreg:$0x9];
	[sflag:s22] =	ssyncadd.s32 $0xFFFFE800  }
0x9e: {  	[hbm4b:s9+s3] =	stream.linear.scatter [tilespmem:s15], [sflag:$0xF], $0x1800, $0x38;
	[tilespmem:$0xC080] =	vst v63  }
0x9f: {  	_ =	swait.ge [sflag:s23], $0x1800  }
0xa0: {  	[sflag:s23] =	ssyncset.done $0x0  }
0xa1: {  	s9 =	rddreg [dreg:$0xa];
	[sflag:s23] =	ssyncadd.s32 $0xFFFFE800  }
0xa2: {  	[hbm4b:s9+s3] =	stream.linear.scatter [tilespmem:s16], [sflag:$0x10], $0x1800, $0x38;
	[tilespmem:$0xC080] =	vst v63  }
0xa3: {  	_ =	swait.ge [sflag:s24], $0x1800  }
0xa4: {  	[sflag:s24] =	ssyncset.done $0x0  }
0xa5: {  	s9 =	rddreg [dreg:$0xb];
	[sflag:s24] =	ssyncadd.s32 $0xFFFFE800  }
0xa6: {  	[hbm4b:s9+s3] =	stream.linear.scatter [tilespmem:s8], [sflag:$0x11], $0x1800, $0x38;
	[tilespmem:$0xC080] =	vst v63  }
0xa7: {  	_ =	swait.ge [sflag:s25], $0x1800  }
0xa8: {  	[sflag:s25] =	ssyncset.done $0x0  }
0xa9: {  	[sflag:s25] =	ssyncadd.s32 $0xFFFFE800  }
0xaa: {  	_ =	swait.ge [sflag:s26], $0x1800  }
0xab: {  	[sflag:s26] =	ssyncset.done $0x0  }
0xac: {  	[sflag:s26] =	ssyncadd.s32 $0xFFFFE800  }
0xad: {  	_ =	swait.ge [sflag:s28], $0x1800  }
0xae: {  	[sflag:s28] =	ssyncset.done $0x0  }
0xaf: {  	[sflag:s28] =	ssyncadd.s32 $0xFFFFE800  }
0xb0: {  	_ =	swait.ge [sflag:s29], $0x1800  }
0xb1: {  	[sflag:s29] =	ssyncset.done $0x0  }
0xb2: {  	[sflag:s29] =	ssyncadd.s32 $0xFFFFE800  }
0xb3: {  	_ =	swait.ge [sflag:s30], $0x1800  }
0xb4: {  	[sflag:s30] =	ssyncset.done $0x0  }
0xb5: {  	[sflag:s30] =	ssyncadd.s32 $0xFFFFE800  }
0xb6: {  	_ =	swait.ge [sflag:s31], $0x1800  }
0xb7: {  	[sflag:s31] =	ssyncset.done $0x0  }
0xb8: {  	[sflag:s31] =	ssyncadd.s32 $0xFFFFE800  }
0xb9: {  	p0 =	sne.s32 s7, $0x1;
	_ =	swait.ge [sflag:s1], $0x1800  }
.Ltmp0:
0xba: {  	[sflag:s1] =	ssyncset.done $0x0;
	(pc) =	sbr.rel @p0 .LBB2_1-.Ltmp0, $4  }
0xbb: {  	[sflag:s1] =	ssyncadd.s32 $0xFFFFE800  }
0xbc: {  	_ =	swait.ge [sflag:s0], $0x1800  }
0xbd: {  	[sflag:s0] =	ssyncset.done $0x0  }
0xbe: {  	s7 =	sadd.s32 $0xFFFFFFFF, s7;
	[sflag:s0] =	ssyncadd.s32 $0xFFFFE800  }
0xbf: {  	_ =	sfence.sel $0x180000  }
0xc0: {  	[bflag:$0x0] =	sbarrier.arrive $0xFFFF  }
0xc1: {  	_ =	strace $0x90000047  }
0xc2: {  	s0 =	stileid.u32;
	[bflag:$0x2] =	sbarrier.arrive $0xFFFF  }
0xc3: {  	p0 =	sne.s32 s0, $0x0;
	s0 =	rddreg [dreg:$0x3]  }
0xc4: {  	s0 =	sadd.s32 @!p0 $0x100000, s0  }
0xc5: {  	[sflag:s0] =	ssyncadd.tile.s32 @!p0 $0x1;
	_ =	shalt  }
.Lfunc_end2:
_tile_overlayer_lowered:
.L_overlay_start_2:
0xc6: {  	(tag) =	ssettag $0x2  }
0xc7: {  	s0 =	rddreg [dreg:$0x0];
	s2 =	stileid.u32  }
0xc8: {  	s1 =	rddreg [dreg:$0x1];
	p0 =	sne.s32 s2, $0x0  }
0xc9: {  	s3 =	rddreg [dreg:$0x2];
	[bflag:$0x3] =	sbarrier.arrive $0xFFFF;
	s2 =	simm.s32 @!p0 $0x1C12  }
0xca: {  	[timem:s3], [sflag:s2] =	dma.local @!p0 [hbm:s0], s1  }
0xcb: {  	s0 =	simm.s32 @!p0 $0x12  }
0xcc: {  	_ =	swait.ge @!p0 [sflag:s0], s1  }
0xcd: {  	s1 =	ssub.s32 @!p0 $0x0, s1;
	[sflag:s0] =	ssyncset.done @!p0 $0x0  }
0xce: {  	[sflag:s0] =	ssyncadd.s32 @!p0 s1  }
0xcf: {  	[bflag:$0x3] =	sbarrier.arrive $0xFFFF  }
0xd0: {  	_ =	shalt  }

// kernel: _embed.13.cloned.1.call-start
scs
__scs_entry_jumppad:
0x0: {  	(pc) =	sbr.rel $0x88, $3  }
0x1: {  	(tag) =	ssettag $0x0;
	lr =	simm.s32 $0x1  }
0x2: {  	[smem:$0x3F9A] =	sst lr;
	_ =	strace $0xD0000000  }
0x3: {  	_ = 	snop  }
0x4: {  	_ = 	snop  }
0x5: {  	_ = 	snop  }
0x6: {  	_ = 	snop  }
0x7: {  	_ = 	snop  }
__scs_overlays_trampoline_lowered:
0x8: {  	[smem:$0x3FA9] =	sst s0  }
0x9: {  	[smem:$0x3FAA] =	sst s1  }
0xa: {  	[smem:$0x3FAB] =	sst s2  }
0xb: {  	[smem:$0x3FAC] =	sst s3  }
0xc: {  	[smem:$0x3FAD] =	sst s4  }
0xd: {  	[smem:$0x3FAE] =	sst s5  }
0xe: {  	[smem:$0x3FAF] =	sst s6  }
0xf: {  	[smem:$0x3FB0] =	sst s7  }
0x10: {  	[smem:$0x3FB1] =	sst s8  }
0x11: {  	[smem:$0x3FB2] =	sst s9;
	s0 =	simm.s32 @!p0 $0x0  }
0x12: {  	s1 =	sld [smem:$0x3F98];
	s0 =	simm.s32 @p0 $0x1  }
0x13: {  	[smem:$0x3FB3] =	sst s0;
	s0 =	simm.s32 @!p1 $0x0  }
0x14: {  	s2 =	sld [smem:$0x3F97];
	s0 =	simm.s32 @p1 $0x1  }
0x15: {  	[smem:$0x3FB4] =	sst s0;
	s0 =	simm.s32 @!p2 $0x0  }
0x16: {  	s3 =	sld [smem:$0x3FDB];
	s0 =	simm.s32 @p2 $0x1  }
0x17: {  	s4 =	simm.s32 $0x1BF5;
	[smem:$0x3FB6] =	sst s0  }
0x18: {  	s0 =	sld [smem:$0x3F99];
	_ =	swait.ge [sflag:s4], $0x0  }
0x19: {  	s7 =	sld [smem:$0x3F9A]  }
0x1a: {  	s8 =	sadd.s32 $0xFFFFE003, lr  }
0x1b: {  	s9 =	sadd.s32 $0xFFFFFEF7, lr;
	s5 =	simm.s32 $0xFFFFFFFF;
	p2 =	slt.u32 s8, $0xFFFFF086  }
0x1c: {  	p1 =	slt.u32 s9, $0xF7A;
	s5 =	simm.s32 @!p2 $0x0  }
0x1d: {  	s5 =	simm.s32 @p1 $0x1;
	p0 =	seq.s32 s7, s2  }
0x1e: {  	s7 =	smul.u32 @!p0 $0xF7A, s2;
	p2 =	seq.s32 @!p0 s5, $0x0  }
0x1f: {  	s9 =	smul.u32 $0xF7A, s1;
	s8 =	simm.s32 @!p0 $0x1BF5;
	p2 =	por !p2, p0  }
0x20: {  	[sflag:s8] =	ssyncset.s32 @!p0 $0xFFFFF086;
	s6 =	sadd.s32 @!p0 s3, s7;
	s7 =	simm.s32 @!p0 $0x108  }
0x21: {  	s3 =	sadd.s32 s3, s9;
	s6 =	sadd.s32 @!p0 $0x88, s6;
	s7 =	simm.s32 @p2 $0x1082  }
0x22: {  	[simem:s7], [sflag:s8] =	dma.local @!p0 [hbm:s6], $0xF7A  }
0x23: {  	s9 =	sor.u32 $0xD0000000, s2;
	s6 =	simm.s32 $0x108;
	_ =	swait.ge @!p0 [sflag:s8], $0x0  }
0x24: {  	s3 =	sadd.s32 $0x88, s3;
	s6 =	simm.s32 @!p1 $0x1082;
	[sflag:s4] =	ssyncset.s32 $0xFFFFF086  }
0x25: {  	[simem:s6], [sflag:s4] =	dma.local [hbm:s3], $0xF7A  }
0x26: {  	[smem:$0x3F9A] =	sst s1;
	(tag) =	ssettag s2;
	_ =	strace s9  }
0x27: {  	s1 =	sld [smem:$0x3FAA]  }
0x28: {  	s2 =	sld [smem:$0x3FAB]  }
0x29: {  	s4 =	sld [smem:$0x3FAD]  }
0x2a: {  	p0 =	seq.s32 s5, $0x0;
	s5 =	sld [smem:$0x3FAE]  }
0x2b: {  	s6 =	sld [smem:$0x3FAF]  }
0x2c: {  	s7 =	sld [smem:$0x3FB0]  }
0x2d: {  	s3 =	simm.s32 $0x108;
	s8 =	sld [smem:$0x3FB1]  }
0x2e: {  	s3 =	simm.s32 @!p0 $0x1082;
	s9 =	sld [smem:$0x3FB2]  }
0x2f: {  	lr =	sadd.s32 s0, s3;
	s0 =	sld [smem:$0x3FA9]  }
0x30: {  	s3 =	sld [smem:$0x3FAC]  }
0x31: {  	[smem:$0x3FB5] =	sst s10  }
0x32: {  	s10 =	sld [smem:$0x3FB3];
	_ =	sdelay $0x3  }
0x33: {  	p0 =	seq.s32 s10, $0x1;
	s10 =	sld [smem:$0x3FB5];
	_ =	sdelay $0x3  }
0x34: {  	[smem:$0x3FB5] =	sst s10  }
0x35: {  	s10 =	sld [smem:$0x3FB4];
	_ =	sdelay $0x3  }
0x36: {  	p1 =	seq.s32 s10, $0x1;
	s10 =	sld [smem:$0x3FB5];
	_ =	sdelay $0x3  }
0x37: {  	[smem:$0x3FB5] =	sst s10  }
0x38: {  	s10 =	sld [smem:$0x3FB6]  }
0x39: {  	_ = 	snop;
	(pc) =	sbr.ind lr, $3  }
0x3a: {  	_ = 	snop  }
0x3b: {  	_ = 	snop  }
0x3c: {  	p2 =	seq.s32 s10, $0x1;
	s10 =	sld [smem:$0x3FB5]  }
0x3d: {  	_ =	shalt  }
0x3e: {  	_ =	shalt  }
0x3f: {  	_ =	shalt  }
0x40: {  	_ =	shalt  }
0x41: {  	_ =	shalt  }
0x42: {  	_ =	shalt  }
0x43: {  	_ =	shalt  }
0x44: {  	_ =	shalt  }
0x45: {  	_ =	shalt  }
0x46: {  	_ =	shalt  }
0x47: {  	_ =	shalt  }
0x48: {  	_ =	shalt  }
0x49: {  	_ =	shalt  }
0x4a: {  	_ =	shalt  }
0x4b: {  	_ =	shalt  }
0x4c: {  	_ =	shalt  }
0x4d: {  	_ =	shalt  }
0x4e: {  	_ =	shalt  }
0x4f: {  	_ =	shalt  }
0x50: {  	_ =	shalt  }
0x51: {  	_ =	shalt  }
0x52: {  	_ =	shalt  }
0x53: {  	_ =	shalt  }
0x54: {  	_ =	shalt  }
0x55: {  	_ =	shalt  }
0x56: {  	_ =	shalt  }
0x57: {  	_ =	shalt  }
0x58: {  	_ =	shalt  }
0x59: {  	_ =	shalt  }
0x5a: {  	_ =	shalt  }
0x5b: {  	_ =	shalt  }
0x5c: {  	_ =	shalt  }
0x5d: {  	_ =	shalt  }
0x5e: {  	_ =	shalt  }
0x5f: {  	_ =	shalt  }
0x60: {  	_ =	shalt  }
0x61: {  	_ =	shalt  }
0x62: {  	_ =	shalt  }
0x63: {  	_ =	shalt  }
0x64: {  	_ =	shalt  }
0x65: {  	_ =	shalt  }
0x66: {  	_ =	shalt  }
0x67: {  	_ =	shalt  }
0x68: {  	_ =	shalt  }
0x69: {  	_ =	shalt  }
0x6a: {  	_ =	shalt  }
0x6b: {  	_ =	shalt  }
0x6c: {  	_ =	shalt  }
0x6d: {  	_ =	shalt  }
0x6e: {  	_ =	shalt  }
0x6f: {  	_ =	shalt  }
0x70: {  	_ =	shalt  }
0x71: {  	_ =	shalt  }
0x72: {  	_ =	shalt  }
0x73: {  	_ =	shalt  }
0x74: {  	_ =	shalt  }
0x75: {  	_ =	shalt  }
0x76: {  	_ =	shalt  }
0x77: {  	_ =	shalt  }
0x78: {  	_ =	shalt  }
0x79: {  	_ =	shalt  }
0x7a: {  	_ =	shalt  }
0x7b: {  	_ =	shalt  }
0x7c: {  	_ =	shalt  }
0x7d: {  	_ =	shalt  }
0x7e: {  	_ =	shalt  }
0x7f: {  	_ =	shalt  }
0x80: {  	_ =	shalt  }
0x81: {  	_ =	shalt  }
0x82: {  	_ =	shalt  }
0x83: {  	_ =	shalt  }
0x84: {  	_ =	shalt  }
0x85: {  	_ =	shalt  }
0x86: {  	_ =	shalt  }
0x87: {  	_ =	shalt  }
.Lfunc_end0:
.L_simem_size_0:
called_computation.1_lowered:
.L_overlay_start_0:
0x88: {  	s2 =	sld [smem:$0x3FD9]  }
0x89: {  	s3 =	sld [smem:$0x3FFE];
	_ =	sdelay $0x1  }
0x8a: {  	s1 =	srdreg.scid  }
0x8b: {  	s0 =	sand.u32 $0x1, s1  }
0x8c: {  	s17 =	sshll.u32 s0, $0xA;
	s2 =	sadd.s32 s3, s2  }
0x8d: {  	s2 =	sadd.s32 s2, s17  }
0x8e: {  	[smem:$0x3FC1] =	sst s2  }
0x8f: {  	_ = 	snop  }
0x90: {  	s18 =	sld [smem:$0x3FC7];
	(tm) =	ssettm $0x1  }
0x91: {  	s19 =	sld [smem:$0x3FFB];
	_ =	sdelay $0x3  }
0x92: {  	_ =	strace s19  }
0x93: {  	s2 =	sld [smem:$0x3FFC];
	_ =	sdelay $0x3  }
0x94: {  	_ =	strace s2  }
0x95: {  	s2 =	sld [smem:$0x3FFD];
	_ =	sdelay $0x3  }
0x96: {  	_ =	strace s2  }
0x97: {  	_ =	strace $0x8FFFFFFF  }
0x98: {  	s20 =	sld [smem:$0x3FDB];
	_ =	sdelay $0x1  }
0x99: {  	s4 =	simm.s32 $_scs_section_size  }
0x9a: {  	s5 =	simm.s32 $_size__tile_overlayer_lowered;
	s6 =	simm.s32 $_tile_overlayer_lowered  }
0x9b: {  	s7 =	simm.s32 $0x1BFF;
	s21 =	sshll.u32 s6, $0x1;
	s4 =	sadd.s32 s4, s20  }
0x9c: {  	s22 =	simm.s32 $0x0;
	s5 =	sshll.u32 s5, $0x1;
	s6 =	sadd.s32 s21, s4  }
0x9d: {  	[timem:s22], [sflag:s7] =	dma.local [hbm:s6], s5  }
0x9e: {  	_ =	swait.ge [sflag:s7], s5  }
0x9f: {  	s5 =	ssub.s32 $0x0, s5;
	[sflag:s7] =	ssyncset.done $0x0  }
0xa0: {  	[sflag:s7] =	ssyncadd.s32 s5;
	_ =	sdelay $0x1  }
0xa1: {  	s23 =	simm.s32 $0x1B8B  }
0xa2: {  	_ =	swait.ge [sflag:s23], $0x1  }
0xa3: {  	[sflag:s23] =	ssyncset.done $0x0  }
0xa4: {  	[sflag:s23] =	ssyncadd.s32 $0xFFFFFFFF  }
0xa5: {  	s5 =	sld [smem:$0x0]  }
0xa6: {  	s6 =	sand.u32 $0xFFFFFFFE, s1  }
0xa7: {  	p0 =	sne.s32 s1, s6  }
0xa8: {  	s6 =	sshll.u32 @p0 s6, $0xE  }
0xa9: {  	s6 =	sadd.s32 @p0 $0x11B8D, s6;
	s7 =	sshll.u32 @p0 s5, $0x11  }
0xaa: {  	s6 =	sor.u32 @p0 s7, s6  }
0xab: {  	[sflag:s6] =	ssyncadd.remote.s32 @p0 $0x1;
	_ =	sdelay $0x1  }
0xac: {  	s6 =	simm.s32 @p0 $0x1B8D  }
0xad: {  	_ =	swait.eq @p0 [sflag:s6], $0x1  }
0xae: {  	[sflag:s6] =	ssyncadd.s32 @p0 $0xFFFFFFFF  }
0xaf: {  	s7 =	sshll.u32 @!p0 s1, $0xE  }
0xb0: {  	s7 =	sor.u32 @!p0 $0x4000, s7;
	s6 =	simm.s32 @!p0 $0x1B8D  }
0xb1: {  	s5 =	sshll.u32 @!p0 s5, $0x11;
	s7 =	sadd.s32 @!p0 $0x11B8D, s7;
	_ =	swait.eq @!p0 [sflag:s6], $0x1  }
0xb2: {  	s5 =	sor.u32 @!p0 s5, s7;
	[sflag:s6] =	ssyncadd.s32 @!p0 $0xFFFFFFFF  }
0xb3: {  	s25 =	simm.s32 $0x1B8E;
	s24 =	sld [smem:$0x3FFE];
	[sflag:s5] =	ssyncadd.remote.s32 @!p0 $0x1  }
0xb4: {  	s26 =	simm.s32 $execute0_lowered;
	[smem:$0x3FD2] =	sst s25  }
0xb5: {  	s6 =	sshll.u32 s26, $0x1;
	_ =	strace $0x80000049;
	[dreg:$0x1] =	wrdreg $0xFFFFFFFF  }
0xb6: {  	s28 =	simm.s32 $_size_execute0_lowered;
	s4 =	sadd.s32 s4, s6;
	[dreg:$0x0] =	wrdreg $0x0  }
0xb7: {  	s6 =	sshll.u32 s28, $0x1;
	[dreg:$0x2] =	wrdreg s4  }
0xb8: {  	[dreg:$0x3] =	wrdreg s6  }
0xb9: {  	[dreg:$0x4] =	wrdreg $0xC0  }
0xba: {  	_ =	task [dreg:s22], $0x5FFFF  }
0xbb: {  	[dreg:$0x1] =	wrdreg $0xFFFFFFFF  }
0xbc: {  	[dreg:$0x0] =	wrdreg $0x60  }
0xbd: {  	[dreg:$0x2] =	wrdreg s24  }
0xbe: {  	[dreg:$0x3] =	wrdreg s18  }
0xbf: {  	[dreg:$0x4] =	wrdreg $0xA  }
0xc0: {  	_ =	task.clear_ibuf [dreg:s22], $0x5FFFF;
	_ =	strace $0x90000049  }
0xc1: {  	s29 =	simm.s32 $0xA;
	_ =	strace $0x8000004B  }
0xc2: {  	_ =	swait.ge [sflag:s29], $0x1  }
0xc3: {  	[sflag:s29] =	ssyncadd.s32 $0xFFFFFFFF  }
0xc4: {  	_ =	strace $0x9000004B  }
0xc5: {  	_ =	sfence  }
0xc6: {  	s30 =	sld [smem:$0x0];
	_ =	sdelay $0x2  }
0xc7: {  	s31 =	sshll.u32 s1, $0xD;
	s1 =	sshrl.u32 s1, $0x2  }
0xc8: {  	s4 =	sand.u32 $0x4000, s31;
	s1 =	sadd.s32 s1, s30  }
0xc9: {  	s0 =	sor.u32 s4, s0;
	s1 =	sshll.u32 s1, $0x11  }
0xca: {  	s0 =	sor.u32 s1, s0  }
0xcb: {  	s0 =	sadd.s32 $0x8F2B, s0  }
0xcc: {  	[sflag:s0] =	ssyncadd.remote.s32 $0x1  }
0xcd: {  	_ =	sfence.sel $0xFFFF  }
0xce: {  	[dreg:$0x0] =	wrdreg $0xFFFFFFFF;
	(pc) =	sbr.abs _section_cstart, $3  }
0xcf: {  	[dreg:$0x1] =	wrdreg $0xFFFFFFFF  }
0xd0: {  	_ =	task.clear_ibuf [dreg:s22], $0x2FFFF;
	_ =	strace $0x9FFFFFFF  }
0xd1: {  	(tm) =	ssettm $0x7FFFFFFF  }
tec
execute0_lowered:
.L_overlay_start_1:
0x0: {  	(tag) =	ssettag $0x1  }
0x1: {  	s1 =	rddreg [dreg:$0x0];
	s3 =	stileid.u32  }
0x2: {  	s2 =	rddreg [dreg:$0x1];
	s4 =	sshll.u32 s3, $0x4;
	s3 =	simm.s32 $0x0  }
0x3: {  	s10 =	simm.s32 $0x880;
	[smem:$0x7FF] =	sst s3  }
0x4: {  	s11 =	simm.s32 $0x1080;
	_ =	strace $0x8000004A;
	[dreg:$0xb] =	wrdreg s10  }
0x5: {  	s12 =	simm.s32 $0x2080;
	[dreg:$0xc] =	wrdreg s11  }
0x6: {  	s14 =	simm.s32 $0x2880;
	[dreg:$0xd] =	wrdreg s12  }
0x7: {  	s15 =	simm.s32 $0x3880;
	[dreg:$0xe] =	wrdreg s14  }
0x8: {  	s0 =	srdreg.scid;
	s16 =	simm.s32 $0x4080;
	[dreg:$0xf] =	wrdreg s15  }
0x9: {  	s17 =	simm.s32 $0x5080;
	s18 =	simm.s32 $0x5880;
	[dreg:$0x10] =	wrdreg s16  }
0xa: {  	s19 =	simm.s32 $0x6880;
	s20 =	simm.s32 $0x7080;
	[dreg:$0x11] =	wrdreg s17  }
0xb: {  	s21 =	simm.s32 $0x8080;
	s22 =	simm.s32 $0x8880;
	[dreg:$0x12] =	wrdreg s18  }
0xc: {  	s23 =	simm.s32 $0x9880;
	s24 =	simm.s32 $0xA080;
	[dreg:$0x13] =	wrdreg s19  }
0xd: {  	s28 =	simm.s32 $0xC;
	s29 =	simm.s32 $0xD;
	[dreg:$0x14] =	wrdreg s20  }
0xe: {  	s30 =	simm.s32 $0xE;
	s0 =	sand.u32 $0x1, s0;
	[dreg:$0x15] =	wrdreg s21  }
0xf: {  	s31 =	simm.s32 $0xF;
	s5 =	sshll.u32 s0, $0x3;
	[dreg:$0x16] =	wrdreg s22  }
0x10: {  	s0 =	ssub.s32 $0x2, s0;
	s4 =	sor.u32 s5, s4;
	[dreg:$0x17] =	wrdreg s23  }
0x11: {  	s13 =	sshrl.u32 s0, $0x1;
	[dreg:$0x18] =	wrdreg s24;
	s17 =	simm.s32 $0x2  }
0x12: {  	s18 =	simm.s32 $0x3;
	s19 =	simm.s32 $0x4;
	s20 =	simm.s32 $0x5  }
0x13: {  	s21 =	simm.s32 $0x6;
	s22 =	simm.s32 $0x7;
	s23 =	simm.s32 $0x8  }
0x14: {  	s24 =	simm.s32 $0x9;
	s10 =	simm.s32 $0x80;
	s11 =	simm.s32 $0x1880  }
0x15: {  	s12 =	simm.s32 $0x3080;
	s5 =	smul.u32 $0x300, s4;
	s6 =	sadd.s32 s4, s1  }
0x16: {  	s14 =	simm.s32 $0x6080;
	s1 =	sadd.s32 $0x3000, s1;
	s6 =	sadd.s32 $0x2E00, s6  }
0x17: {  	s15 =	simm.s32 $0x7880;
	s25 =	sadd.s32 s1, s5;
	[dreg:$0x3] =	wrdreg s6  }
0x18: {  	s7 =	smul.u32 $0x1800, s4;
	s5 =	sadd.s32 $0x300, s25;
	[dreg:$0x1b] =	wrdreg s25  }
0x19: {  	s16 =	simm.s32 $0x9080;
	s4 =	sadd.s32 $0x600, s25;
	[dreg:$0x4] =	wrdreg s5  }
0x1a: {  	s26 =	sshrl.u32 s7, $0x3;
	s25 =	simm.s32 $0xB080;
	[dreg:$0x5] =	wrdreg s4  }
0x1b: {  	s1 =	sadd.s32 s1, s26;
	s26 =	simm.s32 $0xB880;
	[dreg:$0x19] =	wrdreg s25  }
0x1c: {  	s0 =	ssub.s32 s0, s13;
	s6 =	sadd.s32 $0x900, s1;
	[dreg:$0x1a] =	wrdreg s26  }
0x1d: {  	s13 =	simm.s32 $0x4880;
	s7 =	sadd.s32 $0xC00, s1;
	[dreg:$0x6] =	wrdreg s6  }
0x1e: {  	s8 =	sadd.s32 $0xF00, s1;
	s9 =	sadd.s32 $0x1200, s1;
	[dreg:$0x7] =	wrdreg s7  }
0x1f: {  	s1 =	sadd.s32 $0x1500, s1;
	s5 =	sadd.s32 $0x100, s2;
	[dreg:$0x8] =	wrdreg s8  }
0x20: {  	v0 =	vlaneseq.u32;
	s25 =	simm.s32 $0xA;
	s26 =	simm.s32 $0xB;
	[dreg:$0x9] =	wrdreg s9  }
0x21: {  	v1 =	vshrl.u32 v0, $0x3;
	[dreg:$0xa] =	wrdreg s1;
	s6 =	sadd.s32 $0x200, s2;
	s7 =	smax.u32 s0, $0x1  }
0x22: {  	vm0 =	vmmov $0xffff;
	v0 =	vand.u32 $0x7, v0;
	v1 =	vmul.u32 $0x8, v1;
	s1 =	simm.s32 $0x10;
	s0 =	simm.s32 $0x11;
	s8 =	simm.s32 $0xA880  }
.LBB2_1:
0x23: {  	s4 =	rddreg [dreg:$0x3];
	s9 =	simm.s32 $0x1  }
0x24: {  	[tilespmem:s3], [sflag:$0x1] =	stream.linear.gather [hbm4b:s4+s3], $0x40, $0x38;
	[tilespmem:$0xC080] =	vst v63  }
0x25: {  	_ =	swait.ge [sflag:s9], $0x40  }
0x26: {  	[sflag:s9] =	ssyncset.done $0x0  }
0x27: {  	[sflag:s9] =	ssyncadd.s32 $0xFFFFFFC0  }
0x28: {  	v2 =	vld.msk [tilespmem:$0x0], $0xff;
	_ =	sdelay $0x4  }
0x29: {  	v3 =	vshrl.u32 v2, $0x3  }
0x2a: {  	v3 =	vmul.u32 $0x30, v3  }
0x2b: {  	v2 =	vand.u32 $0x7, v2  }
0x2c: {  	v2 =	vor.u32 v2, v3  }
0x2d: {  	v2 =	vperm.xlane v2, v0;
	_ =	sdelay $0x1  }
0x2e: {  	v2 =	vadd.s32 v1, v2;
	_ =	sdelay $0x4  }
0x2f: {  	[tilespmem:s10], [sflag:$0x2] =	stream.indirect_vreg.gather [hbm4b:s2+s3], $0x80, v2, vm0, $0xb8;
	[tilespmem:$0xC080] =	vst v63  }
0x30: {  	s4 =	rddreg [dreg:$0xb]  }
0x31: {  	[tilespmem:s4], [sflag:$0x2] =	stream.indirect_vreg.gather [hbm4b:s5+s3], $0x80, v2, vm0, $0xb8;
	[tilespmem:$0xC080] =	vst v63  }
0x32: {  	s9 =	rddreg [dreg:$0xc]  }
0x33: {  	[tilespmem:s9], [sflag:$0x2] =	stream.indirect_vreg.gather [hbm4b:s6+s3], $0x80, v2, vm0, $0xb8;
	[tilespmem:$0xC080] =	vst v63  }
0x34: {  	v2 =	vld.msk [tilespmem:$0x8], $0xff;
	_ =	sdelay $0x4  }
0x35: {  	v3 =	vshrl.u32 v2, $0x3  }
0x36: {  	v3 =	vmul.u32 $0x30, v3  }
0x37: {  	v2 =	vand.u32 $0x7, v2  }
0x38: {  	v2 =	vor.u32 v2, v3  }
0x39: {  	v2 =	vperm.xlane v2, v0;
	_ =	sdelay $0x1  }
0x3a: {  	v2 =	vadd.s32 v1, v2;
	_ =	sdelay $0x4  }
0x3b: {  	[tilespmem:s11], [sflag:$0x3] =	stream.indirect_vreg.gather [hbm4b:s2+s3], $0x80, v2, vm0, $0xb8;
	[tilespmem:$0xC080] =	vst v63  }
0x3c: {  	s4 =	rddreg [dreg:$0xd]  }
0x3d: {  	[tilespmem:s4], [sflag:$0x3] =	stream.indirect_vreg.gather [hbm4b:s5+s3], $0x80, v2, vm0, $0xb8;
	[tilespmem:$0xC080] =	vst v63  }
0x3e: {  	s9 =	rddreg [dreg:$0xe]  }
0x3f: {  	[tilespmem:s9], [sflag:$0x3] =	stream.indirect_vreg.gather [hbm4b:s6+s3], $0x80, v2, vm0, $0xb8;
	[tilespmem:$0xC080] =	vst v63  }
0x40: {  	v2 =	vld.msk [tilespmem:$0x10], $0xff;
	_ =	sdelay $0x4  }
0x41: {  	v3 =	vshrl.u32 v2, $0x3  }
0x42: {  	v3 =	vmul.u32 $0x30, v3  }
0x43: {  	v2 =	vand.u32 $0x7, v2  }
0x44: {  	v2 =	vor.u32 v2, v3  }
0x45: {  	v2 =	vperm.xlane v2, v0;
	_ =	sdelay $0x1  }
0x46: {  	v2 =	vadd.s32 v1, v2;
	_ =	sdelay $0x4  }
0x47: {  	[tilespmem:s12], [sflag:$0x4] =	stream.indirect_vreg.gather [hbm4b:s2+s3], $0x80, v2, vm0, $0xb8;
	[tilespmem:$0xC080] =	vst v63  }
0x48: {  	s4 =	rddreg [dreg:$0xf]  }
0x49: {  	[tilespmem:s4], [sflag:$0x4] =	stream.indirect_vreg.gather [hbm4b:s5+s3], $0x80, v2, vm0, $0xb8;
	[tilespmem:$0xC080] =	vst v63  }
0x4a: {  	s9 =	rddreg [dreg:$0x10]  }
0x4b: {  	[tilespmem:s9], [sflag:$0x4] =	stream.indirect_vreg.gather [hbm4b:s6+s3], $0x80, v2, vm0, $0xb8;
	[tilespmem:$0xC080] =	vst v63  }
0x4c: {  	v2 =	vld.msk [tilespmem:$0x18], $0xff;
	_ =	sdelay $0x4  }
0x4d: {  	v3 =	vshrl.u32 v2, $0x3  }
0x4e: {  	v3 =	vmul.u32 $0x30, v3  }
0x4f: {  	v2 =	vand.u32 $0x7, v2  }
0x50: {  	v2 =	vor.u32 v2, v3  }
0x51: {  	v2 =	vperm.xlane v2, v0;
	_ =	sdelay $0x1  }
0x52: {  	v2 =	vadd.s32 v1, v2;
	_ =	sdelay $0x4  }
0x53: {  	[tilespmem:s13], [sflag:$0x5] =	stream.indirect_vreg.gather [hbm4b:s2+s3], $0x80, v2, vm0, $0xb8;
	[tilespmem:$0xC080] =	vst v63  }
0x54: {  	s4 =	rddreg [dreg:$0x11]  }
0x55: {  	[tilespmem:s4], [sflag:$0x5] =	stream.indirect_vreg.gather [hbm4b:s5+s3], $0x80, v2, vm0, $0xb8;
	[tilespmem:$0xC080] =	vst v63  }
0x56: {  	s9 =	rddreg [dreg:$0x12]  }
0x57: {  	[tilespmem:s9], [sflag:$0x5] =	stream.indirect_vreg.gather [hbm4b:s6+s3], $0x80, v2, vm0, $0xb8;
	[tilespmem:$0xC080] =	vst v63  }
0x58: {  	v2 =	vld.msk [tilespmem:$0x20], $0xff;
	_ =	sdelay $0x4  }
0x59: {  	v3 =	vshrl.u32 v2, $0x3  }
0x5a: {  	v3 =	vmul.u32 $0x30, v3  }
0x5b: {  	v2 =	vand.u32 $0x7, v2  }
0x5c: {  	v2 =	vor.u32 v2, v3  }
0x5d: {  	v2 =	vperm.xlane v2, v0;
	_ =	sdelay $0x1  }
0x5e: {  	v2 =	vadd.s32 v1, v2;
	_ =	sdelay $0x4  }
0x5f: {  	[tilespmem:s14], [sflag:$0x6] =	stream.indirect_vreg.gather [hbm4b:s2+s3], $0x80, v2, vm0, $0xb8;
	[tilespmem:$0xC080] =	vst v63  }
0x60: {  	s4 =	rddreg [dreg:$0x13]  }
0x61: {  	[tilespmem:s4], [sflag:$0x6] =	stream.indirect_vreg.gather [hbm4b:s5+s3], $0x80, v2, vm0, $0xb8;
	[tilespmem:$0xC080] =	vst v63  }
0x62: {  	s9 =	rddreg [dreg:$0x14]  }
0x63: {  	[tilespmem:s9], [sflag:$0x6] =	stream.indirect_vreg.gather [hbm4b:s6+s3], $0x80, v2, vm0, $0xb8;
	[tilespmem:$0xC080] =	vst v63  }
0x64: {  	v2 =	vld.msk [tilespmem:$0x28], $0xff;
	_ =	sdelay $0x4  }
0x65: {  	v3 =	vshrl.u32 v2, $0x3  }
0x66: {  	v3 =	vmul.u32 $0x30, v3  }
0x67: {  	v2 =	vand.u32 $0x7, v2  }
0x68: {  	v2 =	vor.u32 v2, v3  }
0x69: {  	v2 =	vperm.xlane v2, v0;
	_ =	sdelay $0x1  }
0x6a: {  	v2 =	vadd.s32 v1, v2;
	_ =	sdelay $0x4  }
0x6b: {  	[tilespmem:s15], [sflag:$0x7] =	stream.indirect_vreg.gather [hbm4b:s2+s3], $0x80, v2, vm0, $0xb8;
	[tilespmem:$0xC080] =	vst v63  }
0x6c: {  	s4 =	rddreg [dreg:$0x15]  }
0x6d: {  	[tilespmem:s4], [sflag:$0x7] =	stream.indirect_vreg.gather [hbm4b:s5+s3], $0x80, v2, vm0, $0xb8;
	[tilespmem:$0xC080] =	vst v63  }
0x6e: {  	s9 =	rddreg [dreg:$0x16]  }
0x6f: {  	[tilespmem:s9], [sflag:$0x7] =	stream.indirect_vreg.gather [hbm4b:s6+s3], $0x80, v2, vm0, $0xb8;
	[tilespmem:$0xC080] =	vst v63  }
0x70: {  	v2 =	vld.msk [tilespmem:$0x30], $0xff;
	_ =	sdelay $0x4  }
0x71: {  	v3 =	vshrl.u32 v2, $0x3  }
0x72: {  	v3 =	vmul.u32 $0x30, v3  }
0x73: {  	v2 =	vand.u32 $0x7, v2  }
0x74: {  	v2 =	vor.u32 v2, v3  }
0x75: {  	v2 =	vperm.xlane v2, v0;
	_ =	sdelay $0x1  }
0x76: {  	v2 =	vadd.s32 v1, v2;
	_ =	sdelay $0x4  }
0x77: {  	[tilespmem:s16], [sflag:$0x8] =	stream.indirect_vreg.gather [hbm4b:s2+s3], $0x80, v2, vm0, $0xb8;
	[tilespmem:$0xC080] =	vst v63  }
0x78: {  	s4 =	rddreg [dreg:$0x17]  }
0x79: {  	[tilespmem:s4], [sflag:$0x8] =	stream.indirect_vreg.gather [hbm4b:s5+s3], $0x80, v2, vm0, $0xb8;
	[tilespmem:$0xC080] =	vst v63  }
0x7a: {  	s9 =	rddreg [dreg:$0x18]  }
0x7b: {  	[tilespmem:s9], [sflag:$0x8] =	stream.indirect_vreg.gather [hbm4b:s6+s3], $0x80, v2, vm0, $0xb8;
	[tilespmem:$0xC080] =	vst v63  }
0x7c: {  	v2 =	vld.msk [tilespmem:$0x38], $0xff;
	_ =	sdelay $0x4  }
0x7d: {  	v3 =	vshrl.u32 v2, $0x3  }
0x7e: {  	v3 =	vmul.u32 $0x30, v3  }
0x7f: {  	v2 =	vand.u32 $0x7, v2  }
0x80: {  	v2 =	vor.u32 v2, v3  }
0x81: {  	v2 =	vperm.xlane v2, v0;
	_ =	sdelay $0x1  }
0x82: {  	v2 =	vadd.s32 v1, v2;
	_ =	sdelay $0x4  }
0x83: {  	[tilespmem:s8], [sflag:$0x9] =	stream.indirect_vreg.gather [hbm4b:s2+s3], $0x80, v2, vm0, $0xb8;
	[tilespmem:$0xC080] =	vst v63  }
0x84: {  	s4 =	rddreg [dreg:$0x19]  }
0x85: {  	[tilespmem:s4], [sflag:$0x9] =	stream.indirect_vreg.gather [hbm4b:s5+s3], $0x80, v2, vm0, $0xb8;
	[tilespmem:$0xC080] =	vst v63  }
0x86: {  	s9 =	rddreg [dreg:$0x1a]  }
0x87: {  	[tilespmem:s9], [sflag:$0x9] =	stream.indirect_vreg.gather [hbm4b:s6+s3], $0x80, v2, vm0, $0xb8;
	[tilespmem:$0xC080] =	vst v63  }
0x88: {  	_ =	swait.ge [sflag:s17], $0x1800  }
0x89: {  	[sflag:s17] =	ssyncset.done $0x0  }
0x8a: {  	s9 =	rddreg [dreg:$0x1b];
	[sflag:s17] =	ssyncadd.s32 $0xFFFFE800  }
0x8b: {  	[hbm4b:s9+s3] =	stream.linear.scatter [tilespmem:s10], [sflag:$0xA], $0x1800, $0x38;
	[tilespmem:$0xC080] =	vst v63  }
0x8c: {  	_ =	swait.ge [sflag:s18], $0x1800  }
0x8d: {  	[sflag:s18] =	ssyncset.done $0x0  }
0x8e: {  	s9 =	rddreg [dreg:$0x4];
	[sflag:s18] =	ssyncadd.s32 $0xFFFFE800  }
0x8f: {  	[hbm4b:s9+s3] =	stream.linear.scatter [tilespmem:s11], [sflag:$0xB], $0x1800, $0x38;
	[tilespmem:$0xC080] =	vst v63  }
0x90: {  	_ =	swait.ge [sflag:s19], $0x1800  }
0x91: {  	[sflag:s19] =	ssyncset.done $0x0  }
0x92: {  	s9 =	rddreg [dreg:$0x5];
	[sflag:s19] =	ssyncadd.s32 $0xFFFFE800  }
0x93: {  	[hbm4b:s9+s3] =	stream.linear.scatter [tilespmem:s12], [sflag:$0xC], $0x1800, $0x38;
	[tilespmem:$0xC080] =	vst v63  }
0x94: {  	_ =	swait.ge [sflag:s20], $0x1800  }
0x95: {  	[sflag:s20] =	ssyncset.done $0x0  }
0x96: {  	s9 =	rddreg [dreg:$0x6];
	[sflag:s20] =	ssyncadd.s32 $0xFFFFE800  }
0x97: {  	[hbm4b:s9+s3] =	stream.linear.scatter [tilespmem:s13], [sflag:$0xD], $0x1800, $0x38;
	[tilespmem:$0xC080] =	vst v63  }
0x98: {  	_ =	swait.ge [sflag:s21], $0x1800  }
0x99: {  	[sflag:s21] =	ssyncset.done $0x0  }
0x9a: {  	s9 =	rddreg [dreg:$0x7];
	[sflag:s21] =	ssyncadd.s32 $0xFFFFE800  }
0x9b: {  	[hbm4b:s9+s3] =	stream.linear.scatter [tilespmem:s14], [sflag:$0xE], $0x1800, $0x38;
	[tilespmem:$0xC080] =	vst v63  }
0x9c: {  	_ =	swait.ge [sflag:s22], $0x1800  }
0x9d: {  	[sflag:s22] =	ssyncset.done $0x0  }
0x9e: {  	s9 =	rddreg [dreg:$0x8];
	[sflag:s22] =	ssyncadd.s32 $0xFFFFE800  }
0x9f: {  	[hbm4b:s9+s3] =	stream.linear.scatter [tilespmem:s15], [sflag:$0xF], $0x1800, $0x38;
	[tilespmem:$0xC080] =	vst v63  }
0xa0: {  	_ =	swait.ge [sflag:s23], $0x1800  }
0xa1: {  	[sflag:s23] =	ssyncset.done $0x0  }
0xa2: {  	s9 =	rddreg [dreg:$0x9];
	[sflag:s23] =	ssyncadd.s32 $0xFFFFE800  }
0xa3: {  	[hbm4b:s9+s3] =	stream.linear.scatter [tilespmem:s16], [sflag:$0x10], $0x1800, $0x38;
	[tilespmem:$0xC080] =	vst v63  }
0xa4: {  	_ =	swait.ge [sflag:s24], $0x1800  }
0xa5: {  	[sflag:s24] =	ssyncset.done $0x0  }
0xa6: {  	s9 =	rddreg [dreg:$0xa];
	[sflag:s24] =	ssyncadd.s32 $0xFFFFE800  }
0xa7: {  	[hbm4b:s9+s3] =	stream.linear.scatter [tilespmem:s8], [sflag:$0x11], $0x1800, $0x38;
	[tilespmem:$0xC080] =	vst v63  }
0xa8: {  	_ =	swait.ge [sflag:s25], $0x1800  }
0xa9: {  	[sflag:s25] =	ssyncset.done $0x0  }
0xaa: {  	[sflag:s25] =	ssyncadd.s32 $0xFFFFE800  }
0xab: {  	_ =	swait.ge [sflag:s26], $0x1800  }
0xac: {  	[sflag:s26] =	ssyncset.done $0x0  }
0xad: {  	[sflag:s26] =	ssyncadd.s32 $0xFFFFE800  }
0xae: {  	_ =	swait.ge [sflag:s28], $0x1800  }
0xaf: {  	[sflag:s28] =	ssyncset.done $0x0  }
0xb0: {  	[sflag:s28] =	ssyncadd.s32 $0xFFFFE800  }
0xb1: {  	_ =	swait.ge [sflag:s29], $0x1800  }
0xb2: {  	[sflag:s29] =	ssyncset.done $0x0  }
0xb3: {  	[sflag:s29] =	ssyncadd.s32 $0xFFFFE800  }
0xb4: {  	_ =	swait.ge [sflag:s30], $0x1800  }
0xb5: {  	[sflag:s30] =	ssyncset.done $0x0  }
0xb6: {  	[sflag:s30] =	ssyncadd.s32 $0xFFFFE800  }
0xb7: {  	_ =	swait.ge [sflag:s31], $0x1800  }
0xb8: {  	[sflag:s31] =	ssyncset.done $0x0  }
0xb9: {  	[sflag:s31] =	ssyncadd.s32 $0xFFFFE800  }
0xba: {  	p0 =	sne.s32 s7, $0x1;
	_ =	swait.ge [sflag:s1], $0x1800  }
.Ltmp0:
0xbb: {  	[sflag:s1] =	ssyncset.done $0x0;
	(pc) =	sbr.rel @p0 .LBB2_1-.Ltmp0, $4  }
0xbc: {  	[sflag:s1] =	ssyncadd.s32 $0xFFFFE800  }
0xbd: {  	_ =	swait.ge [sflag:s0], $0x1800  }
0xbe: {  	[sflag:s0] =	ssyncset.done $0x0  }
0xbf: {  	s7 =	sadd.s32 $0xFFFFFFFF, s7;
	[sflag:s0] =	ssyncadd.s32 $0xFFFFE800  }
0xc0: {  	_ =	sfence.sel $0x180000  }
0xc1: {  	[bflag:$0x0] =	sbarrier.arrive $0xFFFF  }
0xc2: {  	_ =	strace $0x9000004A  }
0xc3: {  	s0 =	stileid.u32;
	[bflag:$0x2] =	sbarrier.arrive $0xFFFF  }
0xc4: {  	p0 =	sne.s32 s0, $0x0;
	s0 =	rddreg [dreg:$0x2]  }
0xc5: {  	s0 =	sadd.s32 @!p0 $0x100000, s0  }
0xc6: {  	[sflag:s0] =	ssyncadd.tile.s32 @!p0 $0x1;
	_ =	shalt  }
.Lfunc_end2:
_tile_overlayer_lowered:
.L_overlay_start_2:
0xc7: {  	(tag) =	ssettag $0x2  }
0xc8: {  	s0 =	rddreg [dreg:$0x0];
	s2 =	stileid.u32  }
0xc9: {  	s1 =	rddreg [dreg:$0x1];
	p0 =	sne.s32 s2, $0x0  }
0xca: {  	s3 =	rddreg [dreg:$0x2];
	[bflag:$0x3] =	sbarrier.arrive $0xFFFF;
	s2 =	simm.s32 @!p0 $0x1C12  }
0xcb: {  	[timem:s3], [sflag:s2] =	dma.local @!p0 [hbm:s0], s1  }
0xcc: {  	s0 =	simm.s32 @!p0 $0x12  }
0xcd: {  	_ =	swait.ge @!p0 [sflag:s0], s1  }
0xce: {  	s1 =	ssub.s32 @!p0 $0x0, s1;
	[sflag:s0] =	ssyncset.done @!p0 $0x0  }
0xcf: {  	[sflag:s0] =	ssyncadd.s32 @!p0 s1  }
0xd0: {  	[bflag:$0x3] =	sbarrier.arrive $0xFFFF  }
0xd1: {  	_ =	shalt  }

// kernel: _embed.16.cloned.1.call-start
scs
__scs_entry_jumppad:
0x0: {  	(pc) =	sbr.rel $0x88, $3  }
0x1: {  	(tag) =	ssettag $0x0;
	lr =	simm.s32 $0x1  }
0x2: {  	[smem:$0x3F9A] =	sst lr;
	_ =	strace $0xD0000000  }
0x3: {  	_ = 	snop  }
0x4: {  	_ = 	snop  }
0x5: {  	_ = 	snop  }
0x6: {  	_ = 	snop  }
0x7: {  	_ = 	snop  }
__scs_overlays_trampoline_lowered:
0x8: {  	[smem:$0x3FA9] =	sst s0  }
0x9: {  	[smem:$0x3FAA] =	sst s1  }
0xa: {  	[smem:$0x3FAB] =	sst s2  }
0xb: {  	[smem:$0x3FAC] =	sst s3  }
0xc: {  	[smem:$0x3FAD] =	sst s4  }
0xd: {  	[smem:$0x3FAE] =	sst s5  }
0xe: {  	[smem:$0x3FAF] =	sst s6  }
0xf: {  	[smem:$0x3FB0] =	sst s7  }
0x10: {  	[smem:$0x3FB1] =	sst s8  }
0x11: {  	[smem:$0x3FB2] =	sst s9;
	s0 =	simm.s32 @!p0 $0x0  }
0x12: {  	s1 =	sld [smem:$0x3F98];
	s0 =	simm.s32 @p0 $0x1  }
0x13: {  	[smem:$0x3FB3] =	sst s0;
	s0 =	simm.s32 @!p1 $0x0  }
0x14: {  	s2 =	sld [smem:$0x3F97];
	s0 =	simm.s32 @p1 $0x1  }
0x15: {  	[smem:$0x3FB4] =	sst s0;
	s0 =	simm.s32 @!p2 $0x0  }
0x16: {  	s3 =	sld [smem:$0x3FDB];
	s0 =	simm.s32 @p2 $0x1  }
0x17: {  	s4 =	simm.s32 $0x1BF5;
	[smem:$0x3FB6] =	sst s0  }
0x18: {  	s0 =	sld [smem:$0x3F99];
	_ =	swait.ge [sflag:s4], $0x0  }
0x19: {  	s7 =	sld [smem:$0x3F9A]  }
0x1a: {  	s8 =	sadd.s32 $0xFFFFE003, lr  }
0x1b: {  	s9 =	sadd.s32 $0xFFFFFEF7, lr;
	s5 =	simm.s32 $0xFFFFFFFF;
	p2 =	slt.u32 s8, $0xFFFFF086  }
0x1c: {  	p1 =	slt.u32 s9, $0xF7A;
	s5 =	simm.s32 @!p2 $0x0  }
0x1d: {  	s5 =	simm.s32 @p1 $0x1;
	p0 =	seq.s32 s7, s2  }
0x1e: {  	s7 =	smul.u32 @!p0 $0xF7A, s2;
	p2 =	seq.s32 @!p0 s5, $0x0  }
0x1f: {  	s9 =	smul.u32 $0xF7A, s1;
	s8 =	simm.s32 @!p0 $0x1BF5;
	p2 =	por !p2, p0  }
0x20: {  	[sflag:s8] =	ssyncset.s32 @!p0 $0xFFFFF086;
	s6 =	sadd.s32 @!p0 s3, s7;
	s7 =	simm.s32 @!p0 $0x108  }
0x21: {  	s3 =	sadd.s32 s3, s9;
	s6 =	sadd.s32 @!p0 $0x88, s6;
	s7 =	simm.s32 @p2 $0x1082  }
0x22: {  	[simem:s7], [sflag:s8] =	dma.local @!p0 [hbm:s6], $0xF7A  }
0x23: {  	s9 =	sor.u32 $0xD0000000, s2;
	s6 =	simm.s32 $0x108;
	_ =	swait.ge @!p0 [sflag:s8], $0x0  }
0x24: {  	s3 =	sadd.s32 $0x88, s3;
	s6 =	simm.s32 @!p1 $0x1082;
	[sflag:s4] =	ssyncset.s32 $0xFFFFF086  }
0x25: {  	[simem:s6], [sflag:s4] =	dma.local [hbm:s3], $0xF7A  }
0x26: {  	[smem:$0x3F9A] =	sst s1;
	(tag) =	ssettag s2;
	_ =	strace s9  }
0x27: {  	s1 =	sld [smem:$0x3FAA]  }
0x28: {  	s2 =	sld [smem:$0x3FAB]  }
0x29: {  	s4 =	sld [smem:$0x3FAD]  }
0x2a: {  	p0 =	seq.s32 s5, $0x0;
	s5 =	sld [smem:$0x3FAE]  }
0x2b: {  	s6 =	sld [smem:$0x3FAF]  }
0x2c: {  	s7 =	sld [smem:$0x3FB0]  }
0x2d: {  	s3 =	simm.s32 $0x108;
	s8 =	sld [smem:$0x3FB1]  }
0x2e: {  	s3 =	simm.s32 @!p0 $0x1082;
	s9 =	sld [smem:$0x3FB2]  }
0x2f: {  	lr =	sadd.s32 s0, s3;
	s0 =	sld [smem:$0x3FA9]  }
0x30: {  	s3 =	sld [smem:$0x3FAC]  }
0x31: {  	[smem:$0x3FB5] =	sst s10  }
0x32: {  	s10 =	sld [smem:$0x3FB3];
	_ =	sdelay $0x3  }
0x33: {  	p0 =	seq.s32 s10, $0x1;
	s10 =	sld [smem:$0x3FB5];
	_ =	sdelay $0x3  }
0x34: {  	[smem:$0x3FB5] =	sst s10  }
0x35: {  	s10 =	sld [smem:$0x3FB4];
	_ =	sdelay $0x3  }
0x36: {  	p1 =	seq.s32 s10, $0x1;
	s10 =	sld [smem:$0x3FB5];
	_ =	sdelay $0x3  }
0x37: {  	[smem:$0x3FB5] =	sst s10  }
0x38: {  	s10 =	sld [smem:$0x3FB6]  }
0x39: {  	_ = 	snop;
	(pc) =	sbr.ind lr, $3  }
0x3a: {  	_ = 	snop  }
0x3b: {  	_ = 	snop  }
0x3c: {  	p2 =	seq.s32 s10, $0x1;
	s10 =	sld [smem:$0x3FB5]  }
0x3d: {  	_ =	shalt  }
0x3e: {  	_ =	shalt  }
0x3f: {  	_ =	shalt  }
0x40: {  	_ =	shalt  }
0x41: {  	_ =	shalt  }
0x42: {  	_ =	shalt  }
0x43: {  	_ =	shalt  }
0x44: {  	_ =	shalt  }
0x45: {  	_ =	shalt  }
0x46: {  	_ =	shalt  }
0x47: {  	_ =	shalt  }
0x48: {  	_ =	shalt  }
0x49: {  	_ =	shalt  }
0x4a: {  	_ =	shalt  }
0x4b: {  	_ =	shalt  }
0x4c: {  	_ =	shalt  }
0x4d: {  	_ =	shalt  }
0x4e: {  	_ =	shalt  }
0x4f: {  	_ =	shalt  }
0x50: {  	_ =	shalt  }
0x51: {  	_ =	shalt  }
0x52: {  	_ =	shalt  }
0x53: {  	_ =	shalt  }
0x54: {  	_ =	shalt  }
0x55: {  	_ =	shalt  }
0x56: {  	_ =	shalt  }
0x57: {  	_ =	shalt  }
0x58: {  	_ =	shalt  }
0x59: {  	_ =	shalt  }
0x5a: {  	_ =	shalt  }
0x5b: {  	_ =	shalt  }
0x5c: {  	_ =	shalt  }
0x5d: {  	_ =	shalt  }
0x5e: {  	_ =	shalt  }
0x5f: {  	_ =	shalt  }
0x60: {  	_ =	shalt  }
0x61: {  	_ =	shalt  }
0x62: {  	_ =	shalt  }
0x63: {  	_ =	shalt  }
0x64: {  	_ =	shalt  }
0x65: {  	_ =	shalt  }
0x66: {  	_ =	shalt  }
0x67: {  	_ =	shalt  }
0x68: {  	_ =	shalt  }
0x69: {  	_ =	shalt  }
0x6a: {  	_ =	shalt  }
0x6b: {  	_ =	shalt  }
0x6c: {  	_ =	shalt  }
0x6d: {  	_ =	shalt  }
0x6e: {  	_ =	shalt  }
0x6f: {  	_ =	shalt  }
0x70: {  	_ =	shalt  }
0x71: {  	_ =	shalt  }
0x72: {  	_ =	shalt  }
0x73: {  	_ =	shalt  }
0x74: {  	_ =	shalt  }
0x75: {  	_ =	shalt  }
0x76: {  	_ =	shalt  }
0x77: {  	_ =	shalt  }
0x78: {  	_ =	shalt  }
0x79: {  	_ =	shalt  }
0x7a: {  	_ =	shalt  }
0x7b: {  	_ =	shalt  }
0x7c: {  	_ =	shalt  }
0x7d: {  	_ =	shalt  }
0x7e: {  	_ =	shalt  }
0x7f: {  	_ =	shalt  }
0x80: {  	_ =	shalt  }
0x81: {  	_ =	shalt  }
0x82: {  	_ =	shalt  }
0x83: {  	_ =	shalt  }
0x84: {  	_ =	shalt  }
0x85: {  	_ =	shalt  }
0x86: {  	_ =	shalt  }
0x87: {  	_ =	shalt  }
.Lfunc_end0:
.L_simem_size_0:
called_computation.2_lowered:
.L_overlay_start_0:
0x88: {  	s2 =	sld [smem:$0x3FD9]  }
0x89: {  	s3 =	sld [smem:$0x3FFE];
	_ =	sdelay $0x1  }
0x8a: {  	s1 =	srdreg.scid  }
0x8b: {  	s0 =	sand.u32 $0x1, s1  }
0x8c: {  	s17 =	sshll.u32 s0, $0xA;
	s2 =	sadd.s32 s3, s2  }
0x8d: {  	s2 =	sadd.s32 s2, s17  }
0x8e: {  	[smem:$0x3FC1] =	sst s2  }
0x8f: {  	_ = 	snop  }
0x90: {  	s18 =	sld [smem:$0x3FC7];
	(tm) =	ssettm $0x1  }
0x91: {  	s19 =	sld [smem:$0x3FFB];
	_ =	sdelay $0x3  }
0x92: {  	_ =	strace s19  }
0x93: {  	s2 =	sld [smem:$0x3FFC];
	_ =	sdelay $0x3  }
0x94: {  	_ =	strace s2  }
0x95: {  	s2 =	sld [smem:$0x3FFD];
	_ =	sdelay $0x3  }
0x96: {  	_ =	strace s2  }
0x97: {  	_ =	strace $0x8FFFFFFF  }
0x98: {  	s20 =	sld [smem:$0x3FDB];
	_ =	sdelay $0x1  }
0x99: {  	s4 =	simm.s32 $_scs_section_size  }
0x9a: {  	s5 =	simm.s32 $_size__tile_overlayer_lowered;
	s6 =	simm.s32 $_tile_overlayer_lowered  }
0x9b: {  	s7 =	simm.s32 $0x1BFF;
	s21 =	sshll.u32 s6, $0x1;
	s4 =	sadd.s32 s4, s20  }
0x9c: {  	s22 =	simm.s32 $0x0;
	s5 =	sshll.u32 s5, $0x1;
	s6 =	sadd.s32 s21, s4  }
0x9d: {  	[timem:s22], [sflag:s7] =	dma.local [hbm:s6], s5  }
0x9e: {  	_ =	swait.ge [sflag:s7], s5  }
0x9f: {  	s5 =	ssub.s32 $0x0, s5;
	[sflag:s7] =	ssyncset.done $0x0  }
0xa0: {  	[sflag:s7] =	ssyncadd.s32 s5;
	_ =	sdelay $0x1  }
0xa1: {  	s23 =	simm.s32 $0x1B8B  }
0xa2: {  	_ =	swait.ge [sflag:s23], $0x1  }
0xa3: {  	[sflag:s23] =	ssyncset.done $0x0  }
0xa4: {  	[sflag:s23] =	ssyncadd.s32 $0xFFFFFFFF  }
0xa5: {  	s5 =	sld [smem:$0x0]  }
0xa6: {  	s6 =	sand.u32 $0xFFFFFFFE, s1  }
0xa7: {  	p0 =	sne.s32 s1, s6  }
0xa8: {  	s6 =	sshll.u32 @p0 s6, $0xE  }
0xa9: {  	s6 =	sadd.s32 @p0 $0x11B8D, s6;
	s7 =	sshll.u32 @p0 s5, $0x11  }
0xaa: {  	s6 =	sor.u32 @p0 s7, s6  }
0xab: {  	[sflag:s6] =	ssyncadd.remote.s32 @p0 $0x1;
	_ =	sdelay $0x1  }
0xac: {  	s6 =	simm.s32 @p0 $0x1B8D  }
0xad: {  	_ =	swait.eq @p0 [sflag:s6], $0x1  }
0xae: {  	[sflag:s6] =	ssyncadd.s32 @p0 $0xFFFFFFFF  }
0xaf: {  	s7 =	sshll.u32 @!p0 s1, $0xE  }
0xb0: {  	s7 =	sor.u32 @!p0 $0x4000, s7;
	s6 =	simm.s32 @!p0 $0x1B8D  }
0xb1: {  	s5 =	sshll.u32 @!p0 s5, $0x11;
	s7 =	sadd.s32 @!p0 $0x11B8D, s7;
	_ =	swait.eq @!p0 [sflag:s6], $0x1  }
0xb2: {  	s5 =	sor.u32 @!p0 s5, s7;
	[sflag:s6] =	ssyncadd.s32 @!p0 $0xFFFFFFFF  }
0xb3: {  	s25 =	simm.s32 $0x1B8E;
	s24 =	sld [smem:$0x3FFE];
	[sflag:s5] =	ssyncadd.remote.s32 @!p0 $0x1  }
0xb4: {  	s26 =	simm.s32 $execute0_lowered;
	[smem:$0x3FD2] =	sst s25  }
0xb5: {  	s6 =	sshll.u32 s26, $0x1;
	_ =	strace $0x8000004C;
	[dreg:$0x1] =	wrdreg $0xFFFFFFFF  }
0xb6: {  	s28 =	simm.s32 $_size_execute0_lowered;
	s4 =	sadd.s32 s4, s6;
	[dreg:$0x0] =	wrdreg $0x0  }
0xb7: {  	s6 =	sshll.u32 s28, $0x1;
	[dreg:$0x2] =	wrdreg s4  }
0xb8: {  	[dreg:$0x3] =	wrdreg s6  }
0xb9: {  	[dreg:$0x4] =	wrdreg $0xC0  }
0xba: {  	_ =	task [dreg:s22], $0x5FFFF  }
0xbb: {  	[dreg:$0x1] =	wrdreg $0xFFFFFFFF  }
0xbc: {  	[dreg:$0x0] =	wrdreg $0x60  }
0xbd: {  	[dreg:$0x2] =	wrdreg s24  }
0xbe: {  	[dreg:$0x3] =	wrdreg s18  }
0xbf: {  	[dreg:$0x4] =	wrdreg $0xB  }
0xc0: {  	_ =	task.clear_ibuf [dreg:s22], $0x5FFFF;
	_ =	strace $0x9000004C  }
0xc1: {  	s29 =	simm.s32 $0xB;
	_ =	strace $0x8000004E  }
0xc2: {  	_ =	swait.ge [sflag:s29], $0x1  }
0xc3: {  	[sflag:s29] =	ssyncadd.s32 $0xFFFFFFFF  }
0xc4: {  	_ =	strace $0x9000004E  }
0xc5: {  	_ =	sfence  }
0xc6: {  	s30 =	sld [smem:$0x0];
	_ =	sdelay $0x2  }
0xc7: {  	s31 =	sshll.u32 s1, $0xD;
	s1 =	sshrl.u32 s1, $0x2  }
0xc8: {  	s4 =	sand.u32 $0x4000, s31;
	s1 =	sadd.s32 s1, s30  }
0xc9: {  	s0 =	sor.u32 s4, s0;
	s1 =	sshll.u32 s1, $0x11  }
0xca: {  	s0 =	sor.u32 s1, s0  }
0xcb: {  	s0 =	sadd.s32 $0x8F2B, s0  }
0xcc: {  	[sflag:s0] =	ssyncadd.remote.s32 $0x1  }
0xcd: {  	_ =	sfence.sel $0xFFFF  }
0xce: {  	[dreg:$0x0] =	wrdreg $0xFFFFFFFF;
	(pc) =	sbr.abs _section_cstart, $3  }
0xcf: {  	[dreg:$0x1] =	wrdreg $0xFFFFFFFF  }
0xd0: {  	_ =	task.clear_ibuf [dreg:s22], $0x2FFFF;
	_ =	strace $0x9FFFFFFF  }
0xd1: {  	(tm) =	ssettm $0x7FFFFFFF  }
tec
execute0_lowered:
.L_overlay_start_1:
0x0: {  	(tag) =	ssettag $0x1  }
0x1: {  	s1 =	rddreg [dreg:$0x0];
	s3 =	stileid.u32  }
0x2: {  	s2 =	rddreg [dreg:$0x1];
	s4 =	sshll.u32 s3, $0x4;
	s3 =	simm.s32 $0x0  }
0x3: {  	s10 =	simm.s32 $0x880;
	[smem:$0x7FF] =	sst s3  }
0x4: {  	s11 =	simm.s32 $0x1080;
	_ =	strace $0x8000004D;
	[dreg:$0xb] =	wrdreg s10  }
0x5: {  	s12 =	simm.s32 $0x2080;
	[dreg:$0xc] =	wrdreg s11  }
0x6: {  	s14 =	simm.s32 $0x2880;
	[dreg:$0xd] =	wrdreg s12  }
0x7: {  	s15 =	simm.s32 $0x3880;
	[dreg:$0xe] =	wrdreg s14  }
0x8: {  	s0 =	srdreg.scid;
	s16 =	simm.s32 $0x4080;
	[dreg:$0xf] =	wrdreg s15  }
0x9: {  	s17 =	simm.s32 $0x5080;
	s18 =	simm.s32 $0x5880;
	[dreg:$0x10] =	wrdreg s16  }
0xa: {  	s19 =	simm.s32 $0x6880;
	s20 =	simm.s32 $0x7080;
	[dreg:$0x11] =	wrdreg s17  }
0xb: {  	s21 =	simm.s32 $0x8080;
	s22 =	simm.s32 $0x8880;
	[dreg:$0x12] =	wrdreg s18  }
0xc: {  	s23 =	simm.s32 $0x9880;
	s24 =	simm.s32 $0xA080;
	[dreg:$0x13] =	wrdreg s19  }
0xd: {  	s28 =	simm.s32 $0xC;
	s29 =	simm.s32 $0xD;
	[dreg:$0x14] =	wrdreg s20  }
0xe: {  	s30 =	simm.s32 $0xE;
	s0 =	sand.u32 $0x1, s0;
	[dreg:$0x15] =	wrdreg s21  }
0xf: {  	s31 =	simm.s32 $0xF;
	s5 =	sshll.u32 s0, $0x3;
	[dreg:$0x16] =	wrdreg s22  }
0x10: {  	s0 =	ssub.s32 $0x2, s0;
	s4 =	sor.u32 s5, s4;
	[dreg:$0x17] =	wrdreg s23  }
0x11: {  	s13 =	sshrl.u32 s0, $0x1;
	[dreg:$0x18] =	wrdreg s24;
	s17 =	simm.s32 $0x2  }
0x12: {  	s18 =	simm.s32 $0x3;
	s19 =	simm.s32 $0x4;
	s20 =	simm.s32 $0x5  }
0x13: {  	s21 =	simm.s32 $0x6;
	s22 =	simm.s32 $0x7;
	s23 =	simm.s32 $0x8  }
0x14: {  	s24 =	simm.s32 $0x9;
	s10 =	simm.s32 $0x80;
	s11 =	simm.s32 $0x1880  }
0x15: {  	s12 =	simm.s32 $0x3080;
	s5 =	smul.u32 $0x300, s4;
	s6 =	sadd.s32 s4, s1  }
0x16: {  	s14 =	simm.s32 $0x6080;
	s1 =	sadd.s32 $0x33000, s1;
	s6 =	sadd.s32 $0x2800, s6  }
0x17: {  	s15 =	simm.s32 $0x7880;
	s25 =	sadd.s32 s1, s5;
	[dreg:$0x3] =	wrdreg s6  }
0x18: {  	s7 =	smul.u32 $0x1800, s4;
	s5 =	sadd.s32 $0x300, s25;
	[dreg:$0x1b] =	wrdreg s25  }
0x19: {  	s16 =	simm.s32 $0x9080;
	s4 =	sadd.s32 $0x600, s25;
	[dreg:$0x4] =	wrdreg s5  }
0x1a: {  	s26 =	sshrl.u32 s7, $0x3;
	s25 =	simm.s32 $0xB080;
	[dreg:$0x5] =	wrdreg s4  }
0x1b: {  	s1 =	sadd.s32 s1, s26;
	s26 =	simm.s32 $0xB880;
	[dreg:$0x19] =	wrdreg s25  }
0x1c: {  	s0 =	ssub.s32 s0, s13;
	s6 =	sadd.s32 $0x900, s1;
	[dreg:$0x1a] =	wrdreg s26  }
0x1d: {  	s13 =	simm.s32 $0x4880;
	s7 =	sadd.s32 $0xC00, s1;
	[dreg:$0x6] =	wrdreg s6  }
0x1e: {  	s8 =	sadd.s32 $0xF00, s1;
	s9 =	sadd.s32 $0x1200, s1;
	[dreg:$0x7] =	wrdreg s7  }
0x1f: {  	s1 =	sadd.s32 $0x1500, s1;
	s5 =	sadd.s32 $0x100, s2;
	[dreg:$0x8] =	wrdreg s8  }
0x20: {  	v0 =	vlaneseq.u32;
	s25 =	simm.s32 $0xA;
	s26 =	simm.s32 $0xB;
	[dreg:$0x9] =	wrdreg s9  }
0x21: {  	v1 =	vshrl.u32 v0, $0x3;
	[dreg:$0xa] =	wrdreg s1;
	s6 =	sadd.s32 $0x200, s2;
	s7 =	smax.u32 s0, $0x1  }
0x22: {  	vm0 =	vmmov $0xffff;
	v0 =	vand.u32 $0x7, v0;
	v1 =	vmul.u32 $0x8, v1;
	s1 =	simm.s32 $0x10;
	s0 =	simm.s32 $0x11;
	s8 =	simm.s32 $0xA880  }
.LBB2_1:
0x23: {  	s4 =	rddreg [dreg:$0x3];
	s9 =	simm.s32 $0x1  }
0x24: {  	[tilespmem:s3], [sflag:$0x1] =	stream.linear.gather [hbm4b:s4+s3], $0x40, $0x38;
	[tilespmem:$0xC080] =	vst v63  }
0x25: {  	_ =	swait.ge [sflag:s9], $0x40  }
0x26: {  	[sflag:s9] =	ssyncset.done $0x0  }
0x27: {  	[sflag:s9] =	ssyncadd.s32 $0xFFFFFFC0  }
0x28: {  	v2 =	vld.msk [tilespmem:$0x0], $0xff;
	_ =	sdelay $0x4  }
0x29: {  	v3 =	vshrl.u32 v2, $0x3  }
0x2a: {  	v3 =	vmul.u32 $0x30, v3  }
0x2b: {  	v2 =	vand.u32 $0x7, v2  }
0x2c: {  	v2 =	vor.u32 v2, v3  }
0x2d: {  	v2 =	vperm.xlane v2, v0;
	_ =	sdelay $0x1  }
0x2e: {  	v2 =	vadd.s32 v1, v2;
	_ =	sdelay $0x4  }
0x2f: {  	[tilespmem:s10], [sflag:$0x2] =	stream.indirect_vreg.gather [hbm4b:s2+s3], $0x80, v2, vm0, $0xb8;
	[tilespmem:$0xC080] =	vst v63  }
0x30: {  	s4 =	rddreg [dreg:$0xb]  }
0x31: {  	[tilespmem:s4], [sflag:$0x2] =	stream.indirect_vreg.gather [hbm4b:s5+s3], $0x80, v2, vm0, $0xb8;
	[tilespmem:$0xC080] =	vst v63  }
0x32: {  	s9 =	rddreg [dreg:$0xc]  }
0x33: {  	[tilespmem:s9], [sflag:$0x2] =	stream.indirect_vreg.gather [hbm4b:s6+s3], $0x80, v2, vm0, $0xb8;
	[tilespmem:$0xC080] =	vst v63  }
0x34: {  	v2 =	vld.msk [tilespmem:$0x8], $0xff;
	_ =	sdelay $0x4  }
0x35: {  	v3 =	vshrl.u32 v2, $0x3  }
0x36: {  	v3 =	vmul.u32 $0x30, v3  }
0x37: {  	v2 =	vand.u32 $0x7, v2  }
0x38: {  	v2 =	vor.u32 v2, v3  }
0x39: {  	v2 =	vperm.xlane v2, v0;
	_ =	sdelay $0x1  }
0x3a: {  	v2 =	vadd.s32 v1, v2;
	_ =	sdelay $0x4  }
0x3b: {  	[tilespmem:s11], [sflag:$0x3] =	stream.indirect_vreg.gather [hbm4b:s2+s3], $0x80, v2, vm0, $0xb8;
	[tilespmem:$0xC080] =	vst v63  }
0x3c: {  	s4 =	rddreg [dreg:$0xd]  }
0x3d: {  	[tilespmem:s4], [sflag:$0x3] =	stream.indirect_vreg.gather [hbm4b:s5+s3], $0x80, v2, vm0, $0xb8;
	[tilespmem:$0xC080] =	vst v63  }
0x3e: {  	s9 =	rddreg [dreg:$0xe]  }
0x3f: {  	[tilespmem:s9], [sflag:$0x3] =	stream.indirect_vreg.gather [hbm4b:s6+s3], $0x80, v2, vm0, $0xb8;
	[tilespmem:$0xC080] =	vst v63  }
0x40: {  	v2 =	vld.msk [tilespmem:$0x10], $0xff;
	_ =	sdelay $0x4  }
0x41: {  	v3 =	vshrl.u32 v2, $0x3  }
0x42: {  	v3 =	vmul.u32 $0x30, v3  }
0x43: {  	v2 =	vand.u32 $0x7, v2  }
0x44: {  	v2 =	vor.u32 v2, v3  }
0x45: {  	v2 =	vperm.xlane v2, v0;
	_ =	sdelay $0x1  }
0x46: {  	v2 =	vadd.s32 v1, v2;
	_ =	sdelay $0x4  }
0x47: {  	[tilespmem:s12], [sflag:$0x4] =	stream.indirect_vreg.gather [hbm4b:s2+s3], $0x80, v2, vm0, $0xb8;
	[tilespmem:$0xC080] =	vst v63  }
0x48: {  	s4 =	rddreg [dreg:$0xf]  }
0x49: {  	[tilespmem:s4], [sflag:$0x4] =	stream.indirect_vreg.gather [hbm4b:s5+s3], $0x80, v2, vm0, $0xb8;
	[tilespmem:$0xC080] =	vst v63  }
0x4a: {  	s9 =	rddreg [dreg:$0x10]  }
0x4b: {  	[tilespmem:s9], [sflag:$0x4] =	stream.indirect_vreg.gather [hbm4b:s6+s3], $0x80, v2, vm0, $0xb8;
	[tilespmem:$0xC080] =	vst v63  }
0x4c: {  	v2 =	vld.msk [tilespmem:$0x18], $0xff;
	_ =	sdelay $0x4  }
0x4d: {  	v3 =	vshrl.u32 v2, $0x3  }
0x4e: {  	v3 =	vmul.u32 $0x30, v3  }
0x4f: {  	v2 =	vand.u32 $0x7, v2  }
0x50: {  	v2 =	vor.u32 v2, v3  }
0x51: {  	v2 =	vperm.xlane v2, v0;
	_ =	sdelay $0x1  }
0x52: {  	v2 =	vadd.s32 v1, v2;
	_ =	sdelay $0x4  }
0x53: {  	[tilespmem:s13], [sflag:$0x5] =	stream.indirect_vreg.gather [hbm4b:s2+s3], $0x80, v2, vm0, $0xb8;
	[tilespmem:$0xC080] =	vst v63  }
0x54: {  	s4 =	rddreg [dreg:$0x11]  }
0x55: {  	[tilespmem:s4], [sflag:$0x5] =	stream.indirect_vreg.gather [hbm4b:s5+s3], $0x80, v2, vm0, $0xb8;
	[tilespmem:$0xC080] =	vst v63  }
0x56: {  	s9 =	rddreg [dreg:$0x12]  }
0x57: {  	[tilespmem:s9], [sflag:$0x5] =	stream.indirect_vreg.gather [hbm4b:s6+s3], $0x80, v2, vm0, $0xb8;
	[tilespmem:$0xC080] =	vst v63  }
0x58: {  	v2 =	vld.msk [tilespmem:$0x20], $0xff;
	_ =	sdelay $0x4  }
0x59: {  	v3 =	vshrl.u32 v2, $0x3  }
0x5a: {  	v3 =	vmul.u32 $0x30, v3  }
0x5b: {  	v2 =	vand.u32 $0x7, v2  }
0x5c: {  	v2 =	vor.u32 v2, v3  }
0x5d: {  	v2 =	vperm.xlane v2, v0;
	_ =	sdelay $0x1  }
0x5e: {  	v2 =	vadd.s32 v1, v2;
	_ =	sdelay $0x4  }
0x5f: {  	[tilespmem:s14], [sflag:$0x6] =	stream.indirect_vreg.gather [hbm4b:s2+s3], $0x80, v2, vm0, $0xb8;
	[tilespmem:$0xC080] =	vst v63  }
0x60: {  	s4 =	rddreg [dreg:$0x13]  }
0x61: {  	[tilespmem:s4], [sflag:$0x6] =	stream.indirect_vreg.gather [hbm4b:s5+s3], $0x80, v2, vm0, $0xb8;
	[tilespmem:$0xC080] =	vst v63  }
0x62: {  	s9 =	rddreg [dreg:$0x14]  }
0x63: {  	[tilespmem:s9], [sflag:$0x6] =	stream.indirect_vreg.gather [hbm4b:s6+s3], $0x80, v2, vm0, $0xb8;
	[tilespmem:$0xC080] =	vst v63  }
0x64: {  	v2 =	vld.msk [tilespmem:$0x28], $0xff;
	_ =	sdelay $0x4  }
0x65: {  	v3 =	vshrl.u32 v2, $0x3  }
0x66: {  	v3 =	vmul.u32 $0x30, v3  }
0x67: {  	v2 =	vand.u32 $0x7, v2  }
0x68: {  	v2 =	vor.u32 v2, v3  }
0x69: {  	v2 =	vperm.xlane v2, v0;
	_ =	sdelay $0x1  }
0x6a: {  	v2 =	vadd.s32 v1, v2;
	_ =	sdelay $0x4  }
0x6b: {  	[tilespmem:s15], [sflag:$0x7] =	stream.indirect_vreg.gather [hbm4b:s2+s3], $0x80, v2, vm0, $0xb8;
	[tilespmem:$0xC080] =	vst v63  }
0x6c: {  	s4 =	rddreg [dreg:$0x15]  }
0x6d: {  	[tilespmem:s4], [sflag:$0x7] =	stream.indirect_vreg.gather [hbm4b:s5+s3], $0x80, v2, vm0, $0xb8;
	[tilespmem:$0xC080] =	vst v63  }
0x6e: {  	s9 =	rddreg [dreg:$0x16]  }
0x6f: {  	[tilespmem:s9], [sflag:$0x7] =	stream.indirect_vreg.gather [hbm4b:s6+s3], $0x80, v2, vm0, $0xb8;
	[tilespmem:$0xC080] =	vst v63  }
0x70: {  	v2 =	vld.msk [tilespmem:$0x30], $0xff;
	_ =	sdelay $0x4  }
0x71: {  	v3 =	vshrl.u32 v2, $0x3  }
0x72: {  	v3 =	vmul.u32 $0x30, v3  }
0x73: {  	v2 =	vand.u32 $0x7, v2  }
0x74: {  	v2 =	vor.u32 v2, v3  }
0x75: {  	v2 =	vperm.xlane v2, v0;
	_ =	sdelay $0x1  }
0x76: {  	v2 =	vadd.s32 v1, v2;
	_ =	sdelay $0x4  }
0x77: {  	[tilespmem:s16], [sflag:$0x8] =	stream.indirect_vreg.gather [hbm4b:s2+s3], $0x80, v2, vm0, $0xb8;
	[tilespmem:$0xC080] =	vst v63  }
0x78: {  	s4 =	rddreg [dreg:$0x17]  }
0x79: {  	[tilespmem:s4], [sflag:$0x8] =	stream.indirect_vreg.gather [hbm4b:s5+s3], $0x80, v2, vm0, $0xb8;
	[tilespmem:$0xC080] =	vst v63  }
0x7a: {  	s9 =	rddreg [dreg:$0x18]  }
0x7b: {  	[tilespmem:s9], [sflag:$0x8] =	stream.indirect_vreg.gather [hbm4b:s6+s3], $0x80, v2, vm0, $0xb8;
	[tilespmem:$0xC080] =	vst v63  }
0x7c: {  	v2 =	vld.msk [tilespmem:$0x38], $0xff;
	_ =	sdelay $0x4  }
0x7d: {  	v3 =	vshrl.u32 v2, $0x3  }
0x7e: {  	v3 =	vmul.u32 $0x30, v3  }
0x7f: {  	v2 =	vand.u32 $0x7, v2  }
0x80: {  	v2 =	vor.u32 v2, v3  }
0x81: {  	v2 =	vperm.xlane v2, v0;
	_ =	sdelay $0x1  }
0x82: {  	v2 =	vadd.s32 v1, v2;
	_ =	sdelay $0x4  }
0x83: {  	[tilespmem:s8], [sflag:$0x9] =	stream.indirect_vreg.gather [hbm4b:s2+s3], $0x80, v2, vm0, $0xb8;
	[tilespmem:$0xC080] =	vst v63  }
0x84: {  	s4 =	rddreg [dreg:$0x19]  }
0x85: {  	[tilespmem:s4], [sflag:$0x9] =	stream.indirect_vreg.gather [hbm4b:s5+s3], $0x80, v2, vm0, $0xb8;
	[tilespmem:$0xC080] =	vst v63  }
0x86: {  	s9 =	rddreg [dreg:$0x1a]  }
0x87: {  	[tilespmem:s9], [sflag:$0x9] =	stream.indirect_vreg.gather [hbm4b:s6+s3], $0x80, v2, vm0, $0xb8;
	[tilespmem:$0xC080] =	vst v63  }
0x88: {  	_ =	swait.ge [sflag:s17], $0x1800  }
0x89: {  	[sflag:s17] =	ssyncset.done $0x0  }
0x8a: {  	s9 =	rddreg [dreg:$0x1b];
	[sflag:s17] =	ssyncadd.s32 $0xFFFFE800  }
0x8b: {  	[hbm4b:s9+s3] =	stream.linear.scatter [tilespmem:s10], [sflag:$0xA], $0x1800, $0x38;
	[tilespmem:$0xC080] =	vst v63  }
0x8c: {  	_ =	swait.ge [sflag:s18], $0x1800  }
0x8d: {  	[sflag:s18] =	ssyncset.done $0x0  }
0x8e: {  	s9 =	rddreg [dreg:$0x4];
	[sflag:s18] =	ssyncadd.s32 $0xFFFFE800  }
0x8f: {  	[hbm4b:s9+s3] =	stream.linear.scatter [tilespmem:s11], [sflag:$0xB], $0x1800, $0x38;
	[tilespmem:$0xC080] =	vst v63  }
0x90: {  	_ =	swait.ge [sflag:s19], $0x1800  }
0x91: {  	[sflag:s19] =	ssyncset.done $0x0  }
0x92: {  	s9 =	rddreg [dreg:$0x5];
	[sflag:s19] =	ssyncadd.s32 $0xFFFFE800  }
0x93: {  	[hbm4b:s9+s3] =	stream.linear.scatter [tilespmem:s12], [sflag:$0xC], $0x1800, $0x38;
	[tilespmem:$0xC080] =	vst v63  }
0x94: {  	_ =	swait.ge [sflag:s20], $0x1800  }
0x95: {  	[sflag:s20] =	ssyncset.done $0x0  }
0x96: {  	s9 =	rddreg [dreg:$0x6];
	[sflag:s20] =	ssyncadd.s32 $0xFFFFE800  }
0x97: {  	[hbm4b:s9+s3] =	stream.linear.scatter [tilespmem:s13], [sflag:$0xD], $0x1800, $0x38;
	[tilespmem:$0xC080] =	vst v63  }
0x98: {  	_ =	swait.ge [sflag:s21], $0x1800  }
0x99: {  	[sflag:s21] =	ssyncset.done $0x0  }
0x9a: {  	s9 =	rddreg [dreg:$0x7];
	[sflag:s21] =	ssyncadd.s32 $0xFFFFE800  }
0x9b: {  	[hbm4b:s9+s3] =	stream.linear.scatter [tilespmem:s14], [sflag:$0xE], $0x1800, $0x38;
	[tilespmem:$0xC080] =	vst v63  }
0x9c: {  	_ =	swait.ge [sflag:s22], $0x1800  }
0x9d: {  	[sflag:s22] =	ssyncset.done $0x0  }
0x9e: {  	s9 =	rddreg [dreg:$0x8];
	[sflag:s22] =	ssyncadd.s32 $0xFFFFE800  }
0x9f: {  	[hbm4b:s9+s3] =	stream.linear.scatter [tilespmem:s15], [sflag:$0xF], $0x1800, $0x38;
	[tilespmem:$0xC080] =	vst v63  }
0xa0: {  	_ =	swait.ge [sflag:s23], $0x1800  }
0xa1: {  	[sflag:s23] =	ssyncset.done $0x0  }
0xa2: {  	s9 =	rddreg [dreg:$0x9];
	[sflag:s23] =	ssyncadd.s32 $0xFFFFE800  }
0xa3: {  	[hbm4b:s9+s3] =	stream.linear.scatter [tilespmem:s16], [sflag:$0x10], $0x1800, $0x38;
	[tilespmem:$0xC080] =	vst v63  }
0xa4: {  	_ =	swait.ge [sflag:s24], $0x1800  }
0xa5: {  	[sflag:s24] =	ssyncset.done $0x0  }
0xa6: {  	s9 =	rddreg [dreg:$0xa];
	[sflag:s24] =	ssyncadd.s32 $0xFFFFE800  }
0xa7: {  	[hbm4b:s9+s3] =	stream.linear.scatter [tilespmem:s8], [sflag:$0x11], $0x1800, $0x38;
	[tilespmem:$0xC080] =	vst v63  }
0xa8: {  	_ =	swait.ge [sflag:s25], $0x1800  }
0xa9: {  	[sflag:s25] =	ssyncset.done $0x0  }
0xaa: {  	[sflag:s25] =	ssyncadd.s32 $0xFFFFE800  }
0xab: {  	_ =	swait.ge [sflag:s26], $0x1800  }
0xac: {  	[sflag:s26] =	ssyncset.done $0x0  }
0xad: {  	[sflag:s26] =	ssyncadd.s32 $0xFFFFE800  }
0xae: {  	_ =	swait.ge [sflag:s28], $0x1800  }
0xaf: {  	[sflag:s28] =	ssyncset.done $0x0  }
0xb0: {  	[sflag:s28] =	ssyncadd.s32 $0xFFFFE800  }
0xb1: {  	_ =	swait.ge [sflag:s29], $0x1800  }
0xb2: {  	[sflag:s29] =	ssyncset.done $0x0  }
0xb3: {  	[sflag:s29] =	ssyncadd.s32 $0xFFFFE800  }
0xb4: {  	_ =	swait.ge [sflag:s30], $0x1800  }
0xb5: {  	[sflag:s30] =	ssyncset.done $0x0  }
0xb6: {  	[sflag:s30] =	ssyncadd.s32 $0xFFFFE800  }
0xb7: {  	_ =	swait.ge [sflag:s31], $0x1800  }
0xb8: {  	[sflag:s31] =	ssyncset.done $0x0  }
0xb9: {  	[sflag:s31] =	ssyncadd.s32 $0xFFFFE800  }
0xba: {  	p0 =	sne.s32 s7, $0x1;
	_ =	swait.ge [sflag:s1], $0x1800  }
.Ltmp0:
0xbb: {  	[sflag:s1] =	ssyncset.done $0x0;
	(pc) =	sbr.rel @p0 .LBB2_1-.Ltmp0, $4  }
0xbc: {  	[sflag:s1] =	ssyncadd.s32 $0xFFFFE800  }
0xbd: {  	_ =	swait.ge [sflag:s0], $0x1800  }
0xbe: {  	[sflag:s0] =	ssyncset.done $0x0  }
0xbf: {  	s7 =	sadd.s32 $0xFFFFFFFF, s7;
	[sflag:s0] =	ssyncadd.s32 $0xFFFFE800  }
0xc0: {  	_ =	sfence.sel $0x180000  }
0xc1: {  	[bflag:$0x0] =	sbarrier.arrive $0xFFFF  }
0xc2: {  	_ =	strace $0x9000004D  }
0xc3: {  	s0 =	stileid.u32;
	[bflag:$0x2] =	sbarrier.arrive $0xFFFF  }
0xc4: {  	p0 =	sne.s32 s0, $0x0;
	s0 =	rddreg [dreg:$0x2]  }
0xc5: {  	s0 =	sadd.s32 @!p0 $0x100000, s0  }
0xc6: {  	[sflag:s0] =	ssyncadd.tile.s32 @!p0 $0x1;
	_ =	shalt  }
.Lfunc_end2:
_tile_overlayer_lowered:
.L_overlay_start_2:
0xc7: {  	(tag) =	ssettag $0x2  }
0xc8: {  	s0 =	rddreg [dreg:$0x0];
	s2 =	stileid.u32  }
0xc9: {  	s1 =	rddreg [dreg:$0x1];
	p0 =	sne.s32 s2, $0x0  }
0xca: {  	s3 =	rddreg [dreg:$0x2];
	[bflag:$0x3] =	sbarrier.arrive $0xFFFF;
	s2 =	simm.s32 @!p0 $0x1C12  }
0xcb: {  	[timem:s3], [sflag:s2] =	dma.local @!p0 [hbm:s0], s1  }
0xcc: {  	s0 =	simm.s32 @!p0 $0x12  }
0xcd: {  	_ =	swait.ge @!p0 [sflag:s0], s1  }
0xce: {  	s1 =	ssub.s32 @!p0 $0x0, s1;
	[sflag:s0] =	ssyncset.done @!p0 $0x0  }
0xcf: {  	[sflag:s0] =	ssyncadd.s32 @!p0 s1  }
0xd0: {  	[bflag:$0x3] =	sbarrier.arrive $0xFFFF  }
0xd1: {  	_ =	shalt  }

// kernel: _embed.19.cloned.1.call-start
scs
__scs_entry_jumppad:
0x0: {  	(pc) =	sbr.rel $0x88, $3  }
0x1: {  	(tag) =	ssettag $0x0;
	lr =	simm.s32 $0x1  }
0x2: {  	[smem:$0x3F9A] =	sst lr;
	_ =	strace $0xD0000000  }
0x3: {  	_ = 	snop  }
0x4: {  	_ = 	snop  }
0x5: {  	_ = 	snop  }
0x6: {  	_ = 	snop  }
0x7: {  	_ = 	snop  }
__scs_overlays_trampoline_lowered:
0x8: {  	[smem:$0x3FA9] =	sst s0  }
0x9: {  	[smem:$0x3FAA] =	sst s1  }
0xa: {  	[smem:$0x3FAB] =	sst s2  }
0xb: {  	[smem:$0x3FAC] =	sst s3  }
0xc: {  	[smem:$0x3FAD] =	sst s4  }
0xd: {  	[smem:$0x3FAE] =	sst s5  }
0xe: {  	[smem:$0x3FAF] =	sst s6  }
0xf: {  	[smem:$0x3FB0] =	sst s7  }
0x10: {  	[smem:$0x3FB1] =	sst s8  }
0x11: {  	[smem:$0x3FB2] =	sst s9;
	s0 =	simm.s32 @!p0 $0x0  }
0x12: {  	s1 =	sld [smem:$0x3F98];
	s0 =	simm.s32 @p0 $0x1  }
0x13: {  	[smem:$0x3FB3] =	sst s0;
	s0 =	simm.s32 @!p1 $0x0  }
0x14: {  	s2 =	sld [smem:$0x3F97];
	s0 =	simm.s32 @p1 $0x1  }
0x15: {  	[smem:$0x3FB4] =	sst s0;
	s0 =	simm.s32 @!p2 $0x0  }
0x16: {  	s3 =	sld [smem:$0x3FDB];
	s0 =	simm.s32 @p2 $0x1  }
0x17: {  	s4 =	simm.s32 $0x1BF5;
	[smem:$0x3FB6] =	sst s0  }
0x18: {  	s0 =	sld [smem:$0x3F99];
	_ =	swait.ge [sflag:s4], $0x0  }
0x19: {  	s7 =	sld [smem:$0x3F9A]  }
0x1a: {  	s8 =	sadd.s32 $0xFFFFE003, lr  }
0x1b: {  	s9 =	sadd.s32 $0xFFFFFEF7, lr;
	s5 =	simm.s32 $0xFFFFFFFF;
	p2 =	slt.u32 s8, $0xFFFFF086  }
0x1c: {  	p1 =	slt.u32 s9, $0xF7A;
	s5 =	simm.s32 @!p2 $0x0  }
0x1d: {  	s5 =	simm.s32 @p1 $0x1;
	p0 =	seq.s32 s7, s2  }
0x1e: {  	s7 =	smul.u32 @!p0 $0xF7A, s2;
	p2 =	seq.s32 @!p0 s5, $0x0  }
0x1f: {  	s9 =	smul.u32 $0xF7A, s1;
	s8 =	simm.s32 @!p0 $0x1BF5;
	p2 =	por !p2, p0  }
0x20: {  	[sflag:s8] =	ssyncset.s32 @!p0 $0xFFFFF086;
	s6 =	sadd.s32 @!p0 s3, s7;
	s7 =	simm.s32 @!p0 $0x108  }
0x21: {  	s3 =	sadd.s32 s3, s9;
	s6 =	sadd.s32 @!p0 $0x88, s6;
	s7 =	simm.s32 @p2 $0x1082  }
0x22: {  	[simem:s7], [sflag:s8] =	dma.local @!p0 [hbm:s6], $0xF7A  }
0x23: {  	s9 =	sor.u32 $0xD0000000, s2;
	s6 =	simm.s32 $0x108;
	_ =	swait.ge @!p0 [sflag:s8], $0x0  }
0x24: {  	s3 =	sadd.s32 $0x88, s3;
	s6 =	simm.s32 @!p1 $0x1082;
	[sflag:s4] =	ssyncset.s32 $0xFFFFF086  }
0x25: {  	[simem:s6], [sflag:s4] =	dma.local [hbm:s3], $0xF7A  }
0x26: {  	[smem:$0x3F9A] =	sst s1;
	(tag) =	ssettag s2;
	_ =	strace s9  }
0x27: {  	s1 =	sld [smem:$0x3FAA]  }
0x28: {  	s2 =	sld [smem:$0x3FAB]  }
0x29: {  	s4 =	sld [smem:$0x3FAD]  }
0x2a: {  	p0 =	seq.s32 s5, $0x0;
	s5 =	sld [smem:$0x3FAE]  }
0x2b: {  	s6 =	sld [smem:$0x3FAF]  }
0x2c: {  	s7 =	sld [smem:$0x3FB0]  }
0x2d: {  	s3 =	simm.s32 $0x108;
	s8 =	sld [smem:$0x3FB1]  }
0x2e: {  	s3 =	simm.s32 @!p0 $0x1082;
	s9 =	sld [smem:$0x3FB2]  }
0x2f: {  	lr =	sadd.s32 s0, s3;
	s0 =	sld [smem:$0x3FA9]  }
0x30: {  	s3 =	sld [smem:$0x3FAC]  }
0x31: {  	[smem:$0x3FB5] =	sst s10  }
0x32: {  	s10 =	sld [smem:$0x3FB3];
	_ =	sdelay $0x3  }
0x33: {  	p0 =	seq.s32 s10, $0x1;
	s10 =	sld [smem:$0x3FB5];
	_ =	sdelay $0x3  }
0x34: {  	[smem:$0x3FB5] =	sst s10  }
0x35: {  	s10 =	sld [smem:$0x3FB4];
	_ =	sdelay $0x3  }
0x36: {  	p1 =	seq.s32 s10, $0x1;
	s10 =	sld [smem:$0x3FB5];
	_ =	sdelay $0x3  }
0x37: {  	[smem:$0x3FB5] =	sst s10  }
0x38: {  	s10 =	sld [smem:$0x3FB6]  }
0x39: {  	_ = 	snop;
	(pc) =	sbr.ind lr, $3  }
0x3a: {  	_ = 	snop  }
0x3b: {  	_ = 	snop  }
0x3c: {  	p2 =	seq.s32 s10, $0x1;
	s10 =	sld [smem:$0x3FB5]  }
0x3d: {  	_ =	shalt  }
0x3e: {  	_ =	shalt  }
0x3f: {  	_ =	shalt  }
0x40: {  	_ =	shalt  }
0x41: {  	_ =	shalt  }
0x42: {  	_ =	shalt  }
0x43: {  	_ =	shalt  }
0x44: {  	_ =	shalt  }
0x45: {  	_ =	shalt  }
0x46: {  	_ =	shalt  }
0x47: {  	_ =	shalt  }
0x48: {  	_ =	shalt  }
0x49: {  	_ =	shalt  }
0x4a: {  	_ =	shalt  }
0x4b: {  	_ =	shalt  }
0x4c: {  	_ =	shalt  }
0x4d: {  	_ =	shalt  }
0x4e: {  	_ =	shalt  }
0x4f: {  	_ =	shalt  }
0x50: {  	_ =	shalt  }
0x51: {  	_ =	shalt  }
0x52: {  	_ =	shalt  }
0x53: {  	_ =	shalt  }
0x54: {  	_ =	shalt  }
0x55: {  	_ =	shalt  }
0x56: {  	_ =	shalt  }
0x57: {  	_ =	shalt  }
0x58: {  	_ =	shalt  }
0x59: {  	_ =	shalt  }
0x5a: {  	_ =	shalt  }
0x5b: {  	_ =	shalt  }
0x5c: {  	_ =	shalt  }
0x5d: {  	_ =	shalt  }
0x5e: {  	_ =	shalt  }
0x5f: {  	_ =	shalt  }
0x60: {  	_ =	shalt  }
0x61: {  	_ =	shalt  }
0x62: {  	_ =	shalt  }
0x63: {  	_ =	shalt  }
0x64: {  	_ =	shalt  }
0x65: {  	_ =	shalt  }
0x66: {  	_ =	shalt  }
0x67: {  	_ =	shalt  }
0x68: {  	_ =	shalt  }
0x69: {  	_ =	shalt  }
0x6a: {  	_ =	shalt  }
0x6b: {  	_ =	shalt  }
0x6c: {  	_ =	shalt  }
0x6d: {  	_ =	shalt  }
0x6e: {  	_ =	shalt  }
0x6f: {  	_ =	shalt  }
0x70: {  	_ =	shalt  }
0x71: {  	_ =	shalt  }
0x72: {  	_ =	shalt  }
0x73: {  	_ =	shalt  }
0x74: {  	_ =	shalt  }
0x75: {  	_ =	shalt  }
0x76: {  	_ =	shalt  }
0x77: {  	_ =	shalt  }
0x78: {  	_ =	shalt  }
0x79: {  	_ =	shalt  }
0x7a: {  	_ =	shalt  }
0x7b: {  	_ =	shalt  }
0x7c: {  	_ =	shalt  }
0x7d: {  	_ =	shalt  }
0x7e: {  	_ =	shalt  }
0x7f: {  	_ =	shalt  }
0x80: {  	_ =	shalt  }
0x81: {  	_ =	shalt  }
0x82: {  	_ =	shalt  }
0x83: {  	_ =	shalt  }
0x84: {  	_ =	shalt  }
0x85: {  	_ =	shalt  }
0x86: {  	_ =	shalt  }
0x87: {  	_ =	shalt  }
.Lfunc_end0:
.L_simem_size_0:
called_computation.3_lowered:
.L_overlay_start_0:
0x88: {  	s2 =	sld [smem:$0x3FD9]  }
0x89: {  	s3 =	sld [smem:$0x3FFE];
	_ =	sdelay $0x1  }
0x8a: {  	s1 =	srdreg.scid  }
0x8b: {  	s0 =	sand.u32 $0x1, s1  }
0x8c: {  	s17 =	sshll.u32 s0, $0xA;
	s2 =	sadd.s32 s3, s2  }
0x8d: {  	s2 =	sadd.s32 s2, s17  }
0x8e: {  	[smem:$0x3FC1] =	sst s2  }
0x8f: {  	_ = 	snop  }
0x90: {  	s18 =	sld [smem:$0x3FC7];
	(tm) =	ssettm $0x1  }
0x91: {  	s19 =	sld [smem:$0x3FFB];
	_ =	sdelay $0x3  }
0x92: {  	_ =	strace s19  }
0x93: {  	s2 =	sld [smem:$0x3FFC];
	_ =	sdelay $0x3  }
0x94: {  	_ =	strace s2  }
0x95: {  	s2 =	sld [smem:$0x3FFD];
	_ =	sdelay $0x3  }
0x96: {  	_ =	strace s2  }
0x97: {  	_ =	strace $0x8FFFFFFF  }
0x98: {  	s20 =	sld [smem:$0x3FDB];
	_ =	sdelay $0x1  }
0x99: {  	s4 =	simm.s32 $_scs_section_size  }
0x9a: {  	s5 =	simm.s32 $_size__tile_overlayer_lowered;
	s6 =	simm.s32 $_tile_overlayer_lowered  }
0x9b: {  	s7 =	simm.s32 $0x1BFF;
	s21 =	sshll.u32 s6, $0x1;
	s4 =	sadd.s32 s4, s20  }
0x9c: {  	s22 =	simm.s32 $0x0;
	s5 =	sshll.u32 s5, $0x1;
	s6 =	sadd.s32 s21, s4  }
0x9d: {  	[timem:s22], [sflag:s7] =	dma.local [hbm:s6], s5  }
0x9e: {  	_ =	swait.ge [sflag:s7], s5  }
0x9f: {  	s5 =	ssub.s32 $0x0, s5;
	[sflag:s7] =	ssyncset.done $0x0  }
0xa0: {  	[sflag:s7] =	ssyncadd.s32 s5;
	_ =	sdelay $0x1  }
0xa1: {  	s23 =	simm.s32 $0x1B8B  }
0xa2: {  	_ =	swait.ge [sflag:s23], $0x1  }
0xa3: {  	[sflag:s23] =	ssyncset.done $0x0  }
0xa4: {  	[sflag:s23] =	ssyncadd.s32 $0xFFFFFFFF  }
0xa5: {  	s5 =	sld [smem:$0x0]  }
0xa6: {  	s6 =	sand.u32 $0xFFFFFFFE, s1  }
0xa7: {  	p0 =	sne.s32 s1, s6  }
0xa8: {  	s6 =	sshll.u32 @p0 s6, $0xE  }
0xa9: {  	s6 =	sadd.s32 @p0 $0x11B8D, s6;
	s7 =	sshll.u32 @p0 s5, $0x11  }
0xaa: {  	s6 =	sor.u32 @p0 s7, s6  }
0xab: {  	[sflag:s6] =	ssyncadd.remote.s32 @p0 $0x1;
	_ =	sdelay $0x1  }
0xac: {  	s6 =	simm.s32 @p0 $0x1B8D  }
0xad: {  	_ =	swait.eq @p0 [sflag:s6], $0x1  }
0xae: {  	[sflag:s6] =	ssyncadd.s32 @p0 $0xFFFFFFFF  }
0xaf: {  	s7 =	sshll.u32 @!p0 s1, $0xE  }
0xb0: {  	s7 =	sor.u32 @!p0 $0x4000, s7;
	s6 =	simm.s32 @!p0 $0x1B8D  }
0xb1: {  	s5 =	sshll.u32 @!p0 s5, $0x11;
	s7 =	sadd.s32 @!p0 $0x11B8D, s7;
	_ =	swait.eq @!p0 [sflag:s6], $0x1  }
0xb2: {  	s5 =	sor.u32 @!p0 s5, s7;
	[sflag:s6] =	ssyncadd.s32 @!p0 $0xFFFFFFFF  }
0xb3: {  	s25 =	simm.s32 $0x1B8E;
	s24 =	sld [smem:$0x3FFE];
	[sflag:s5] =	ssyncadd.remote.s32 @!p0 $0x1  }
0xb4: {  	s26 =	simm.s32 $execute0_lowered;
	[smem:$0x3FD2] =	sst s25  }
0xb5: {  	s6 =	sshll.u32 s26, $0x1;
	_ =	strace $0x8000004F;
	[dreg:$0x1] =	wrdreg $0xFFFFFFFF  }
0xb6: {  	s28 =	simm.s32 $_size_execute0_lowered;
	s4 =	sadd.s32 s4, s6;
	[dreg:$0x0] =	wrdreg $0x0  }
0xb7: {  	s6 =	sshll.u32 s28, $0x1;
	[dreg:$0x2] =	wrdreg s4  }
0xb8: {  	[dreg:$0x3] =	wrdreg s6  }
0xb9: {  	[dreg:$0x4] =	wrdreg $0xC0  }
0xba: {  	_ =	task [dreg:s22], $0x5FFFF  }
0xbb: {  	[dreg:$0x1] =	wrdreg $0xFFFFFFFF  }
0xbc: {  	[dreg:$0x0] =	wrdreg $0x60  }
0xbd: {  	[dreg:$0x2] =	wrdreg s24  }
0xbe: {  	[dreg:$0x3] =	wrdreg s18  }
0xbf: {  	[dreg:$0x4] =	wrdreg $0xC  }
0xc0: {  	_ =	task.clear_ibuf [dreg:s22], $0x5FFFF;
	_ =	strace $0x9000004F  }
0xc1: {  	s29 =	simm.s32 $0xC;
	_ =	strace $0x80000051  }
0xc2: {  	_ =	swait.ge [sflag:s29], $0x1  }
0xc3: {  	[sflag:s29] =	ssyncadd.s32 $0xFFFFFFFF  }
0xc4: {  	_ =	strace $0x90000051  }
0xc5: {  	_ =	sfence  }
0xc6: {  	s30 =	sld [smem:$0x0];
	_ =	sdelay $0x2  }
0xc7: {  	s31 =	sshll.u32 s1, $0xD;
	s1 =	sshrl.u32 s1, $0x2  }
0xc8: {  	s4 =	sand.u32 $0x4000, s31;
	s1 =	sadd.s32 s1, s30  }
0xc9: {  	s0 =	sor.u32 s4, s0;
	s1 =	sshll.u32 s1, $0x11  }
0xca: {  	s0 =	sor.u32 s1, s0  }
0xcb: {  	s0 =	sadd.s32 $0x8F2B, s0  }
0xcc: {  	[sflag:s0] =	ssyncadd.remote.s32 $0x1  }
0xcd: {  	_ =	sfence.sel $0xFFFF  }
0xce: {  	[dreg:$0x0] =	wrdreg $0xFFFFFFFF;
	(pc) =	sbr.abs _section_cstart, $3  }
0xcf: {  	[dreg:$0x1] =	wrdreg $0xFFFFFFFF  }
0xd0: {  	_ =	task.clear_ibuf [dreg:s22], $0x2FFFF;
	_ =	strace $0x9FFFFFFF  }
0xd1: {  	(tm) =	ssettm $0x7FFFFFFF  }
tec
execute0_lowered:
.L_overlay_start_1:
0x0: {  	(tag) =	ssettag $0x1  }
0x1: {  	s1 =	rddreg [dreg:$0x0];
	s3 =	stileid.u32  }
0x2: {  	s2 =	rddreg [dreg:$0x1];
	s4 =	sshll.u32 s3, $0x4;
	s3 =	simm.s32 $0x0  }
0x3: {  	s10 =	simm.s32 $0x880;
	[smem:$0x7FF] =	sst s3  }
0x4: {  	s11 =	simm.s32 $0x1080;
	_ =	strace $0x80000050;
	[dreg:$0xb] =	wrdreg s10  }
0x5: {  	s12 =	simm.s32 $0x2080;
	[dreg:$0xc] =	wrdreg s11  }
0x6: {  	s14 =	simm.s32 $0x2880;
	[dreg:$0xd] =	wrdreg s12  }
0x7: {  	s15 =	simm.s32 $0x3880;
	[dreg:$0xe] =	wrdreg s14  }
0x8: {  	s0 =	srdreg.scid;
	s16 =	simm.s32 $0x4080;
	[dreg:$0xf] =	wrdreg s15  }
0x9: {  	s17 =	simm.s32 $0x5080;
	s18 =	simm.s32 $0x5880;
	[dreg:$0x10] =	wrdreg s16  }
0xa: {  	s19 =	simm.s32 $0x6880;
	s20 =	simm.s32 $0x7080;
	[dreg:$0x11] =	wrdreg s17  }
0xb: {  	s21 =	simm.s32 $0x8080;
	s22 =	simm.s32 $0x8880;
	[dreg:$0x12] =	wrdreg s18  }
0xc: {  	s23 =	simm.s32 $0x9880;
	s24 =	simm.s32 $0xA080;
	[dreg:$0x13] =	wrdreg s19  }
0xd: {  	s28 =	simm.s32 $0xC;
	s29 =	simm.s32 $0xD;
	[dreg:$0x14] =	wrdreg s20  }
0xe: {  	s30 =	simm.s32 $0xE;
	s0 =	sand.u32 $0x1, s0;
	[dreg:$0x15] =	wrdreg s21  }
0xf: {  	s31 =	simm.s32 $0xF;
	s5 =	sshll.u32 s0, $0x3;
	[dreg:$0x16] =	wrdreg s22  }
0x10: {  	s0 =	ssub.s32 $0x2, s0;
	s4 =	sor.u32 s5, s4;
	[dreg:$0x17] =	wrdreg s23  }
0x11: {  	s13 =	sshrl.u32 s0, $0x1;
	[dreg:$0x18] =	wrdreg s24;
	s17 =	simm.s32 $0x2  }
0x12: {  	s18 =	simm.s32 $0x3;
	s19 =	simm.s32 $0x4;
	s20 =	simm.s32 $0x5  }
0x13: {  	s21 =	simm.s32 $0x6;
	s22 =	simm.s32 $0x7;
	s23 =	simm.s32 $0x8  }
0x14: {  	s24 =	simm.s32 $0x9;
	s10 =	simm.s32 $0x80;
	s11 =	simm.s32 $0x1880  }
0x15: {  	s12 =	simm.s32 $0x3080;
	s5 =	smul.u32 $0x300, s4;
	s6 =	sadd.s32 s4, s1  }
0x16: {  	s14 =	simm.s32 $0x6080;
	s1 =	sadd.s32 $0x63000, s1;
	s6 =	sadd.s32 $0x2A00, s6  }
0x17: {  	s15 =	simm.s32 $0x7880;
	s25 =	sadd.s32 s1, s5;
	[dreg:$0x3] =	wrdreg s6  }
0x18: {  	s7 =	smul.u32 $0x1800, s4;
	s5 =	sadd.s32 $0x300, s25;
	[dreg:$0x1b] =	wrdreg s25  }
0x19: {  	s16 =	simm.s32 $0x9080;
	s4 =	sadd.s32 $0x600, s25;
	[dreg:$0x4] =	wrdreg s5  }
0x1a: {  	s26 =	sshrl.u32 s7, $0x3;
	s25 =	simm.s32 $0xB080;
	[dreg:$0x5] =	wrdreg s4  }
0x1b: {  	s1 =	sadd.s32 s1, s26;
	s26 =	simm.s32 $0xB880;
	[dreg:$0x19] =	wrdreg s25  }
0x1c: {  	s0 =	ssub.s32 s0, s13;
	s6 =	sadd.s32 $0x900, s1;
	[dreg:$0x1a] =	wrdreg s26  }
0x1d: {  	s13 =	simm.s32 $0x4880;
	s7 =	sadd.s32 $0xC00, s1;
	[dreg:$0x6] =	wrdreg s6  }
0x1e: {  	s8 =	sadd.s32 $0xF00, s1;
	s9 =	sadd.s32 $0x1200, s1;
	[dreg:$0x7] =	wrdreg s7  }
0x1f: {  	s1 =	sadd.s32 $0x1500, s1;
	s5 =	sadd.s32 $0x100, s2;
	[dreg:$0x8] =	wrdreg s8  }
0x20: {  	v0 =	vlaneseq.u32;
	s25 =	simm.s32 $0xA;
	s26 =	simm.s32 $0xB;
	[dreg:$0x9] =	wrdreg s9  }
0x21: {  	v1 =	vshrl.u32 v0, $0x3;
	[dreg:$0xa] =	wrdreg s1;
	s6 =	sadd.s32 $0x200, s2;
	s7 =	smax.u32 s0, $0x1  }
0x22: {  	vm0 =	vmmov $0xffff;
	v0 =	vand.u32 $0x7, v0;
	v1 =	vmul.u32 $0x8, v1;
	s1 =	simm.s32 $0x10;
	s0 =	simm.s32 $0x11;
	s8 =	simm.s32 $0xA880  }
.LBB2_1:
0x23: {  	s4 =	rddreg [dreg:$0x3];
	s9 =	simm.s32 $0x1  }
0x24: {  	[tilespmem:s3], [sflag:$0x1] =	stream.linear.gather [hbm4b:s4+s3], $0x40, $0x38;
	[tilespmem:$0xC080] =	vst v63  }
0x25: {  	_ =	swait.ge [sflag:s9], $0x40  }
0x26: {  	[sflag:s9] =	ssyncset.done $0x0  }
0x27: {  	[sflag:s9] =	ssyncadd.s32 $0xFFFFFFC0  }
0x28: {  	v2 =	vld.msk [tilespmem:$0x0], $0xff;
	_ =	sdelay $0x4  }
0x29: {  	v3 =	vshrl.u32 v2, $0x3  }
0x2a: {  	v3 =	vmul.u32 $0x30, v3  }
0x2b: {  	v2 =	vand.u32 $0x7, v2  }
0x2c: {  	v2 =	vor.u32 v2, v3  }
0x2d: {  	v2 =	vperm.xlane v2, v0;
	_ =	sdelay $0x1  }
0x2e: {  	v2 =	vadd.s32 v1, v2;
	_ =	sdelay $0x4  }
0x2f: {  	[tilespmem:s10], [sflag:$0x2] =	stream.indirect_vreg.gather [hbm4b:s2+s3], $0x80, v2, vm0, $0xb8;
	[tilespmem:$0xC080] =	vst v63  }
0x30: {  	s4 =	rddreg [dreg:$0xb]  }
0x31: {  	[tilespmem:s4], [sflag:$0x2] =	stream.indirect_vreg.gather [hbm4b:s5+s3], $0x80, v2, vm0, $0xb8;
	[tilespmem:$0xC080] =	vst v63  }
0x32: {  	s9 =	rddreg [dreg:$0xc]  }
0x33: {  	[tilespmem:s9], [sflag:$0x2] =	stream.indirect_vreg.gather [hbm4b:s6+s3], $0x80, v2, vm0, $0xb8;
	[tilespmem:$0xC080] =	vst v63  }
0x34: {  	v2 =	vld.msk [tilespmem:$0x8], $0xff;
	_ =	sdelay $0x4  }
0x35: {  	v3 =	vshrl.u32 v2, $0x3  }
0x36: {  	v3 =	vmul.u32 $0x30, v3  }
0x37: {  	v2 =	vand.u32 $0x7, v2  }
0x38: {  	v2 =	vor.u32 v2, v3  }
0x39: {  	v2 =	vperm.xlane v2, v0;
	_ =	sdelay $0x1  }
0x3a: {  	v2 =	vadd.s32 v1, v2;
	_ =	sdelay $0x4  }
0x3b: {  	[tilespmem:s11], [sflag:$0x3] =	stream.indirect_vreg.gather [hbm4b:s2+s3], $0x80, v2, vm0, $0xb8;
	[tilespmem:$0xC080] =	vst v63  }
0x3c: {  	s4 =	rddreg [dreg:$0xd]  }
0x3d: {  	[tilespmem:s4], [sflag:$0x3] =	stream.indirect_vreg.gather [hbm4b:s5+s3], $0x80, v2, vm0, $0xb8;
	[tilespmem:$0xC080] =	vst v63  }
0x3e: {  	s9 =	rddreg [dreg:$0xe]  }
0x3f: {  	[tilespmem:s9], [sflag:$0x3] =	stream.indirect_vreg.gather [hbm4b:s6+s3], $0x80, v2, vm0, $0xb8;
	[tilespmem:$0xC080] =	vst v63  }
0x40: {  	v2 =	vld.msk [tilespmem:$0x10], $0xff;
	_ =	sdelay $0x4  }
0x41: {  	v3 =	vshrl.u32 v2, $0x3  }
0x42: {  	v3 =	vmul.u32 $0x30, v3  }
0x43: {  	v2 =	vand.u32 $0x7, v2  }
0x44: {  	v2 =	vor.u32 v2, v3  }
0x45: {  	v2 =	vperm.xlane v2, v0;
	_ =	sdelay $0x1  }
0x46: {  	v2 =	vadd.s32 v1, v2;
	_ =	sdelay $0x4  }
0x47: {  	[tilespmem:s12], [sflag:$0x4] =	stream.indirect_vreg.gather [hbm4b:s2+s3], $0x80, v2, vm0, $0xb8;
	[tilespmem:$0xC080] =	vst v63  }
0x48: {  	s4 =	rddreg [dreg:$0xf]  }
0x49: {  	[tilespmem:s4], [sflag:$0x4] =	stream.indirect_vreg.gather [hbm4b:s5+s3], $0x80, v2, vm0, $0xb8;
	[tilespmem:$0xC080] =	vst v63  }
0x4a: {  	s9 =	rddreg [dreg:$0x10]  }
0x4b: {  	[tilespmem:s9], [sflag:$0x4] =	stream.indirect_vreg.gather [hbm4b:s6+s3], $0x80, v2, vm0, $0xb8;
	[tilespmem:$0xC080] =	vst v63  }
0x4c: {  	v2 =	vld.msk [tilespmem:$0x18], $0xff;
	_ =	sdelay $0x4  }
0x4d: {  	v3 =	vshrl.u32 v2, $0x3  }
0x4e: {  	v3 =	vmul.u32 $0x30, v3  }
0x4f: {  	v2 =	vand.u32 $0x7, v2  }
0x50: {  	v2 =	vor.u32 v2, v3  }
0x51: {  	v2 =	vperm.xlane v2, v0;
	_ =	sdelay $0x1  }
0x52: {  	v2 =	vadd.s32 v1, v2;
	_ =	sdelay $0x4  }
0x53: {  	[tilespmem:s13], [sflag:$0x5] =	stream.indirect_vreg.gather [hbm4b:s2+s3], $0x80, v2, vm0, $0xb8;
	[tilespmem:$0xC080] =	vst v63  }
0x54: {  	s4 =	rddreg [dreg:$0x11]  }
0x55: {  	[tilespmem:s4], [sflag:$0x5] =	stream.indirect_vreg.gather [hbm4b:s5+s3], $0x80, v2, vm0, $0xb8;
	[tilespmem:$0xC080] =	vst v63  }
0x56: {  	s9 =	rddreg [dreg:$0x12]  }
0x57: {  	[tilespmem:s9], [sflag:$0x5] =	stream.indirect_vreg.gather [hbm4b:s6+s3], $0x80, v2, vm0, $0xb8;
	[tilespmem:$0xC080] =	vst v63  }
0x58: {  	v2 =	vld.msk [tilespmem:$0x20], $0xff;
	_ =	sdelay $0x4  }
0x59: {  	v3 =	vshrl.u32 v2, $0x3  }
0x5a: {  	v3 =	vmul.u32 $0x30, v3  }
0x5b: {  	v2 =	vand.u32 $0x7, v2  }
0x5c: {  	v2 =	vor.u32 v2, v3  }
0x5d: {  	v2 =	vperm.xlane v2, v0;
	_ =	sdelay $0x1  }
0x5e: {  	v2 =	vadd.s32 v1, v2;
	_ =	sdelay $0x4  }
0x5f: {  	[tilespmem:s14], [sflag:$0x6] =	stream.indirect_vreg.gather [hbm4b:s2+s3], $0x80, v2, vm0, $0xb8;
	[tilespmem:$0xC080] =	vst v63  }
0x60: {  	s4 =	rddreg [dreg:$0x13]  }
0x61: {  	[tilespmem:s4], [sflag:$0x6] =	stream.indirect_vreg.gather [hbm4b:s5+s3], $0x80, v2, vm0, $0xb8;
	[tilespmem:$0xC080] =	vst v63  }
0x62: {  	s9 =	rddreg [dreg:$0x14]  }
0x63: {  	[tilespmem:s9], [sflag:$0x6] =	stream.indirect_vreg.gather [hbm4b:s6+s3], $0x80, v2, vm0, $0xb8;
	[tilespmem:$0xC080] =	vst v63  }
0x64: {  	v2 =	vld.msk [tilespmem:$0x28], $0xff;
	_ =	sdelay $0x4  }
0x65: {  	v3 =	vshrl.u32 v2, $0x3  }
0x66: {  	v3 =	vmul.u32 $0x30, v3  }
0x67: {  	v2 =	vand.u32 $0x7, v2  }
0x68: {  	v2 =	vor.u32 v2, v3  }
0x69: {  	v2 =	vperm.xlane v2, v0;
	_ =	sdelay $0x1  }
0x6a: {  	v2 =	vadd.s32 v1, v2;
	_ =	sdelay $0x4  }
0x6b: {  	[tilespmem:s15], [sflag:$0x7] =	stream.indirect_vreg.gather [hbm4b:s2+s3], $0x80, v2, vm0, $0xb8;
	[tilespmem:$0xC080] =	vst v63  }
0x6c: {  	s4 =	rddreg [dreg:$0x15]  }
0x6d: {  	[tilespmem:s4], [sflag:$0x7] =	stream.indirect_vreg.gather [hbm4b:s5+s3], $0x80, v2, vm0, $0xb8;
	[tilespmem:$0xC080] =	vst v63  }
0x6e: {  	s9 =	rddreg [dreg:$0x16]  }
0x6f: {  	[tilespmem:s9], [sflag:$0x7] =	stream.indirect_vreg.gather [hbm4b:s6+s3], $0x80, v2, vm0, $0xb8;
	[tilespmem:$0xC080] =	vst v63  }
0x70: {  	v2 =	vld.msk [tilespmem:$0x30], $0xff;
	_ =	sdelay $0x4  }
0x71: {  	v3 =	vshrl.u32 v2, $0x3  }
0x72: {  	v3 =	vmul.u32 $0x30, v3  }
0x73: {  	v2 =	vand.u32 $0x7, v2  }
0x74: {  	v2 =	vor.u32 v2, v3  }
0x75: {  	v2 =	vperm.xlane v2, v0;
	_ =	sdelay $0x1  }
0x76: {  	v2 =	vadd.s32 v1, v2;
	_ =	sdelay $0x4  }
0x77: {  	[tilespmem:s16], [sflag:$0x8] =	stream.indirect_vreg.gather [hbm4b:s2+s3], $0x80, v2, vm0, $0xb8;
	[tilespmem:$0xC080] =	vst v63  }
0x78: {  	s4 =	rddreg [dreg:$0x17]  }
0x79: {  	[tilespmem:s4], [sflag:$0x8] =	stream.indirect_vreg.gather [hbm4b:s5+s3], $0x80, v2, vm0, $0xb8;
	[tilespmem:$0xC080] =	vst v63  }
0x7a: {  	s9 =	rddreg [dreg:$0x18]  }
0x7b: {  	[tilespmem:s9], [sflag:$0x8] =	stream.indirect_vreg.gather [hbm4b:s6+s3], $0x80, v2, vm0, $0xb8;
	[tilespmem:$0xC080] =	vst v63  }
0x7c: {  	v2 =	vld.msk [tilespmem:$0x38], $0xff;
	_ =	sdelay $0x4  }
0x7d: {  	v3 =	vshrl.u32 v2, $0x3  }
0x7e: {  	v3 =	vmul.u32 $0x30, v3  }
0x7f: {  	v2 =	vand.u32 $0x7, v2  }
0x80: {  	v2 =	vor.u32 v2, v3  }
0x81: {  	v2 =	vperm.xlane v2, v0;
	_ =	sdelay $0x1  }
0x82: {  	v2 =	vadd.s32 v1, v2;
	_ =	sdelay $0x4  }
0x83: {  	[tilespmem:s8], [sflag:$0x9] =	stream.indirect_vreg.gather [hbm4b:s2+s3], $0x80, v2, vm0, $0xb8;
	[tilespmem:$0xC080] =	vst v63  }
0x84: {  	s4 =	rddreg [dreg:$0x19]  }
0x85: {  	[tilespmem:s4], [sflag:$0x9] =	stream.indirect_vreg.gather [hbm4b:s5+s3], $0x80, v2, vm0, $0xb8;
	[tilespmem:$0xC080] =	vst v63  }
0x86: {  	s9 =	rddreg [dreg:$0x1a]  }
0x87: {  	[tilespmem:s9], [sflag:$0x9] =	stream.indirect_vreg.gather [hbm4b:s6+s3], $0x80, v2, vm0, $0xb8;
	[tilespmem:$0xC080] =	vst v63  }
0x88: {  	_ =	swait.ge [sflag:s17], $0x1800  }
0x89: {  	[sflag:s17] =	ssyncset.done $0x0  }
0x8a: {  	s9 =	rddreg [dreg:$0x1b];
	[sflag:s17] =	ssyncadd.s32 $0xFFFFE800  }
0x8b: {  	[hbm4b:s9+s3] =	stream.linear.scatter [tilespmem:s10], [sflag:$0xA], $0x1800, $0x38;
	[tilespmem:$0xC080] =	vst v63  }
0x8c: {  	_ =	swait.ge [sflag:s18], $0x1800  }
0x8d: {  	[sflag:s18] =	ssyncset.done $0x0  }
0x8e: {  	s9 =	rddreg [dreg:$0x4];
	[sflag:s18] =	ssyncadd.s32 $0xFFFFE800  }
0x8f: {  	[hbm4b:s9+s3] =	stream.linear.scatter [tilespmem:s11], [sflag:$0xB], $0x1800, $0x38;
	[tilespmem:$0xC080] =	vst v63  }
0x90: {  	_ =	swait.ge [sflag:s19], $0x1800  }
0x91: {  	[sflag:s19] =	ssyncset.done $0x0  }
0x92: {  	s9 =	rddreg [dreg:$0x5];
	[sflag:s19] =	ssyncadd.s32 $0xFFFFE800  }
0x93: {  	[hbm4b:s9+s3] =	stream.linear.scatter [tilespmem:s12], [sflag:$0xC], $0x1800, $0x38;
	[tilespmem:$0xC080] =	vst v63  }
0x94: {  	_ =	swait.ge [sflag:s20], $0x1800  }
0x95: {  	[sflag:s20] =	ssyncset.done $0x0  }
0x96: {  	s9 =	rddreg [dreg:$0x6];
	[sflag:s20] =	ssyncadd.s32 $0xFFFFE800  }
0x97: {  	[hbm4b:s9+s3] =	stream.linear.scatter [tilespmem:s13], [sflag:$0xD], $0x1800, $0x38;
	[tilespmem:$0xC080] =	vst v63  }
0x98: {  	_ =	swait.ge [sflag:s21], $0x1800  }
0x99: {  	[sflag:s21] =	ssyncset.done $0x0  }
0x9a: {  	s9 =	rddreg [dreg:$0x7];
	[sflag:s21] =	ssyncadd.s32 $0xFFFFE800  }
0x9b: {  	[hbm4b:s9+s3] =	stream.linear.scatter [tilespmem:s14], [sflag:$0xE], $0x1800, $0x38;
	[tilespmem:$0xC080] =	vst v63  }
0x9c: {  	_ =	swait.ge [sflag:s22], $0x1800  }
0x9d: {  	[sflag:s22] =	ssyncset.done $0x0  }
0x9e: {  	s9 =	rddreg [dreg:$0x8];
	[sflag:s22] =	ssyncadd.s32 $0xFFFFE800  }
0x9f: {  	[hbm4b:s9+s3] =	stream.linear.scatter [tilespmem:s15], [sflag:$0xF], $0x1800, $0x38;
	[tilespmem:$0xC080] =	vst v63  }
0xa0: {  	_ =	swait.ge [sflag:s23], $0x1800  }
0xa1: {  	[sflag:s23] =	ssyncset.done $0x0  }
0xa2: {  	s9 =	rddreg [dreg:$0x9];
	[sflag:s23] =	ssyncadd.s32 $0xFFFFE800  }
0xa3: {  	[hbm4b:s9+s3] =	stream.linear.scatter [tilespmem:s16], [sflag:$0x10], $0x1800, $0x38;
	[tilespmem:$0xC080] =	vst v63  }
0xa4: {  	_ =	swait.ge [sflag:s24], $0x1800  }
0xa5: {  	[sflag:s24] =	ssyncset.done $0x0  }
0xa6: {  	s9 =	rddreg [dreg:$0xa];
	[sflag:s24] =	ssyncadd.s32 $0xFFFFE800  }
0xa7: {  	[hbm4b:s9+s3] =	stream.linear.scatter [tilespmem:s8], [sflag:$0x11], $0x1800, $0x38;
	[tilespmem:$0xC080] =	vst v63  }
0xa8: {  	_ =	swait.ge [sflag:s25], $0x1800  }
0xa9: {  	[sflag:s25] =	ssyncset.done $0x0  }
0xaa: {  	[sflag:s25] =	ssyncadd.s32 $0xFFFFE800  }
0xab: {  	_ =	swait.ge [sflag:s26], $0x1800  }
0xac: {  	[sflag:s26] =	ssyncset.done $0x0  }
0xad: {  	[sflag:s26] =	ssyncadd.s32 $0xFFFFE800  }
0xae: {  	_ =	swait.ge [sflag:s28], $0x1800  }
0xaf: {  	[sflag:s28] =	ssyncset.done $0x0  }
0xb0: {  	[sflag:s28] =	ssyncadd.s32 $0xFFFFE800  }
0xb1: {  	_ =	swait.ge [sflag:s29], $0x1800  }
0xb2: {  	[sflag:s29] =	ssyncset.done $0x0  }
0xb3: {  	[sflag:s29] =	ssyncadd.s32 $0xFFFFE800  }
0xb4: {  	_ =	swait.ge [sflag:s30], $0x1800  }
0xb5: {  	[sflag:s30] =	ssyncset.done $0x0  }
0xb6: {  	[sflag:s30] =	ssyncadd.s32 $0xFFFFE800  }
0xb7: {  	_ =	swait.ge [sflag:s31], $0x1800  }
0xb8: {  	[sflag:s31] =	ssyncset.done $0x0  }
0xb9: {  	[sflag:s31] =	ssyncadd.s32 $0xFFFFE800  }
0xba: {  	p0 =	sne.s32 s7, $0x1;
	_ =	swait.ge [sflag:s1], $0x1800  }
.Ltmp0:
0xbb: {  	[sflag:s1] =	ssyncset.done $0x0;
	(pc) =	sbr.rel @p0 .LBB2_1-.Ltmp0, $4  }
0xbc: {  	[sflag:s1] =	ssyncadd.s32 $0xFFFFE800  }
0xbd: {  	_ =	swait.ge [sflag:s0], $0x1800  }
0xbe: {  	[sflag:s0] =	ssyncset.done $0x0  }
0xbf: {  	s7 =	sadd.s32 $0xFFFFFFFF, s7;
	[sflag:s0] =	ssyncadd.s32 $0xFFFFE800  }
0xc0: {  	_ =	sfence.sel $0x180000  }
0xc1: {  	[bflag:$0x0] =	sbarrier.arrive $0xFFFF  }
0xc2: {  	_ =	strace $0x90000050  }
0xc3: {  	s0 =	stileid.u32;
	[bflag:$0x2] =	sbarrier.arrive $0xFFFF  }
0xc4: {  	p0 =	sne.s32 s0, $0x0;
	s0 =	rddreg [dreg:$0x2]  }
0xc5: {  	s0 =	sadd.s32 @!p0 $0x100000, s0  }
0xc6: {  	[sflag:s0] =	ssyncadd.tile.s32 @!p0 $0x1;
	_ =	shalt  }
.Lfunc_end2:
_tile_overlayer_lowered:
.L_overlay_start_2:
0xc7: {  	(tag) =	ssettag $0x2  }
0xc8: {  	s0 =	rddreg [dreg:$0x0];
	s2 =	stileid.u32  }
0xc9: {  	s1 =	rddreg [dreg:$0x1];
	p0 =	sne.s32 s2, $0x0  }
0xca: {  	s3 =	rddreg [dreg:$0x2];
	[bflag:$0x3] =	sbarrier.arrive $0xFFFF;
	s2 =	simm.s32 @!p0 $0x1C12  }
0xcb: {  	[timem:s3], [sflag:s2] =	dma.local @!p0 [hbm:s0], s1  }
0xcc: {  	s0 =	simm.s32 @!p0 $0x12  }
0xcd: {  	_ =	swait.ge @!p0 [sflag:s0], s1  }
0xce: {  	s1 =	ssub.s32 @!p0 $0x0, s1;
	[sflag:s0] =	ssyncset.done @!p0 $0x0  }
0xcf: {  	[sflag:s0] =	ssyncadd.s32 @!p0 s1  }
0xd0: {  	[bflag:$0x3] =	sbarrier.arrive $0xFFFF  }
0xd1: {  	_ =	shalt  }

</sc_bundles>
